<compile_context>
chip_gen: v7x
topology: tpu7x:2x2x1
jax: 0.10.2.dev20260603
libtpu: 0.0.44.dev20260713+nightly
codegen_flags: <defaults>
</compile_context>

<pallas_src>
import jax
import jax.numpy as jnp
from jax import lax
from jax.experimental import pallas as pl
from jax.experimental.pallas import tpu as pltpu
from jax.experimental.pallas import tpu_sc as plsc

NLAT_IN, NLON_IN = 361, 720
NLAT_OUT, NLON_OUT = 721, 1440



_CH = 8
_NCHUNK = 90
_NJ = 22
_CROSS_J = (7, 15)


def _sc_row_pair(ibuf, ta, tb, obuf, row_e, iota, iota2, masks):
    mask9, mask8 = masks
    r_e = jnp.full((16,), row_e, jnp.int32)
    r_o = r_e + 1
    va = jnp.full((16,), ta, jnp.int32)
    vb = jnp.full((16,), tb, jnp.int32)
    for j in range(_NJ + 1):
        base = 16 * j
        if j == _NJ:
            col0 = jnp.minimum(base + iota, NLAT_IN - 1)
            col1 = jnp.minimum(base + 1 + iota, NLAT_IN - 1)
            a = plsc.load_gather(ibuf, [va, col0])
            b = plsc.load_gather(ibuf, [vb, col0])
            a1 = plsc.load_gather(ibuf, [va, col1])
            b1 = plsc.load_gather(ibuf, [vb, col1])
        elif j in _CROSS_J:
            a = ibuf[ta, pl.ds(base, 16)]
            b = ibuf[tb, pl.ds(base, 16)]
            col1 = base + 1 + iota
            a1 = plsc.load_gather(ibuf, [va, col1])
            b1 = plsc.load_gather(ibuf, [vb, col1])
        else:
            a = ibuf[ta, pl.ds(base, 16)]
            b = ibuf[tb, pl.ds(base, 16)]
            a1 = ibuf[ta, pl.ds(base + 1, 16)]
            b1 = ibuf[tb, pl.ds(base + 1, 16)]
        e_odd = 0.5 * (a + a1)
        mid = 0.5 * (a + b)
        mid1 = 0.5 * (a1 + b1)
        o_odd = 0.5 * (mid + mid1)
        ce = 2 * base + iota2
        co = ce + 1
        if j < _NJ:
            plsc.store_scatter(obuf, [r_e, ce], a)
            plsc.store_scatter(obuf, [r_e, co], e_odd)
            plsc.store_scatter(obuf, [r_o, ce], mid)
            plsc.store_scatter(obuf, [r_o, co], o_odd)
        else:
            ce = jnp.minimum(ce, NLAT_OUT - 1)
            co = jnp.minimum(co, NLAT_OUT - 1)
            plsc.store_scatter(obuf, [r_e, ce], a, mask=mask9)
            plsc.store_scatter(obuf, [r_e, co], e_odd, mask=mask8)
            plsc.store_scatter(obuf, [r_o, ce], mid, mask=mask9)
            plsc.store_scatter(obuf, [r_o, co], o_odd, mask=mask8)


def _sc_body(x_hbm, y_hbm, in0, in1, out0, out1, si0, si1, so0, so1):
    ch = lax.axis_index("s") * 2 + lax.axis_index("c")
    iota = lax.iota(jnp.int32, 16)
    iota2 = 2 * iota
    masks = (iota < 9, iota < 8)
    ins = (in0, in1)
    outs = (out0, out1)
    sis = (si0, si1)
    sos = (so0, so1)

    def start_in(k, p):
        kk = lax.rem(k, _NCHUNK)
        pltpu.async_copy(
            x_hbm.at[0, ch, pl.ds(_CH * kk, _CH), :],
            ins[p].at[0:_CH, :],
            sis[p],
        )

    def wait_in(p):
        pltpu.make_async_copy(
            x_hbm.at[0, ch, pl.ds(0, _CH), :], ins[p].at[0:_CH, :], sis[p]
        ).wait()

    def start_out(k, p):
        pltpu.async_copy(outs[p], y_hbm.at[0, ch, pl.ds(2 * _CH * k, 2 * _CH), :], sos[p])

    def wait_out(p):
        pltpu.make_async_copy(
            outs[p], y_hbm.at[0, ch, pl.ds(0, 2 * _CH), :], sos[p]
        ).wait()

    start_in(0, 0)
    start_in(1, 1)
    wait_in(0)

    def do_pair(m, carry):
        for p in range(2):
            k = 2 * m + p
            q = 1 - p
            wait_in(q)
            for j in range(_NJ):
                ins[p][_CH, pl.ds(16 * j, 16)] = ins[q][0, pl.ds(16 * j, 16)]
            tail_col = jnp.minimum(16 * _NJ + iota, NLAT_IN - 1)
            vzero = jnp.zeros((16,), jnp.int32)
            tail_v = plsc.load_gather(ins[q], [vzero, tail_col])
            plsc.store_scatter(
                ins[p], [jnp.full((16,), _CH, jnp.int32), tail_col], tail_v, mask=masks[0]
            )

            @pl.when(m >= 1)
            def _wait_prev(p=p):
                wait_out(p)

            def tbody(t, c, p=p):
                _sc_row_pair(ins[p], t, t + 1, outs[p], 2 * t, iota, iota2, masks)
                return c

            lax.fori_loop(0, _CH, tbody, 0)
            start_out(k, p)

            @pl.when(k + 2 <= _NCHUNK)
            def _prefetch(k=k, p=p):
                start_in(k + 2, p)

        return carry

    lax.fori_loop(0, _NCHUNK // 2, do_pair, 0)
    wait_out(0)
    wait_out(1)


def _sc_kernel_t(xt):
    nb, nc = xt.shape[0], xt.shape[1]
    f = pl.kernel(
        _sc_body,
        out_type=jax.ShapeDtypeStruct((nb, nc, NLON_OUT, NLAT_OUT), xt.dtype),
        mesh=plsc.VectorSubcoreMesh(core_axis_name="c", subcore_axis_name="s"),
        compiler_params=pltpu.CompilerParams(needs_layout_passes=False),
        scratch_types=[
            pltpu.VMEM((_CH + 1, NLAT_IN), jnp.float32),
            pltpu.VMEM((_CH + 1, NLAT_IN), jnp.float32),
            pltpu.VMEM((2 * _CH, NLAT_OUT), jnp.float32),
            pltpu.VMEM((2 * _CH, NLAT_OUT), jnp.float32),
            pltpu.SemaphoreType.DMA,
            pltpu.SemaphoreType.DMA,
            pltpu.SemaphoreType.DMA,
            pltpu.SemaphoreType.DMA,
        ],
    )
    return f(xt)


def kernel(x):
    xt = jnp.swapaxes(x, 2, 3)
    yt = _sc_kernel_t(xt)
    return jnp.swapaxes(yt, 2, 3)

# --- scband reference (transcript-rebuilt; emitter-appended) ---
"""Pipeline reference for scband-resample-s2-18846316495555 (READ-ONLY COPY).

The authoritative reference and input builder live on the scoring server;
editing this copy changes nothing except your own understanding.
"""

import jax, jax.numpy as jnp
import numpy as np
import math

NLAT_IN, NLON_IN = 361, 720
NLAT_OUT, NLON_OUT = 721, 1440

def _precompute_latitudes(nlat):
    # equiangular grid (clenshaw-curtiss nodes): colatitudes in [0, pi] inclusive
    return np.linspace(0.0, math.pi, nlat, endpoint=True)

def _make_buffers():
    lats_in = _precompute_latitudes(NLAT_IN)
    lons_in = np.linspace(0.0, 2.0 * math.pi, NLON_IN, endpoint=False)
    lats_out = _precompute_latitudes(NLAT_OUT)
    lons_out = np.linspace(0.0, 2.0 * math.pi, NLON_OUT, endpoint=False)

    lat_idx = np.searchsorted(lats_in, lats_out, side='right') - 1
    lat_idx = np.where(lats_out == lats_in[-1], lat_idx - 1, lat_idx)
    lat_weights = ((lats_out - lats_in[lat_idx]) / np.diff(lats_in)[lat_idx]).astype(np.float32)

    lon_idx_left = np.searchsorted(lons_in, lons_out, side='right') - 1
    lon_idx_right = np.where(lons_out >= lons_in[-1], np.zeros_like(lon_idx_left), lon_idx_left + 1)
    diff = lons_in[lon_idx_right] - lons_in[lon_idx_left]
    diff = np.where(diff < 0.0, diff + 2.0 * math.pi, diff)
    lon_weights = ((lons_out - lons_in[lon_idx_left]) / diff).astype(np.float32)

    return (jnp.asarray(lat_idx.astype(np.int32)),
            jnp.asarray(lat_weights)[:, None],
            jnp.asarray(lon_idx_left.astype(np.int32)),
            jnp.asarray(lon_idx_right.astype(np.int32)),
            jnp.asarray(lon_weights))

_LAT_IDX, _LAT_W, _LON_L, _LON_R, _LON_W = _make_buffers()

def setup_inputs(seed: int = 0) -> dict:
    key = jax.random.key(seed)
    x = jax.random.normal(key, (1, 32, NLAT_IN, NLON_IN), dtype=jnp.float32)
    return {"x": x}

def reference(x):
    # upscale latitudes: lerp along the lat axis (axis=-2)
    xl = x[..., _LAT_IDX, :]
    xr = x[..., _LAT_IDX + 1, :]
    x = xl + _LAT_W * (xr - xl)
    # upscale longitudes: lerp along the lon axis (axis=-1), periodic wrap
    xl = x[..., _LON_L]
    xr = x[..., _LON_R]
    x = xl + _LON_W * (xr - xl)
    return x

if __name__ == "__main__":
    import jax
    _d = setup_inputs()
    print(jax.jit(kernel)(*tuple(_d.values())))

</pallas_src>

<mosaic_0001>
#map = affine_map<(d0, d1) -> (0, 0, 0, 0)>
module attributes {stable_mosaic.version = 14 : i64} {
  func.func @_sc_body(%arg0: i32, %arg1: i32, %arg2: memref<1x32x720x361xf32, #tpu.memory_space<hbm>>, %arg3: memref<1x32x1440x721xf32, #tpu.memory_space<hbm>>, %arg4: memref<9x361xf32, #tpu.memory_space<vmem>>, %arg5: memref<9x361xf32, #tpu.memory_space<vmem>>, %arg6: memref<16x721xf32, #tpu.memory_space<vmem>>, %arg7: memref<16x721xf32, #tpu.memory_space<vmem>>, %arg8: memref<!tpu.dma_semaphore, #tpu.memory_space<semaphore_mem>>, %arg9: memref<!tpu.dma_semaphore, #tpu.memory_space<semaphore_mem>>, %arg10: memref<!tpu.dma_semaphore, #tpu.memory_space<semaphore_mem>>, %arg11: memref<!tpu.dma_semaphore, #tpu.memory_space<semaphore_mem>>) attributes {dimension_semantics = [#tpu.dimension_semantics<core_parallel>, #tpu.dimension_semantics<subcore_parallel>], iteration_bounds = array<i64: 2, 16>, scalar_prefetch = 0 : i64, scratch_operands = 8 : i64, tpu.core_type = #tpu.core_type<sc_vector_subcore>, window_params = [{transform_indices = #map}, {transform_indices = #map}]} {
    %mul3A = arith.constant 2 : i32
    %mul3A_0 = arith.muli %arg1, %mul3A : i32
    %add3A = arith.addi %mul3A_0, %arg0 : i32
    %iota3A = tpu.iota {dimensions = array<i32: 0>} : vector<16xi32>
    %mul3A_1 = arith.constant 2 : i32
    %mul3A_2 = vector.broadcast %mul3A_1 : i32 to vector<16xi32>
    %mul3A_3 = arith.muli %mul3A_2, %iota3A : vector<16xi32>
    %lt3A = arith.constant 9 : i32
    %lt3A_4 = vector.broadcast %lt3A : i32 to vector<16xi32>
    %lt3A_5 = arith.cmpi slt, %iota3A, %lt3A_4 : vector<16xi32>
    %lt3A_6 = arith.constant 8 : i32
    %lt3A_7 = vector.broadcast %lt3A_6 : i32 to vector<16xi32>
    %lt3A_8 = arith.cmpi slt, %iota3A, %lt3A_7 : vector<16xi32>
    %rem3A = arith.constant 0 : i32
    %rem3A_9 = arith.constant 90 : i32
    %rem3A_10 = arith.remsi %rem3A, %rem3A_9 : i32
    %mul3A_11 = arith.constant 8 : i32
    %mul3A_12 = arith.muli %mul3A_11, %rem3A_10 : i32
    %dma_start3A = arith.constant 0 : i32
    %dma_start3A_13 = arith.constant 0 : i32
    %dma_start3A_14 = arith.constant 0 : i32
    %dma_start3A_15 = tpu.memref_slice %arg4[%dma_start3A_13, %dma_start3A_14] : memref<9x361xf32, #tpu.memory_space<vmem>> -> memref<8x361xf32, #tpu.memory_space<vmem>>
    %dma_start3A_16 = arith.constant 0 : i32
    %dma_start3A_17 = tpu.memref_slice %arg2[%dma_start3A, %add3A, %mul3A_12, %dma_start3A_16] : memref<1x32x720x361xf32, #tpu.memory_space<hbm>> -> memref<1x1x8x361xf32, #tpu.memory_space<hbm>>
    %dma_start3A_18 = tpu.memref_squeeze %dma_start3A_17 : memref<1x1x8x361xf32, #tpu.memory_space<hbm>> -> memref<8x361xf32, #tpu.memory_space<hbm>>
    %dma_start3A_19 = arith.constant 0 : i32
    %dma_start3A_20 = arith.constant 0 : i32
    %dma_start3A_21 = tpu.memref_slice %arg4[%dma_start3A_19, %dma_start3A_20] : memref<9x361xf32, #tpu.memory_space<vmem>> -> memref<8x361xf32, #tpu.memory_space<vmem>>
    %dma_start3A_22 = arith.constant 0 : i32
    %dma_start3A_23 = tpu.memref_slice %arg2[%dma_start3A, %add3A, %mul3A_12, %dma_start3A_22] : memref<1x32x720x361xf32, #tpu.memory_space<hbm>> -> memref<1x1x8x361xf32, #tpu.memory_space<hbm>>
    %dma_start3A_24 = tpu.memref_squeeze %dma_start3A_23 : memref<1x1x8x361xf32, #tpu.memory_space<hbm>> -> memref<8x361xf32, #tpu.memory_space<hbm>>
    tpu.enqueue_dma source(%dma_start3A_24 : memref<8x361xf32, #tpu.memory_space<hbm>>) target(%dma_start3A_21 : memref<8x361xf32, #tpu.memory_space<vmem>>) target_semaphore(%arg8 : memref<!tpu.dma_semaphore, #tpu.memory_space<semaphore_mem>>)
    %rem3A_25 = arith.constant 1 : i32
    %rem3A_26 = arith.constant 90 : i32
    %rem3A_27 = arith.remsi %rem3A_25, %rem3A_26 : i32
    %mul3A_28 = arith.constant 8 : i32
    %mul3A_29 = arith.muli %mul3A_28, %rem3A_27 : i32
    %dma_start3A_30 = arith.constant 0 : i32
    %dma_start3A_31 = arith.constant 0 : i32
    %dma_start3A_32 = arith.constant 0 : i32
    %dma_start3A_33 = tpu.memref_slice %arg5[%dma_start3A_31, %dma_start3A_32] : memref<9x361xf32, #tpu.memory_space<vmem>> -> memref<8x361xf32, #tpu.memory_space<vmem>>
    %dma_start3A_34 = arith.constant 0 : i32
    %dma_start3A_35 = tpu.memref_slice %arg2[%dma_start3A_30, %add3A, %mul3A_29, %dma_start3A_34] : memref<1x32x720x361xf32, #tpu.memory_space<hbm>> -> memref<1x1x8x361xf32, #tpu.memory_space<hbm>>
    %dma_start3A_36 = tpu.memref_squeeze %dma_start3A_35 : memref<1x1x8x361xf32, #tpu.memory_space<hbm>> -> memref<8x361xf32, #tpu.memory_space<hbm>>
    %dma_start3A_37 = arith.constant 0 : i32
    %dma_start3A_38 = arith.constant 0 : i32
    %dma_start3A_39 = tpu.memref_slice %arg5[%dma_start3A_37, %dma_start3A_38] : memref<9x361xf32, #tpu.memory_space<vmem>> -> memref<8x361xf32, #tpu.memory_space<vmem>>
    %dma_start3A_40 = arith.constant 0 : i32
    %dma_start3A_41 = tpu.memref_slice %arg2[%dma_start3A_30, %add3A, %mul3A_29, %dma_start3A_40] : memref<1x32x720x361xf32, #tpu.memory_space<hbm>> -> memref<1x1x8x361xf32, #tpu.memory_space<hbm>>
    %dma_start3A_42 = tpu.memref_squeeze %dma_start3A_41 : memref<1x1x8x361xf32, #tpu.memory_space<hbm>> -> memref<8x361xf32, #tpu.memory_space<hbm>>
    tpu.enqueue_dma source(%dma_start3A_42 : memref<8x361xf32, #tpu.memory_space<hbm>>) target(%dma_start3A_39 : memref<8x361xf32, #tpu.memory_space<vmem>>) target_semaphore(%arg9 : memref<!tpu.dma_semaphore, #tpu.memory_space<semaphore_mem>>)
    %dma_wait3A = arith.constant 0 : i32
    %dma_wait3A_43 = arith.constant 0 : i32
    %dma_wait3A_44 = arith.constant 0 : i32
    %dma_wait3A_45 = tpu.memref_slice %arg4[%dma_wait3A_43, %dma_wait3A_44] : memref<9x361xf32, #tpu.memory_space<vmem>> -> memref<8x361xf32, #tpu.memory_space<vmem>>
    %dma_wait3A_46 = arith.constant 0 : i32
    %dma_wait3A_47 = arith.constant 0 : i32
    %dma_wait3A_48 = tpu.memref_slice %arg2[%dma_wait3A, %add3A, %dma_wait3A_46, %dma_wait3A_47] : memref<1x32x720x361xf32, #tpu.memory_space<hbm>> -> memref<1x1x8x361xf32, #tpu.memory_space<hbm>>
    %dma_wait3A_49 = tpu.memref_squeeze %dma_wait3A_48 : memref<1x1x8x361xf32, #tpu.memory_space<hbm>> -> memref<8x361xf32, #tpu.memory_space<hbm>>
    %dma_wait3A_50 = arith.constant 0 : i32
    %dma_wait3A_51 = arith.constant 0 : i32
    %dma_wait3A_52 = tpu.memref_slice %arg4[%dma_wait3A_50, %dma_wait3A_51] : memref<9x361xf32, #tpu.memory_space<vmem>> -> memref<8x361xf32, #tpu.memory_space<vmem>>
    %dma_wait3A_53 = arith.constant 0 : i32
    %dma_wait3A_54 = arith.constant 0 : i32
    %dma_wait3A_55 = tpu.memref_slice %arg2[%dma_wait3A, %add3A, %dma_wait3A_53, %dma_wait3A_54] : memref<1x32x720x361xf32, #tpu.memory_space<hbm>> -> memref<1x1x8x361xf32, #tpu.memory_space<hbm>>
    %dma_wait3A_56 = tpu.memref_squeeze %dma_wait3A_55 : memref<1x1x8x361xf32, #tpu.memory_space<hbm>> -> memref<8x361xf32, #tpu.memory_space<hbm>>
    tpu.wait_dma2 semaphore(%arg8 : memref<!tpu.dma_semaphore, #tpu.memory_space<semaphore_mem>>) src(%dma_wait3A_56 : memref<8x361xf32, #tpu.memory_space<hbm>>) dst(%dma_wait3A_52 : memref<8x361xf32, #tpu.memory_space<vmem>>)
    %scan3A = arith.constant 0 : i32
    %scan3A_57 = arith.constant 0 : i32
    %scan3A_58 = arith.constant 45 : i32
    %scan3A_59 = arith.addi %scan3A_57, %scan3A_58 : i32
    %scan3A_60 = arith.constant 1 : i32
    scf.for %scan3A_80 = %scan3A_57 to %scan3A_59 step %scan3A_60  : i32 {
      %mul3A_81 = arith.constant 2 : i32
      %mul3A_82 = arith.muli %mul3A_81, %scan3A_80 : i32
      %add3A_83 = arith.constant 0 : i32
      %add3A_84 = arith.addi %mul3A_82, %add3A_83 : i32
      %dma_wait3A_85 = arith.constant 0 : i32
      %dma_wait3A_86 = arith.constant 0 : i32
      %dma_wait3A_87 = arith.constant 0 : i32
      %dma_wait3A_88 = tpu.memref_slice %arg5[%dma_wait3A_86, %dma_wait3A_87] : memref<9x361xf32, #tpu.memory_space<vmem>> -> memref<8x361xf32, #tpu.memory_space<vmem>>
      %dma_wait3A_89 = arith.constant 0 : i32
      %dma_wait3A_90 = arith.constant 0 : i32
      %dma_wait3A_91 = tpu.memref_slice %arg2[%dma_wait3A_85, %add3A, %dma_wait3A_89, %dma_wait3A_90] : memref<1x32x720x361xf32, #tpu.memory_space<hbm>> -> memref<1x1x8x361xf32, #tpu.memory_space<hbm>>
      %dma_wait3A_92 = tpu.memref_squeeze %dma_wait3A_91 : memref<1x1x8x361xf32, #tpu.memory_space<hbm>> -> memref<8x361xf32, #tpu.memory_space<hbm>>
      %dma_wait3A_93 = arith.constant 0 : i32
      %dma_wait3A_94 = arith.constant 0 : i32
      %dma_wait3A_95 = tpu.memref_slice %arg5[%dma_wait3A_93, %dma_wait3A_94] : memref<9x361xf32, #tpu.memory_space<vmem>> -> memref<8x361xf32, #tpu.memory_space<vmem>>
      %dma_wait3A_96 = arith.constant 0 : i32
      %dma_wait3A_97 = arith.constant 0 : i32
      %dma_wait3A_98 = tpu.memref_slice %arg2[%dma_wait3A_85, %add3A, %dma_wait3A_96, %dma_wait3A_97] : memref<1x32x720x361xf32, #tpu.memory_space<hbm>> -> memref<1x1x8x361xf32, #tpu.memory_space<hbm>>
      %dma_wait3A_99 = tpu.memref_squeeze %dma_wait3A_98 : memref<1x1x8x361xf32, #tpu.memory_space<hbm>> -> memref<8x361xf32, #tpu.memory_space<hbm>>
      tpu.wait_dma2 semaphore(%arg9 : memref<!tpu.dma_semaphore, #tpu.memory_space<semaphore_mem>>) src(%dma_wait3A_99 : memref<8x361xf32, #tpu.memory_space<hbm>>) dst(%dma_wait3A_95 : memref<8x361xf32, #tpu.memory_space<vmem>>)
      %get3A = arith.constant 0 : i32
      %get3A_100 = arith.index_cast %get3A : i32 to index
      %get3A_101 = arith.constant 0 : index
      %get3A_102 = tpu.vector_load %arg5[%get3A_100, %get3A_101] {strides = array<i32>} : memref<9x361xf32, #tpu.memory_space<vmem>>, vector<16xf32>,
      %swap3A = arith.constant 8 : i32
      %swap3A_103 = arith.index_cast %swap3A : i32 to index
      %swap3A_104 = arith.constant 0 : index
      %swap3A_105 = tpu.vector_load %arg4[%swap3A_103, %swap3A_104] {strides = array<i32>} : memref<9x361xf32, #tpu.memory_space<vmem>>, vector<16xf32>,
      tpu.vector_store %arg4[%swap3A_103, %swap3A_104], %get3A_102 {strides = array<i32>} : memref<9x361xf32, #tpu.memory_space<vmem>>, vector<16xf32>,
      %get3A_106 = arith.constant 0 : i32
      %get3A_107 = arith.index_cast %get3A_106 : i32 to index
      %get3A_108 = arith.constant 16 : index
      %get3A_109 = tpu.vector_load %arg5[%get3A_107, %get3A_108] {strides = array<i32>} : memref<9x361xf32, #tpu.memory_space<vmem>>, vector<16xf32>,
      %swap3A_110 = arith.constant 8 : i32
      %swap3A_111 = arith.index_cast %swap3A_110 : i32 to index
      %swap3A_112 = arith.constant 16 : index
      %swap3A_113 = tpu.vector_load %arg4[%swap3A_111, %swap3A_112] {strides = array<i32>} : memref<9x361xf32, #tpu.memory_space<vmem>>, vector<16xf32>,
      tpu.vector_store %arg4[%swap3A_111, %swap3A_112], %get3A_109 {strides = array<i32>} : memref<9x361xf32, #tpu.memory_space<vmem>>, vector<16xf32>,
      %get3A_114 = arith.constant 0 : i32
      %get3A_115 = arith.index_cast %get3A_114 : i32 to index
      %get3A_116 = arith.constant 32 : index
      %get3A_117 = tpu.vector_load %arg5[%get3A_115, %get3A_116] {strides = array<i32>} : memref<9x361xf32, #tpu.memory_space<vmem>>, vector<16xf32>,
      %swap3A_118 = arith.constant 8 : i32
      %swap3A_119 = arith.index_cast %swap3A_118 : i32 to index
      %swap3A_120 = arith.constant 32 : index
      %swap3A_121 = tpu.vector_load %arg4[%swap3A_119, %swap3A_120] {strides = array<i32>} : memref<9x361xf32, #tpu.memory_space<vmem>>, vector<16xf32>,
      tpu.vector_store %arg4[%swap3A_119, %swap3A_120], %get3A_117 {strides = array<i32>} : memref<9x361xf32, #tpu.memory_space<vmem>>, vector<16xf32>,
      %get3A_122 = arith.constant 0 : i32
      %get3A_123 = arith.index_cast %get3A_122 : i32 to index
      %get3A_124 = arith.constant 48 : index
      %get3A_125 = tpu.vector_load %arg5[%get3A_123, %get3A_124] {strides = array<i32>} : memref<9x361xf32, #tpu.memory_space<vmem>>, vector<16xf32>,
      %swap3A_126 = arith.constant 8 : i32
      %swap3A_127 = arith.index_cast %swap3A_126 : i32 to index
      %swap3A_128 = arith.constant 48 : index
      %swap3A_129 = tpu.vector_load %arg4[%swap3A_127, %swap3A_128] {strides = array<i32>} : memref<9x361xf32, #tpu.memory_space<vmem>>, vector<16xf32>,
      tpu.vector_store %arg4[%swap3A_127, %swap3A_128], %get3A_125 {strides = array<i32>} : memref<9x361xf32, #tpu.memory_space<vmem>>, vector<16xf32>,
      %get3A_130 = arith.constant 0 : i32
      %get3A_131 = arith.index_cast %get3A_130 : i32 to index
      %get3A_132 = arith.constant 64 : index
      %get3A_133 = tpu.vector_load %arg5[%get3A_131, %get3A_132] {strides = array<i32>} : memref<9x361xf32, #tpu.memory_space<vmem>>, vector<16xf32>,
      %swap3A_134 = arith.constant 8 : i32
      %swap3A_135 = arith.index_cast %swap3A_134 : i32 to index
      %swap3A_136 = arith.constant 64 : index
      %swap3A_137 = tpu.vector_load %arg4[%swap3A_135, %swap3A_136] {strides = array<i32>} : memref<9x361xf32, #tpu.memory_space<vmem>>, vector<16xf32>,
      tpu.vector_store %arg4[%swap3A_135, %swap3A_136], %get3A_133 {strides = array<i32>} : memref<9x361xf32, #tpu.memory_space<vmem>>, vector<16xf32>,
      %get3A_138 = arith.constant 0 : i32
      %get3A_139 = arith.index_cast %get3A_138 : i32 to index
      %get3A_140 = arith.constant 80 : index
      %get3A_141 = tpu.vector_load %arg5[%get3A_139, %get3A_140] {strides = array<i32>} : memref<9x361xf32, #tpu.memory_space<vmem>>, vector<16xf32>,
      %swap3A_142 = arith.constant 8 : i32
      %swap3A_143 = arith.index_cast %swap3A_142 : i32 to index
      %swap3A_144 = arith.constant 80 : index
      %swap3A_145 = tpu.vector_load %arg4[%swap3A_143, %swap3A_144] {strides = array<i32>} : memref<9x361xf32, #tpu.memory_space<vmem>>, vector<16xf32>,
      tpu.vector_store %arg4[%swap3A_143, %swap3A_144], %get3A_141 {strides = array<i32>} : memref<9x361xf32, #tpu.memory_space<vmem>>, vector<16xf32>,
      %get3A_146 = arith.constant 0 : i32
      %get3A_147 = arith.index_cast %get3A_146 : i32 to index
      %get3A_148 = arith.constant 96 : index
      %get3A_149 = tpu.vector_load %arg5[%get3A_147, %get3A_148] {strides = array<i32>} : memref<9x361xf32, #tpu.memory_space<vmem>>, vector<16xf32>,
      %swap3A_150 = arith.constant 8 : i32
      %swap3A_151 = arith.index_cast %swap3A_150 : i32 to index
      %swap3A_152 = arith.constant 96 : index
      %swap3A_153 = tpu.vector_load %arg4[%swap3A_151, %swap3A_152] {strides = array<i32>} : memref<9x361xf32, #tpu.memory_space<vmem>>, vector<16xf32>,
      tpu.vector_store %arg4[%swap3A_151, %swap3A_152], %get3A_149 {strides = array<i32>} : memref<9x361xf32, #tpu.memory_space<vmem>>, vector<16xf32>,
      %get3A_154 = arith.constant 0 : i32
      %get3A_155 = arith.index_cast %get3A_154 : i32 to index
      %get3A_156 = arith.constant 112 : index
      %get3A_157 = tpu.vector_load %arg5[%get3A_155, %get3A_156] {strides = array<i32>} : memref<9x361xf32, #tpu.memory_space<vmem>>, vector<16xf32>,
      %swap3A_158 = arith.constant 8 : i32
      %swap3A_159 = arith.index_cast %swap3A_158 : i32 to index
      %swap3A_160 = arith.constant 112 : index
      %swap3A_161 = tpu.vector_load %arg4[%swap3A_159, %swap3A_160] {strides = array<i32>} : memref<9x361xf32, #tpu.memory_space<vmem>>, vector<16xf32>,
      tpu.vector_store %arg4[%swap3A_159, %swap3A_160], %get3A_157 {strides = array<i32>} : memref<9x361xf32, #tpu.memory_space<vmem>>, vector<16xf32>,
      %get3A_162 = arith.constant 0 : i32
      %get3A_163 = arith.index_cast %get3A_162 : i32 to index
      %get3A_164 = arith.constant 128 : index
      %get3A_165 = tpu.vector_load %arg5[%get3A_163, %get3A_164] {strides = array<i32>} : memref<9x361xf32, #tpu.memory_space<vmem>>, vector<16xf32>,
      %swap3A_166 = arith.constant 8 : i32
      %swap3A_167 = arith.index_cast %swap3A_166 : i32 to index
      %swap3A_168 = arith.constant 128 : index
      %swap3A_169 = tpu.vector_load %arg4[%swap3A_167, %swap3A_168] {strides = array<i32>} : memref<9x361xf32, #tpu.memory_space<vmem>>, vector<16xf32>,
      tpu.vector_store %arg4[%swap3A_167, %swap3A_168], %get3A_165 {strides = array<i32>} : memref<9x361xf32, #tpu.memory_space<vmem>>, vector<16xf32>,
      %get3A_170 = arith.constant 0 : i32
      %get3A_171 = arith.index_cast %get3A_170 : i32 to index
      %get3A_172 = arith.constant 144 : index
      %get3A_173 = tpu.vector_load %arg5[%get3A_171, %get3A_172] {strides = array<i32>} : memref<9x361xf32, #tpu.memory_space<vmem>>, vector<16xf32>,
      %swap3A_174 = arith.constant 8 : i32
      %swap3A_175 = arith.index_cast %swap3A_174 : i32 to index
      %swap3A_176 = arith.constant 144 : index
      %swap3A_177 = tpu.vector_load %arg4[%swap3A_175, %swap3A_176] {strides = array<i32>} : memref<9x361xf32, #tpu.memory_space<vmem>>, vector<16xf32>,
      tpu.vector_store %arg4[%swap3A_175, %swap3A_176], %get3A_173 {strides = array<i32>} : memref<9x361xf32, #tpu.memory_space<vmem>>, vector<16xf32>,
      %get3A_178 = arith.constant 0 : i32
      %get3A_179 = arith.index_cast %get3A_178 : i32 to index
      %get3A_180 = arith.constant 160 : index
      %get3A_181 = tpu.vector_load %arg5[%get3A_179, %get3A_180] {strides = array<i32>} : memref<9x361xf32, #tpu.memory_space<vmem>>, vector<16xf32>,
      %swap3A_182 = arith.constant 8 : i32
      %swap3A_183 = arith.index_cast %swap3A_182 : i32 to index
      %swap3A_184 = arith.constant 160 : index
      %swap3A_185 = tpu.vector_load %arg4[%swap3A_183, %swap3A_184] {strides = array<i32>} : memref<9x361xf32, #tpu.memory_space<vmem>>, vector<16xf32>,
      tpu.vector_store %arg4[%swap3A_183, %swap3A_184], %get3A_181 {strides = array<i32>} : memref<9x361xf32, #tpu.memory_space<vmem>>, vector<16xf32>,
      %get3A_186 = arith.constant 0 : i32
      %get3A_187 = arith.index_cast %get3A_186 : i32 to index
      %get3A_188 = arith.constant 176 : index
      %get3A_189 = tpu.vector_load %arg5[%get3A_187, %get3A_188] {strides = array<i32>} : memref<9x361xf32, #tpu.memory_space<vmem>>, vector<16xf32>,
      %swap3A_190 = arith.constant 8 : i32
      %swap3A_191 = arith.index_cast %swap3A_190 : i32 to index
      %swap3A_192 = arith.constant 176 : index
      %swap3A_193 = tpu.vector_load %arg4[%swap3A_191, %swap3A_192] {strides = array<i32>} : memref<9x361xf32, #tpu.memory_space<vmem>>, vector<16xf32>,
      tpu.vector_store %arg4[%swap3A_191, %swap3A_192], %get3A_189 {strides = array<i32>} : memref<9x361xf32, #tpu.memory_space<vmem>>, vector<16xf32>,
      %get3A_194 = arith.constant 0 : i32
      %get3A_195 = arith.index_cast %get3A_194 : i32 to index
      %get3A_196 = arith.constant 192 : index
      %get3A_197 = tpu.vector_load %arg5[%get3A_195, %get3A_196] {strides = array<i32>} : memref<9x361xf32, #tpu.memory_space<vmem>>, vector<16xf32>,
      %swap3A_198 = arith.constant 8 : i32
      %swap3A_199 = arith.index_cast %swap3A_198 : i32 to index
      %swap3A_200 = arith.constant 192 : index
      %swap3A_201 = tpu.vector_load %arg4[%swap3A_199, %swap3A_200] {strides = array<i32>} : memref<9x361xf32, #tpu.memory_space<vmem>>, vector<16xf32>,
      tpu.vector_store %arg4[%swap3A_199, %swap3A_200], %get3A_197 {strides = array<i32>} : memref<9x361xf32, #tpu.memory_space<vmem>>, vector<16xf32>,
      %get3A_202 = arith.constant 0 : i32
      %get3A_203 = arith.index_cast %get3A_202 : i32 to index
      %get3A_204 = arith.constant 208 : index
      %get3A_205 = tpu.vector_load %arg5[%get3A_203, %get3A_204] {strides = array<i32>} : memref<9x361xf32, #tpu.memory_space<vmem>>, vector<16xf32>,
      %swap3A_206 = arith.constant 8 : i32
      %swap3A_207 = arith.index_cast %swap3A_206 : i32 to index
      %swap3A_208 = arith.constant 208 : index
      %swap3A_209 = tpu.vector_load %arg4[%swap3A_207, %swap3A_208] {strides = array<i32>} : memref<9x361xf32, #tpu.memory_space<vmem>>, vector<16xf32>,
      tpu.vector_store %arg4[%swap3A_207, %swap3A_208], %get3A_205 {strides = array<i32>} : memref<9x361xf32, #tpu.memory_space<vmem>>, vector<16xf32>,
      %get3A_210 = arith.constant 0 : i32
      %get3A_211 = arith.index_cast %get3A_210 : i32 to index
      %get3A_212 = arith.constant 224 : index
      %get3A_213 = tpu.vector_load %arg5[%get3A_211, %get3A_212] {strides = array<i32>} : memref<9x361xf32, #tpu.memory_space<vmem>>, vector<16xf32>,
      %swap3A_214 = arith.constant 8 : i32
      %swap3A_215 = arith.index_cast %swap3A_214 : i32 to index
      %swap3A_216 = arith.constant 224 : index
      %swap3A_217 = tpu.vector_load %arg4[%swap3A_215, %swap3A_216] {strides = array<i32>} : memref<9x361xf32, #tpu.memory_space<vmem>>, vector<16xf32>,
      tpu.vector_store %arg4[%swap3A_215, %swap3A_216], %get3A_213 {strides = array<i32>} : memref<9x361xf32, #tpu.memory_space<vmem>>, vector<16xf32>,
      %get3A_218 = arith.constant 0 : i32
      %get3A_219 = arith.index_cast %get3A_218 : i32 to index
      %get3A_220 = arith.constant 240 : index
      %get3A_221 = tpu.vector_load %arg5[%get3A_219, %get3A_220] {strides = array<i32>} : memref<9x361xf32, #tpu.memory_space<vmem>>, vector<16xf32>,
      %swap3A_222 = arith.constant 8 : i32
      %swap3A_223 = arith.index_cast %swap3A_222 : i32 to index
      %swap3A_224 = arith.constant 240 : index
      %swap3A_225 = tpu.vector_load %arg4[%swap3A_223, %swap3A_224] {strides = array<i32>} : memref<9x361xf32, #tpu.memory_space<vmem>>, vector<16xf32>,
      tpu.vector_store %arg4[%swap3A_223, %swap3A_224], %get3A_221 {strides = array<i32>} : memref<9x361xf32, #tpu.memory_space<vmem>>, vector<16xf32>,
      %get3A_226 = arith.constant 0 : i32
      %get3A_227 = arith.index_cast %get3A_226 : i32 to index
      %get3A_228 = arith.constant 256 : index
      %get3A_229 = tpu.vector_load %arg5[%get3A_227, %get3A_228] {strides = array<i32>} : memref<9x361xf32, #tpu.memory_space<vmem>>, vector<16xf32>,
      %swap3A_230 = arith.constant 8 : i32
      %swap3A_231 = arith.index_cast %swap3A_230 : i32 to index
      %swap3A_232 = arith.constant 256 : index
      %swap3A_233 = tpu.vector_load %arg4[%swap3A_231, %swap3A_232] {strides = array<i32>} : memref<9x361xf32, #tpu.memory_space<vmem>>, vector<16xf32>,
      tpu.vector_store %arg4[%swap3A_231, %swap3A_232], %get3A_229 {strides = array<i32>} : memref<9x361xf32, #tpu.memory_space<vmem>>, vector<16xf32>,
      %get3A_234 = arith.constant 0 : i32
      %get3A_235 = arith.index_cast %get3A_234 : i32 to index
      %get3A_236 = arith.constant 272 : index
      %get3A_237 = tpu.vector_load %arg5[%get3A_235, %get3A_236] {strides = array<i32>} : memref<9x361xf32, #tpu.memory_space<vmem>>, vector<16xf32>,
      %swap3A_238 = arith.constant 8 : i32
      %swap3A_239 = arith.index_cast %swap3A_238 : i32 to index
      %swap3A_240 = arith.constant 272 : index
      %swap3A_241 = tpu.vector_load %arg4[%swap3A_239, %swap3A_240] {strides = array<i32>} : memref<9x361xf32, #tpu.memory_space<vmem>>, vector<16xf32>,
      tpu.vector_store %arg4[%swap3A_239, %swap3A_240], %get3A_237 {strides = array<i32>} : memref<9x361xf32, #tpu.memory_space<vmem>>, vector<16xf32>,
      %get3A_242 = arith.constant 0 : i32
      %get3A_243 = arith.index_cast %get3A_242 : i32 to index
      %get3A_244 = arith.constant 288 : index
      %get3A_245 = tpu.vector_load %arg5[%get3A_243, %get3A_244] {strides = array<i32>} : memref<9x361xf32, #tpu.memory_space<vmem>>, vector<16xf32>,
      %swap3A_246 = arith.constant 8 : i32
      %swap3A_247 = arith.index_cast %swap3A_246 : i32 to index
      %swap3A_248 = arith.constant 288 : index
      %swap3A_249 = tpu.vector_load %arg4[%swap3A_247, %swap3A_248] {strides = array<i32>} : memref<9x361xf32, #tpu.memory_space<vmem>>, vector<16xf32>,
      tpu.vector_store %arg4[%swap3A_247, %swap3A_248], %get3A_245 {strides = array<i32>} : memref<9x361xf32, #tpu.memory_space<vmem>>, vector<16xf32>,
      %get3A_250 = arith.constant 0 : i32
      %get3A_251 = arith.index_cast %get3A_250 : i32 to index
      %get3A_252 = arith.constant 304 : index
      %get3A_253 = tpu.vector_load %arg5[%get3A_251, %get3A_252] {strides = array<i32>} : memref<9x361xf32, #tpu.memory_space<vmem>>, vector<16xf32>,
      %swap3A_254 = arith.constant 8 : i32
      %swap3A_255 = arith.index_cast %swap3A_254 : i32 to index
      %swap3A_256 = arith.constant 304 : index
      %swap3A_257 = tpu.vector_load %arg4[%swap3A_255, %swap3A_256] {strides = array<i32>} : memref<9x361xf32, #tpu.memory_space<vmem>>, vector<16xf32>,
      tpu.vector_store %arg4[%swap3A_255, %swap3A_256], %get3A_253 {strides = array<i32>} : memref<9x361xf32, #tpu.memory_space<vmem>>, vector<16xf32>,
      %get3A_258 = arith.constant 0 : i32
      %get3A_259 = arith.index_cast %get3A_258 : i32 to index
      %get3A_260 = arith.constant 320 : index
      %get3A_261 = tpu.vector_load %arg5[%get3A_259, %get3A_260] {strides = array<i32>} : memref<9x361xf32, #tpu.memory_space<vmem>>, vector<16xf32>,
      %swap3A_262 = arith.constant 8 : i32
      %swap3A_263 = arith.index_cast %swap3A_262 : i32 to index
      %swap3A_264 = arith.constant 320 : index
      %swap3A_265 = tpu.vector_load %arg4[%swap3A_263, %swap3A_264] {strides = array<i32>} : memref<9x361xf32, #tpu.memory_space<vmem>>, vector<16xf32>,
      tpu.vector_store %arg4[%swap3A_263, %swap3A_264], %get3A_261 {strides = array<i32>} : memref<9x361xf32, #tpu.memory_space<vmem>>, vector<16xf32>,
      %get3A_266 = arith.constant 0 : i32
      %get3A_267 = arith.index_cast %get3A_266 : i32 to index
      %get3A_268 = arith.constant 336 : index
      %get3A_269 = tpu.vector_load %arg5[%get3A_267, %get3A_268] {strides = array<i32>} : memref<9x361xf32, #tpu.memory_space<vmem>>, vector<16xf32>,
      %swap3A_270 = arith.constant 8 : i32
      %swap3A_271 = arith.index_cast %swap3A_270 : i32 to index
      %swap3A_272 = arith.constant 336 : index
      %swap3A_273 = tpu.vector_load %arg4[%swap3A_271, %swap3A_272] {strides = array<i32>} : memref<9x361xf32, #tpu.memory_space<vmem>>, vector<16xf32>,
      tpu.vector_store %arg4[%swap3A_271, %swap3A_272], %get3A_269 {strides = array<i32>} : memref<9x361xf32, #tpu.memory_space<vmem>>, vector<16xf32>,
      %add3A_274 = arith.constant 352 : i32
      %add3A_275 = vector.broadcast %add3A_274 : i32 to vector<16xi32>
      %add3A_276 = arith.addi %add3A_275, %iota3A : vector<16xi32>
      %min3A = arith.constant 360 : i32
      %min3A_277 = vector.broadcast %min3A : i32 to vector<16xi32>
      %min3A_278 = arith.minsi %add3A_276, %min3A_277 : vector<16xi32>
      %broadcast_in_dim3A = arith.constant 0 : i32
      %broadcast_in_dim3A_279 = vector.broadcast %broadcast_in_dim3A : i32 to vector<16xi32>
      %gather3A = tpu.vector_load_idx %arg5[%broadcast_in_dim3A_279, %min3A_278] : memref<9x361xf32, #tpu.memory_space<vmem>>[vector<16xi32>, vector<16xi32>], vector<16xf32>,
      %broadcast_in_dim3A_280 = arith.constant 8 : i32
      %broadcast_in_dim3A_281 = vector.broadcast %broadcast_in_dim3A_280 : i32 to vector<16xi32>
      tpu.vector_store_idx %arg4[%broadcast_in_dim3A_281, %min3A_278], %gather3A masked %lt3A_5 : memref<9x361xf32, #tpu.memory_space<vmem>>[vector<16xi32>, vector<16xi32>], vector<16xf32>, vector<16xi1>
      %ge3A = arith.constant 1 : i32
      %ge3A_282 = arith.cmpi sge, %scan3A_80, %ge3A : i32
      %convert_element_type3A = arith.extui %ge3A_282 : i1 to i32
      %cond3A = arith.constant 0 : i32
      %cond3A_283 = arith.cmpi ne, %convert_element_type3A, %cond3A : i32
      scf.if %cond3A_283 {
        %dma_wait3A_538 = arith.constant 0 : i32
        %dma_wait3A_539 = arith.constant 0 : i32
        %dma_wait3A_540 = arith.constant 0 : i32
        %dma_wait3A_541 = tpu.memref_slice %arg3[%dma_wait3A_538, %add3A, %dma_wait3A_539, %dma_wait3A_540] : memref<1x32x1440x721xf32, #tpu.memory_space<hbm>> -> memref<1x1x16x721xf32, #tpu.memory_space<hbm>>
        %dma_wait3A_542 = tpu.memref_squeeze %dma_wait3A_541 : memref<1x1x16x721xf32, #tpu.memory_space<hbm>> -> memref<16x721xf32, #tpu.memory_space<hbm>>
        %dma_wait3A_543 = arith.constant 0 : i32
        %dma_wait3A_544 = arith.constant 0 : i32
        %dma_wait3A_545 = tpu.memref_slice %arg3[%dma_wait3A_538, %add3A, %dma_wait3A_543, %dma_wait3A_544] : memref<1x32x1440x721xf32, #tpu.memory_space<hbm>> -> memref<1x1x16x721xf32, #tpu.memory_space<hbm>>
        %dma_wait3A_546 = tpu.memref_squeeze %dma_wait3A_545 : memref<1x1x16x721xf32, #tpu.memory_space<hbm>> -> memref<16x721xf32, #tpu.memory_space<hbm>>
        tpu.wait_dma2 semaphore(%arg10 : memref<!tpu.dma_semaphore, #tpu.memory_space<semaphore_mem>>) src(%arg6 : memref<16x721xf32, #tpu.memory_space<vmem>>) dst(%dma_wait3A_546 : memref<16x721xf32, #tpu.memory_space<hbm>>)
      } else {
      }
      %scan3A_284 = arith.constant 0 : i32
      %scan3A_285 = arith.constant 0 : i32
      %scan3A_286 = arith.constant 8 : i32
      %scan3A_287 = arith.addi %scan3A_285, %scan3A_286 : i32
      %scan3A_288 = arith.constant 1 : i32
      scf.for %scan3A_538 = %scan3A_285 to %scan3A_287 step %scan3A_288  : i32 {
        %add3A_539 = arith.constant 1 : i32
        %add3A_540 = arith.addi %scan3A_538, %add3A_539 : i32
        %mul3A_541 = arith.constant 2 : i32
        %mul3A_542 = arith.muli %mul3A_541, %scan3A_538 : i32
        %broadcast_in_dim3A_543 = vector.broadcast %mul3A_542 : i32 to vector<16xi32>
        %add3A_544 = arith.constant 1 : i32
        %add3A_545 = vector.broadcast %add3A_544 : i32 to vector<16xi32>
        %add3A_546 = arith.addi %broadcast_in_dim3A_543, %add3A_545 : vector<16xi32>
        %broadcast_in_dim3A_547 = vector.broadcast %scan3A_538 : i32 to vector<16xi32>
        %broadcast_in_dim3A_548 = vector.broadcast %add3A_540 : i32 to vector<16xi32>
        %get3A_549 = arith.index_cast %scan3A_538 : i32 to index
        %get3A_550 = arith.constant 0 : index
        %get3A_551 = tpu.vector_load %arg4[%get3A_549, %get3A_550] {strides = array<i32>} : memref<9x361xf32, #tpu.memory_space<vmem>>, vector<16xf32>,
        %get3A_552 = arith.index_cast %add3A_540 : i32 to index
        %get3A_553 = arith.constant 0 : index
        %get3A_554 = tpu.vector_load %arg4[%get3A_552, %get3A_553] {strides = array<i32>} : memref<9x361xf32, #tpu.memory_space<vmem>>, vector<16xf32>,
        %get3A_555 = arith.index_cast %scan3A_538 : i32 to index
        %get3A_556 = arith.constant 1 : index
        %get3A_557 = tpu.vector_load %arg4[%get3A_555, %get3A_556] {strides = array<i32>} : memref<9x361xf32, #tpu.memory_space<vmem>>, vector<16xf32>,
        %get3A_558 = arith.index_cast %add3A_540 : i32 to index
        %get3A_559 = arith.constant 1 : index
        %get3A_560 = tpu.vector_load %arg4[%get3A_558, %get3A_559] {strides = array<i32>} : memref<9x361xf32, #tpu.memory_space<vmem>>, vector<16xf32>,
        %add3A_561 = arith.addf %get3A_551, %get3A_557 : vector<16xf32>
        %mul3A_562 = arith.constant 5.000000e-01 : f32
        %mul3A_563 = vector.broadcast %mul3A_562 : f32 to vector<16xf32>
        %mul3A_564 = arith.mulf %mul3A_563, %add3A_561 : vector<16xf32>
        %add3A_565 = arith.addf %get3A_551, %get3A_554 : vector<16xf32>
        %mul3A_566 = arith.constant 5.000000e-01 : f32
        %mul3A_567 = vector.broadcast %mul3A_566 : f32 to vector<16xf32>
        %mul3A_568 = arith.mulf %mul3A_567, %add3A_565 : vector<16xf32>
        %add3A_569 = arith.addf %get3A_557, %get3A_560 : vector<16xf32>
        %mul3A_570 = arith.constant 5.000000e-01 : f32
        %mul3A_571 = vector.broadcast %mul3A_570 : f32 to vector<16xf32>
        %mul3A_572 = arith.mulf %mul3A_571, %add3A_569 : vector<16xf32>
        %add3A_573 = arith.addf %mul3A_568, %mul3A_572 : vector<16xf32>
        %mul3A_574 = arith.constant 5.000000e-01 : f32
        %mul3A_575 = vector.broadcast %mul3A_574 : f32 to vector<16xf32>
        %mul3A_576 = arith.mulf %mul3A_575, %add3A_573 : vector<16xf32>
        %add3A_577 = arith.constant 0 : i32
        %add3A_578 = vector.broadcast %add3A_577 : i32 to vector<16xi32>
        %add3A_579 = arith.addi %add3A_578, %mul3A_3 : vector<16xi32>
        %add3A_580 = arith.constant 1 : i32
        %add3A_581 = vector.broadcast %add3A_580 : i32 to vector<16xi32>
        %add3A_582 = arith.addi %add3A_579, %add3A_581 : vector<16xi32>
        tpu.vector_store_idx %arg6[%broadcast_in_dim3A_543, %add3A_579], %get3A_551 : memref<16x721xf32, #tpu.memory_space<vmem>>[vector<16xi32>, vector<16xi32>], vector<16xf32>,
        tpu.vector_store_idx %arg6[%broadcast_in_dim3A_543, %add3A_582], %mul3A_564 : memref<16x721xf32, #tpu.memory_space<vmem>>[vector<16xi32>, vector<16xi32>], vector<16xf32>,
        tpu.vector_store_idx %arg6[%add3A_546, %add3A_579], %mul3A_568 : memref<16x721xf32, #tpu.memory_space<vmem>>[vector<16xi32>, vector<16xi32>], vector<16xf32>,
        tpu.vector_store_idx %arg6[%add3A_546, %add3A_582], %mul3A_576 : memref<16x721xf32, #tpu.memory_space<vmem>>[vector<16xi32>, vector<16xi32>], vector<16xf32>,
        %get3A_583 = arith.index_cast %scan3A_538 : i32 to index
        %get3A_584 = arith.constant 16 : index
        %get3A_585 = tpu.vector_load %arg4[%get3A_583, %get3A_584] {strides = array<i32>} : memref<9x361xf32, #tpu.memory_space<vmem>>, vector<16xf32>,
        %get3A_586 = arith.index_cast %add3A_540 : i32 to index
        %get3A_587 = arith.constant 16 : index
        %get3A_588 = tpu.vector_load %arg4[%get3A_586, %get3A_587] {strides = array<i32>} : memref<9x361xf32, #tpu.memory_space<vmem>>, vector<16xf32>,
        %get3A_589 = arith.index_cast %scan3A_538 : i32 to index
        %get3A_590 = arith.constant 17 : index
        %get3A_591 = tpu.vector_load %arg4[%get3A_589, %get3A_590] {strides = array<i32>} : memref<9x361xf32, #tpu.memory_space<vmem>>, vector<16xf32>,
        %get3A_592 = arith.index_cast %add3A_540 : i32 to index
        %get3A_593 = arith.constant 17 : index
        %get3A_594 = tpu.vector_load %arg4[%get3A_592, %get3A_593] {strides = array<i32>} : memref<9x361xf32, #tpu.memory_space<vmem>>, vector<16xf32>,
        %add3A_595 = arith.addf %get3A_585, %get3A_591 : vector<16xf32>
        %mul3A_596 = arith.constant 5.000000e-01 : f32
        %mul3A_597 = vector.broadcast %mul3A_596 : f32 to vector<16xf32>
        %mul3A_598 = arith.mulf %mul3A_597, %add3A_595 : vector<16xf32>
        %add3A_599 = arith.addf %get3A_585, %get3A_588 : vector<16xf32>
        %mul3A_600 = arith.constant 5.000000e-01 : f32
        %mul3A_601 = vector.broadcast %mul3A_600 : f32 to vector<16xf32>
        %mul3A_602 = arith.mulf %mul3A_601, %add3A_599 : vector<16xf32>
        %add3A_603 = arith.addf %get3A_591, %get3A_594 : vector<16xf32>
        %mul3A_604 = arith.constant 5.000000e-01 : f32
        %mul3A_605 = vector.broadcast %mul3A_604 : f32 to vector<16xf32>
        %mul3A_606 = arith.mulf %mul3A_605, %add3A_603 : vector<16xf32>
        %add3A_607 = arith.addf %mul3A_602, %mul3A_606 : vector<16xf32>
        %mul3A_608 = arith.constant 5.000000e-01 : f32
        %mul3A_609 = vector.broadcast %mul3A_608 : f32 to vector<16xf32>
        %mul3A_610 = arith.mulf %mul3A_609, %add3A_607 : vector<16xf32>
        %add3A_611 = arith.constant 32 : i32
        %add3A_612 = vector.broadcast %add3A_611 : i32 to vector<16xi32>
        %add3A_613 = arith.addi %add3A_612, %mul3A_3 : vector<16xi32>
        %add3A_614 = arith.constant 1 : i32
        %add3A_615 = vector.broadcast %add3A_614 : i32 to vector<16xi32>
        %add3A_616 = arith.addi %add3A_613, %add3A_615 : vector<16xi32>
        tpu.vector_store_idx %arg6[%broadcast_in_dim3A_543, %add3A_613], %get3A_585 : memref<16x721xf32, #tpu.memory_space<vmem>>[vector<16xi32>, vector<16xi32>], vector<16xf32>,
        tpu.vector_store_idx %arg6[%broadcast_in_dim3A_543, %add3A_616], %mul3A_598 : memref<16x721xf32, #tpu.memory_space<vmem>>[vector<16xi32>, vector<16xi32>], vector<16xf32>,
        tpu.vector_store_idx %arg6[%add3A_546, %add3A_613], %mul3A_602 : memref<16x721xf32, #tpu.memory_space<vmem>>[vector<16xi32>, vector<16xi32>], vector<16xf32>,
        tpu.vector_store_idx %arg6[%add3A_546, %add3A_616], %mul3A_610 : memref<16x721xf32, #tpu.memory_space<vmem>>[vector<16xi32>, vector<16xi32>], vector<16xf32>,
        %get3A_617 = arith.index_cast %scan3A_538 : i32 to index
        %get3A_618 = arith.constant 32 : index
        %get3A_619 = tpu.vector_load %arg4[%get3A_617, %get3A_618] {strides = array<i32>} : memref<9x361xf32, #tpu.memory_space<vmem>>, vector<16xf32>,
        %get3A_620 = arith.index_cast %add3A_540 : i32 to index
        %get3A_621 = arith.constant 32 : index
        %get3A_622 = tpu.vector_load %arg4[%get3A_620, %get3A_621] {strides = array<i32>} : memref<9x361xf32, #tpu.memory_space<vmem>>, vector<16xf32>,
        %get3A_623 = arith.index_cast %scan3A_538 : i32 to index
        %get3A_624 = arith.constant 33 : index
        %get3A_625 = tpu.vector_load %arg4[%get3A_623, %get3A_624] {strides = array<i32>} : memref<9x361xf32, #tpu.memory_space<vmem>>, vector<16xf32>,
        %get3A_626 = arith.index_cast %add3A_540 : i32 to index
        %get3A_627 = arith.constant 33 : index
        %get3A_628 = tpu.vector_load %arg4[%get3A_626, %get3A_627] {strides = array<i32>} : memref<9x361xf32, #tpu.memory_space<vmem>>, vector<16xf32>,
        %add3A_629 = arith.addf %get3A_619, %get3A_625 : vector<16xf32>
        %mul3A_630 = arith.constant 5.000000e-01 : f32
        %mul3A_631 = vector.broadcast %mul3A_630 : f32 to vector<16xf32>
        %mul3A_632 = arith.mulf %mul3A_631, %add3A_629 : vector<16xf32>
        %add3A_633 = arith.addf %get3A_619, %get3A_622 : vector<16xf32>
        %mul3A_634 = arith.constant 5.000000e-01 : f32
        %mul3A_635 = vector.broadcast %mul3A_634 : f32 to vector<16xf32>
        %mul3A_636 = arith.mulf %mul3A_635, %add3A_633 : vector<16xf32>
        %add3A_637 = arith.addf %get3A_625, %get3A_628 : vector<16xf32>
        %mul3A_638 = arith.constant 5.000000e-01 : f32
        %mul3A_639 = vector.broadcast %mul3A_638 : f32 to vector<16xf32>
        %mul3A_640 = arith.mulf %mul3A_639, %add3A_637 : vector<16xf32>
        %add3A_641 = arith.addf %mul3A_636, %mul3A_640 : vector<16xf32>
        %mul3A_642 = arith.constant 5.000000e-01 : f32
        %mul3A_643 = vector.broadcast %mul3A_642 : f32 to vector<16xf32>
        %mul3A_644 = arith.mulf %mul3A_643, %add3A_641 : vector<16xf32>
        %add3A_645 = arith.constant 64 : i32
        %add3A_646 = vector.broadcast %add3A_645 : i32 to vector<16xi32>
        %add3A_647 = arith.addi %add3A_646, %mul3A_3 : vector<16xi32>
        %add3A_648 = arith.constant 1 : i32
        %add3A_649 = vector.broadcast %add3A_648 : i32 to vector<16xi32>
        %add3A_650 = arith.addi %add3A_647, %add3A_649 : vector<16xi32>
        tpu.vector_store_idx %arg6[%broadcast_in_dim3A_543, %add3A_647], %get3A_619 : memref<16x721xf32, #tpu.memory_space<vmem>>[vector<16xi32>, vector<16xi32>], vector<16xf32>,
        tpu.vector_store_idx %arg6[%broadcast_in_dim3A_543, %add3A_650], %mul3A_632 : memref<16x721xf32, #tpu.memory_space<vmem>>[vector<16xi32>, vector<16xi32>], vector<16xf32>,
        tpu.vector_store_idx %arg6[%add3A_546, %add3A_647], %mul3A_636 : memref<16x721xf32, #tpu.memory_space<vmem>>[vector<16xi32>, vector<16xi32>], vector<16xf32>,
        tpu.vector_store_idx %arg6[%add3A_546, %add3A_650], %mul3A_644 : memref<16x721xf32, #tpu.memory_space<vmem>>[vector<16xi32>, vector<16xi32>], vector<16xf32>,
        %get3A_651 = arith.index_cast %scan3A_538 : i32 to index
        %get3A_652 = arith.constant 48 : index
        %get3A_653 = tpu.vector_load %arg4[%get3A_651, %get3A_652] {strides = array<i32>} : memref<9x361xf32, #tpu.memory_space<vmem>>, vector<16xf32>,
        %get3A_654 = arith.index_cast %add3A_540 : i32 to index
        %get3A_655 = arith.constant 48 : index
        %get3A_656 = tpu.vector_load %arg4[%get3A_654, %get3A_655] {strides = array<i32>} : memref<9x361xf32, #tpu.memory_space<vmem>>, vector<16xf32>,
        %get3A_657 = arith.index_cast %scan3A_538 : i32 to index
        %get3A_658 = arith.constant 49 : index
        %get3A_659 = tpu.vector_load %arg4[%get3A_657, %get3A_658] {strides = array<i32>} : memref<9x361xf32, #tpu.memory_space<vmem>>, vector<16xf32>,
        %get3A_660 = arith.index_cast %add3A_540 : i32 to index
        %get3A_661 = arith.constant 49 : index
        %get3A_662 = tpu.vector_load %arg4[%get3A_660, %get3A_661] {strides = array<i32>} : memref<9x361xf32, #tpu.memory_space<vmem>>, vector<16xf32>,
        %add3A_663 = arith.addf %get3A_653, %get3A_659 : vector<16xf32>
        %mul3A_664 = arith.constant 5.000000e-01 : f32
        %mul3A_665 = vector.broadcast %mul3A_664 : f32 to vector<16xf32>
        %mul3A_666 = arith.mulf %mul3A_665, %add3A_663 : vector<16xf32>
        %add3A_667 = arith.addf %get3A_653, %get3A_656 : vector<16xf32>
        %mul3A_668 = arith.constant 5.000000e-01 : f32
        %mul3A_669 = vector.broadcast %mul3A_668 : f32 to vector<16xf32>
        %mul3A_670 = arith.mulf %mul3A_669, %add3A_667 : vector<16xf32>
        %add3A_671 = arith.addf %get3A_659, %get3A_662 : vector<16xf32>
        %mul3A_672 = arith.constant 5.000000e-01 : f32
        %mul3A_673 = vector.broadcast %mul3A_672 : f32 to vector<16xf32>
        %mul3A_674 = arith.mulf %mul3A_673, %add3A_671 : vector<16xf32>
        %add3A_675 = arith.addf %mul3A_670, %mul3A_674 : vector<16xf32>
        %mul3A_676 = arith.constant 5.000000e-01 : f32
        %mul3A_677 = vector.broadcast %mul3A_676 : f32 to vector<16xf32>
        %mul3A_678 = arith.mulf %mul3A_677, %add3A_675 : vector<16xf32>
        %add3A_679 = arith.constant 96 : i32
        %add3A_680 = vector.broadcast %add3A_679 : i32 to vector<16xi32>
        %add3A_681 = arith.addi %add3A_680, %mul3A_3 : vector<16xi32>
        %add3A_682 = arith.constant 1 : i32
        %add3A_683 = vector.broadcast %add3A_682 : i32 to vector<16xi32>
        %add3A_684 = arith.addi %add3A_681, %add3A_683 : vector<16xi32>
        tpu.vector_store_idx %arg6[%broadcast_in_dim3A_543, %add3A_681], %get3A_653 : memref<16x721xf32, #tpu.memory_space<vmem>>[vector<16xi32>, vector<16xi32>], vector<16xf32>,
        tpu.vector_store_idx %arg6[%broadcast_in_dim3A_543, %add3A_684], %mul3A_666 : memref<16x721xf32, #tpu.memory_space<vmem>>[vector<16xi32>, vector<16xi32>], vector<16xf32>,
        tpu.vector_store_idx %arg6[%add3A_546, %add3A_681], %mul3A_670 : memref<16x721xf32, #tpu.memory_space<vmem>>[vector<16xi32>, vector<16xi32>], vector<16xf32>,
        tpu.vector_store_idx %arg6[%add3A_546, %add3A_684], %mul3A_678 : memref<16x721xf32, #tpu.memory_space<vmem>>[vector<16xi32>, vector<16xi32>], vector<16xf32>,
        %get3A_685 = arith.index_cast %scan3A_538 : i32 to index
        %get3A_686 = arith.constant 64 : index
        %get3A_687 = tpu.vector_load %arg4[%get3A_685, %get3A_686] {strides = array<i32>} : memref<9x361xf32, #tpu.memory_space<vmem>>, vector<16xf32>,
        %get3A_688 = arith.index_cast %add3A_540 : i32 to index
        %get3A_689 = arith.constant 64 : index
        %get3A_690 = tpu.vector_load %arg4[%get3A_688, %get3A_689] {strides = array<i32>} : memref<9x361xf32, #tpu.memory_space<vmem>>, vector<16xf32>,
        %get3A_691 = arith.index_cast %scan3A_538 : i32 to index
        %get3A_692 = arith.constant 65 : index
        %get3A_693 = tpu.vector_load %arg4[%get3A_691, %get3A_692] {strides = array<i32>} : memref<9x361xf32, #tpu.memory_space<vmem>>, vector<16xf32>,
        %get3A_694 = arith.index_cast %add3A_540 : i32 to index
        %get3A_695 = arith.constant 65 : index
        %get3A_696 = tpu.vector_load %arg4[%get3A_694, %get3A_695] {strides = array<i32>} : memref<9x361xf32, #tpu.memory_space<vmem>>, vector<16xf32>,
        %add3A_697 = arith.addf %get3A_687, %get3A_693 : vector<16xf32>
        %mul3A_698 = arith.constant 5.000000e-01 : f32
        %mul3A_699 = vector.broadcast %mul3A_698 : f32 to vector<16xf32>
        %mul3A_700 = arith.mulf %mul3A_699, %add3A_697 : vector<16xf32>
        %add3A_701 = arith.addf %get3A_687, %get3A_690 : vector<16xf32>
        %mul3A_702 = arith.constant 5.000000e-01 : f32
        %mul3A_703 = vector.broadcast %mul3A_702 : f32 to vector<16xf32>
        %mul3A_704 = arith.mulf %mul3A_703, %add3A_701 : vector<16xf32>
        %add3A_705 = arith.addf %get3A_693, %get3A_696 : vector<16xf32>
        %mul3A_706 = arith.constant 5.000000e-01 : f32
        %mul3A_707 = vector.broadcast %mul3A_706 : f32 to vector<16xf32>
        %mul3A_708 = arith.mulf %mul3A_707, %add3A_705 : vector<16xf32>
        %add3A_709 = arith.addf %mul3A_704, %mul3A_708 : vector<16xf32>
        %mul3A_710 = arith.constant 5.000000e-01 : f32
        %mul3A_711 = vector.broadcast %mul3A_710 : f32 to vector<16xf32>
        %mul3A_712 = arith.mulf %mul3A_711, %add3A_709 : vector<16xf32>
        %add3A_713 = arith.constant 128 : i32
        %add3A_714 = vector.broadcast %add3A_713 : i32 to vector<16xi32>
        %add3A_715 = arith.addi %add3A_714, %mul3A_3 : vector<16xi32>
        %add3A_716 = arith.constant 1 : i32
        %add3A_717 = vector.broadcast %add3A_716 : i32 to vector<16xi32>
        %add3A_718 = arith.addi %add3A_715, %add3A_717 : vector<16xi32>
        tpu.vector_store_idx %arg6[%broadcast_in_dim3A_543, %add3A_715], %get3A_687 : memref<16x721xf32, #tpu.memory_space<vmem>>[vector<16xi32>, vector<16xi32>], vector<16xf32>,
        tpu.vector_store_idx %arg6[%broadcast_in_dim3A_543, %add3A_718], %mul3A_700 : memref<16x721xf32, #tpu.memory_space<vmem>>[vector<16xi32>, vector<16xi32>], vector<16xf32>,
        tpu.vector_store_idx %arg6[%add3A_546, %add3A_715], %mul3A_704 : memref<16x721xf32, #tpu.memory_space<vmem>>[vector<16xi32>, vector<16xi32>], vector<16xf32>,
        tpu.vector_store_idx %arg6[%add3A_546, %add3A_718], %mul3A_712 : memref<16x721xf32, #tpu.memory_space<vmem>>[vector<16xi32>, vector<16xi32>], vector<16xf32>,
        %get3A_719 = arith.index_cast %scan3A_538 : i32 to index
        %get3A_720 = arith.constant 80 : index
        %get3A_721 = tpu.vector_load %arg4[%get3A_719, %get3A_720] {strides = array<i32>} : memref<9x361xf32, #tpu.memory_space<vmem>>, vector<16xf32>,
        %get3A_722 = arith.index_cast %add3A_540 : i32 to index
        %get3A_723 = arith.constant 80 : index
        %get3A_724 = tpu.vector_load %arg4[%get3A_722, %get3A_723] {strides = array<i32>} : memref<9x361xf32, #tpu.memory_space<vmem>>, vector<16xf32>,
        %get3A_725 = arith.index_cast %scan3A_538 : i32 to index
        %get3A_726 = arith.constant 81 : index
        %get3A_727 = tpu.vector_load %arg4[%get3A_725, %get3A_726] {strides = array<i32>} : memref<9x361xf32, #tpu.memory_space<vmem>>, vector<16xf32>,
        %get3A_728 = arith.index_cast %add3A_540 : i32 to index
        %get3A_729 = arith.constant 81 : index
        %get3A_730 = tpu.vector_load %arg4[%get3A_728, %get3A_729] {strides = array<i32>} : memref<9x361xf32, #tpu.memory_space<vmem>>, vector<16xf32>,
        %add3A_731 = arith.addf %get3A_721, %get3A_727 : vector<16xf32>
        %mul3A_732 = arith.constant 5.000000e-01 : f32
        %mul3A_733 = vector.broadcast %mul3A_732 : f32 to vector<16xf32>
        %mul3A_734 = arith.mulf %mul3A_733, %add3A_731 : vector<16xf32>
        %add3A_735 = arith.addf %get3A_721, %get3A_724 : vector<16xf32>
        %mul3A_736 = arith.constant 5.000000e-01 : f32
        %mul3A_737 = vector.broadcast %mul3A_736 : f32 to vector<16xf32>
        %mul3A_738 = arith.mulf %mul3A_737, %add3A_735 : vector<16xf32>
        %add3A_739 = arith.addf %get3A_727, %get3A_730 : vector<16xf32>
        %mul3A_740 = arith.constant 5.000000e-01 : f32
        %mul3A_741 = vector.broadcast %mul3A_740 : f32 to vector<16xf32>
        %mul3A_742 = arith.mulf %mul3A_741, %add3A_739 : vector<16xf32>
        %add3A_743 = arith.addf %mul3A_738, %mul3A_742 : vector<16xf32>
        %mul3A_744 = arith.constant 5.000000e-01 : f32
        %mul3A_745 = vector.broadcast %mul3A_744 : f32 to vector<16xf32>
        %mul3A_746 = arith.mulf %mul3A_745, %add3A_743 : vector<16xf32>
        %add3A_747 = arith.constant 160 : i32
        %add3A_748 = vector.broadcast %add3A_747 : i32 to vector<16xi32>
        %add3A_749 = arith.addi %add3A_748, %mul3A_3 : vector<16xi32>
        %add3A_750 = arith.constant 1 : i32
        %add3A_751 = vector.broadcast %add3A_750 : i32 to vector<16xi32>
        %add3A_752 = arith.addi %add3A_749, %add3A_751 : vector<16xi32>
        tpu.vector_store_idx %arg6[%broadcast_in_dim3A_543, %add3A_749], %get3A_721 : memref<16x721xf32, #tpu.memory_space<vmem>>[vector<16xi32>, vector<16xi32>], vector<16xf32>,
        tpu.vector_store_idx %arg6[%broadcast_in_dim3A_543, %add3A_752], %mul3A_734 : memref<16x721xf32, #tpu.memory_space<vmem>>[vector<16xi32>, vector<16xi32>], vector<16xf32>,
        tpu.vector_store_idx %arg6[%add3A_546, %add3A_749], %mul3A_738 : memref<16x721xf32, #tpu.memory_space<vmem>>[vector<16xi32>, vector<16xi32>], vector<16xf32>,
        tpu.vector_store_idx %arg6[%add3A_546, %add3A_752], %mul3A_746 : memref<16x721xf32, #tpu.memory_space<vmem>>[vector<16xi32>, vector<16xi32>], vector<16xf32>,
        %get3A_753 = arith.index_cast %scan3A_538 : i32 to index
        %get3A_754 = arith.constant 96 : index
        %get3A_755 = tpu.vector_load %arg4[%get3A_753, %get3A_754] {strides = array<i32>} : memref<9x361xf32, #tpu.memory_space<vmem>>, vector<16xf32>,
        %get3A_756 = arith.index_cast %add3A_540 : i32 to index
        %get3A_757 = arith.constant 96 : index
        %get3A_758 = tpu.vector_load %arg4[%get3A_756, %get3A_757] {strides = array<i32>} : memref<9x361xf32, #tpu.memory_space<vmem>>, vector<16xf32>,
        %get3A_759 = arith.index_cast %scan3A_538 : i32 to index
        %get3A_760 = arith.constant 97 : index
        %get3A_761 = tpu.vector_load %arg4[%get3A_759, %get3A_760] {strides = array<i32>} : memref<9x361xf32, #tpu.memory_space<vmem>>, vector<16xf32>,
        %get3A_762 = arith.index_cast %add3A_540 : i32 to index
        %get3A_763 = arith.constant 97 : index
        %get3A_764 = tpu.vector_load %arg4[%get3A_762, %get3A_763] {strides = array<i32>} : memref<9x361xf32, #tpu.memory_space<vmem>>, vector<16xf32>,
        %add3A_765 = arith.addf %get3A_755, %get3A_761 : vector<16xf32>
        %mul3A_766 = arith.constant 5.000000e-01 : f32
        %mul3A_767 = vector.broadcast %mul3A_766 : f32 to vector<16xf32>
        %mul3A_768 = arith.mulf %mul3A_767, %add3A_765 : vector<16xf32>
        %add3A_769 = arith.addf %get3A_755, %get3A_758 : vector<16xf32>
        %mul3A_770 = arith.constant 5.000000e-01 : f32
        %mul3A_771 = vector.broadcast %mul3A_770 : f32 to vector<16xf32>
        %mul3A_772 = arith.mulf %mul3A_771, %add3A_769 : vector<16xf32>
        %add3A_773 = arith.addf %get3A_761, %get3A_764 : vector<16xf32>
        %mul3A_774 = arith.constant 5.000000e-01 : f32
        %mul3A_775 = vector.broadcast %mul3A_774 : f32 to vector<16xf32>
        %mul3A_776 = arith.mulf %mul3A_775, %add3A_773 : vector<16xf32>
        %add3A_777 = arith.addf %mul3A_772, %mul3A_776 : vector<16xf32>
        %mul3A_778 = arith.constant 5.000000e-01 : f32
        %mul3A_779 = vector.broadcast %mul3A_778 : f32 to vector<16xf32>
        %mul3A_780 = arith.mulf %mul3A_779, %add3A_777 : vector<16xf32>
        %add3A_781 = arith.constant 192 : i32
        %add3A_782 = vector.broadcast %add3A_781 : i32 to vector<16xi32>
        %add3A_783 = arith.addi %add3A_782, %mul3A_3 : vector<16xi32>
        %add3A_784 = arith.constant 1 : i32
        %add3A_785 = vector.broadcast %add3A_784 : i32 to vector<16xi32>
        %add3A_786 = arith.addi %add3A_783, %add3A_785 : vector<16xi32>
        tpu.vector_store_idx %arg6[%broadcast_in_dim3A_543, %add3A_783], %get3A_755 : memref<16x721xf32, #tpu.memory_space<vmem>>[vector<16xi32>, vector<16xi32>], vector<16xf32>,
        tpu.vector_store_idx %arg6[%broadcast_in_dim3A_543, %add3A_786], %mul3A_768 : memref<16x721xf32, #tpu.memory_space<vmem>>[vector<16xi32>, vector<16xi32>], vector<16xf32>,
        tpu.vector_store_idx %arg6[%add3A_546, %add3A_783], %mul3A_772 : memref<16x721xf32, #tpu.memory_space<vmem>>[vector<16xi32>, vector<16xi32>], vector<16xf32>,
        tpu.vector_store_idx %arg6[%add3A_546, %add3A_786], %mul3A_780 : memref<16x721xf32, #tpu.memory_space<vmem>>[vector<16xi32>, vector<16xi32>], vector<16xf32>,
        %get3A_787 = arith.index_cast %scan3A_538 : i32 to index
        %get3A_788 = arith.constant 112 : index
        %get3A_789 = tpu.vector_load %arg4[%get3A_787, %get3A_788] {strides = array<i32>} : memref<9x361xf32, #tpu.memory_space<vmem>>, vector<16xf32>,
        %get3A_790 = arith.index_cast %add3A_540 : i32 to index
        %get3A_791 = arith.constant 112 : index
        %get3A_792 = tpu.vector_load %arg4[%get3A_790, %get3A_791] {strides = array<i32>} : memref<9x361xf32, #tpu.memory_space<vmem>>, vector<16xf32>,
        %add3A_793 = arith.constant 113 : i32
        %add3A_794 = vector.broadcast %add3A_793 : i32 to vector<16xi32>
        %add3A_795 = arith.addi %add3A_794, %iota3A : vector<16xi32>
        %gather3A_796 = tpu.vector_load_idx %arg4[%broadcast_in_dim3A_547, %add3A_795] : memref<9x361xf32, #tpu.memory_space<vmem>>[vector<16xi32>, vector<16xi32>], vector<16xf32>,
        %gather3A_797 = tpu.vector_load_idx %arg4[%broadcast_in_dim3A_548, %add3A_795] : memref<9x361xf32, #tpu.memory_space<vmem>>[vector<16xi32>, vector<16xi32>], vector<16xf32>,
        %add3A_798 = arith.addf %get3A_789, %gather3A_796 : vector<16xf32>
        %mul3A_799 = arith.constant 5.000000e-01 : f32
        %mul3A_800 = vector.broadcast %mul3A_799 : f32 to vector<16xf32>
        %mul3A_801 = arith.mulf %mul3A_800, %add3A_798 : vector<16xf32>
        %add3A_802 = arith.addf %get3A_789, %get3A_792 : vector<16xf32>
        %mul3A_803 = arith.constant 5.000000e-01 : f32
        %mul3A_804 = vector.broadcast %mul3A_803 : f32 to vector<16xf32>
        %mul3A_805 = arith.mulf %mul3A_804, %add3A_802 : vector<16xf32>
        %add3A_806 = arith.addf %gather3A_796, %gather3A_797 : vector<16xf32>
        %mul3A_807 = arith.constant 5.000000e-01 : f32
        %mul3A_808 = vector.broadcast %mul3A_807 : f32 to vector<16xf32>
        %mul3A_809 = arith.mulf %mul3A_808, %add3A_806 : vector<16xf32>
        %add3A_810 = arith.addf %mul3A_805, %mul3A_809 : vector<16xf32>
        %mul3A_811 = arith.constant 5.000000e-01 : f32
        %mul3A_812 = vector.broadcast %mul3A_811 : f32 to vector<16xf32>
        %mul3A_813 = arith.mulf %mul3A_812, %add3A_810 : vector<16xf32>
        %add3A_814 = arith.constant 224 : i32
        %add3A_815 = vector.broadcast %add3A_814 : i32 to vector<16xi32>
        %add3A_816 = arith.addi %add3A_815, %mul3A_3 : vector<16xi32>
        %add3A_817 = arith.constant 1 : i32
        %add3A_818 = vector.broadcast %add3A_817 : i32 to vector<16xi32>
        %add3A_819 = arith.addi %add3A_816, %add3A_818 : vector<16xi32>
        tpu.vector_store_idx %arg6[%broadcast_in_dim3A_543, %add3A_816], %get3A_789 : memref<16x721xf32, #tpu.memory_space<vmem>>[vector<16xi32>, vector<16xi32>], vector<16xf32>,
        tpu.vector_store_idx %arg6[%broadcast_in_dim3A_543, %add3A_819], %mul3A_801 : memref<16x721xf32, #tpu.memory_space<vmem>>[vector<16xi32>, vector<16xi32>], vector<16xf32>,
        tpu.vector_store_idx %arg6[%add3A_546, %add3A_816], %mul3A_805 : memref<16x721xf32, #tpu.memory_space<vmem>>[vector<16xi32>, vector<16xi32>], vector<16xf32>,
        tpu.vector_store_idx %arg6[%add3A_546, %add3A_819], %mul3A_813 : memref<16x721xf32, #tpu.memory_space<vmem>>[vector<16xi32>, vector<16xi32>], vector<16xf32>,
        %get3A_820 = arith.index_cast %scan3A_538 : i32 to index
        %get3A_821 = arith.constant 128 : index
        %get3A_822 = tpu.vector_load %arg4[%get3A_820, %get3A_821] {strides = array<i32>} : memref<9x361xf32, #tpu.memory_space<vmem>>, vector<16xf32>,
        %get3A_823 = arith.index_cast %add3A_540 : i32 to index
        %get3A_824 = arith.constant 128 : index
        %get3A_825 = tpu.vector_load %arg4[%get3A_823, %get3A_824] {strides = array<i32>} : memref<9x361xf32, #tpu.memory_space<vmem>>, vector<16xf32>,
        %get3A_826 = arith.index_cast %scan3A_538 : i32 to index
        %get3A_827 = arith.constant 129 : index
        %get3A_828 = tpu.vector_load %arg4[%get3A_826, %get3A_827] {strides = array<i32>} : memref<9x361xf32, #tpu.memory_space<vmem>>, vector<16xf32>,
        %get3A_829 = arith.index_cast %add3A_540 : i32 to index
        %get3A_830 = arith.constant 129 : index
        %get3A_831 = tpu.vector_load %arg4[%get3A_829, %get3A_830] {strides = array<i32>} : memref<9x361xf32, #tpu.memory_space<vmem>>, vector<16xf32>,
        %add3A_832 = arith.addf %get3A_822, %get3A_828 : vector<16xf32>
        %mul3A_833 = arith.constant 5.000000e-01 : f32
        %mul3A_834 = vector.broadcast %mul3A_833 : f32 to vector<16xf32>
        %mul3A_835 = arith.mulf %mul3A_834, %add3A_832 : vector<16xf32>
        %add3A_836 = arith.addf %get3A_822, %get3A_825 : vector<16xf32>
        %mul3A_837 = arith.constant 5.000000e-01 : f32
        %mul3A_838 = vector.broadcast %mul3A_837 : f32 to vector<16xf32>
        %mul3A_839 = arith.mulf %mul3A_838, %add3A_836 : vector<16xf32>
        %add3A_840 = arith.addf %get3A_828, %get3A_831 : vector<16xf32>
        %mul3A_841 = arith.constant 5.000000e-01 : f32
        %mul3A_842 = vector.broadcast %mul3A_841 : f32 to vector<16xf32>
        %mul3A_843 = arith.mulf %mul3A_842, %add3A_840 : vector<16xf32>
        %add3A_844 = arith.addf %mul3A_839, %mul3A_843 : vector<16xf32>
        %mul3A_845 = arith.constant 5.000000e-01 : f32
        %mul3A_846 = vector.broadcast %mul3A_845 : f32 to vector<16xf32>
        %mul3A_847 = arith.mulf %mul3A_846, %add3A_844 : vector<16xf32>
        %add3A_848 = arith.constant 256 : i32
        %add3A_849 = vector.broadcast %add3A_848 : i32 to vector<16xi32>
        %add3A_850 = arith.addi %add3A_849, %mul3A_3 : vector<16xi32>
        %add3A_851 = arith.constant 1 : i32
        %add3A_852 = vector.broadcast %add3A_851 : i32 to vector<16xi32>
        %add3A_853 = arith.addi %add3A_850, %add3A_852 : vector<16xi32>
        tpu.vector_store_idx %arg6[%broadcast_in_dim3A_543, %add3A_850], %get3A_822 : memref<16x721xf32, #tpu.memory_space<vmem>>[vector<16xi32>, vector<16xi32>], vector<16xf32>,
        tpu.vector_store_idx %arg6[%broadcast_in_dim3A_543, %add3A_853], %mul3A_835 : memref<16x721xf32, #tpu.memory_space<vmem>>[vector<16xi32>, vector<16xi32>], vector<16xf32>,
        tpu.vector_store_idx %arg6[%add3A_546, %add3A_850], %mul3A_839 : memref<16x721xf32, #tpu.memory_space<vmem>>[vector<16xi32>, vector<16xi32>], vector<16xf32>,
        tpu.vector_store_idx %arg6[%add3A_546, %add3A_853], %mul3A_847 : memref<16x721xf32, #tpu.memory_space<vmem>>[vector<16xi32>, vector<16xi32>], vector<16xf32>,
        %get3A_854 = arith.index_cast %scan3A_538 : i32 to index
        %get3A_855 = arith.constant 144 : index
        %get3A_856 = tpu.vector_load %arg4[%get3A_854, %get3A_855] {strides = array<i32>} : memref<9x361xf32, #tpu.memory_space<vmem>>, vector<16xf32>,
        %get3A_857 = arith.index_cast %add3A_540 : i32 to index
        %get3A_858 = arith.constant 144 : index
        %get3A_859 = tpu.vector_load %arg4[%get3A_857, %get3A_858] {strides = array<i32>} : memref<9x361xf32, #tpu.memory_space<vmem>>, vector<16xf32>,
        %get3A_860 = arith.index_cast %scan3A_538 : i32 to index
        %get3A_861 = arith.constant 145 : index
        %get3A_862 = tpu.vector_load %arg4[%get3A_860, %get3A_861] {strides = array<i32>} : memref<9x361xf32, #tpu.memory_space<vmem>>, vector<16xf32>,
        %get3A_863 = arith.index_cast %add3A_540 : i32 to index
        %get3A_864 = arith.constant 145 : index
        %get3A_865 = tpu.vector_load %arg4[%get3A_863, %get3A_864] {strides = array<i32>} : memref<9x361xf32, #tpu.memory_space<vmem>>, vector<16xf32>,
        %add3A_866 = arith.addf %get3A_856, %get3A_862 : vector<16xf32>
        %mul3A_867 = arith.constant 5.000000e-01 : f32
        %mul3A_868 = vector.broadcast %mul3A_867 : f32 to vector<16xf32>
        %mul3A_869 = arith.mulf %mul3A_868, %add3A_866 : vector<16xf32>
        %add3A_870 = arith.addf %get3A_856, %get3A_859 : vector<16xf32>
        %mul3A_871 = arith.constant 5.000000e-01 : f32
        %mul3A_872 = vector.broadcast %mul3A_871 : f32 to vector<16xf32>
        %mul3A_873 = arith.mulf %mul3A_872, %add3A_870 : vector<16xf32>
        %add3A_874 = arith.addf %get3A_862, %get3A_865 : vector<16xf32>
        %mul3A_875 = arith.constant 5.000000e-01 : f32
        %mul3A_876 = vector.broadcast %mul3A_875 : f32 to vector<16xf32>
        %mul3A_877 = arith.mulf %mul3A_876, %add3A_874 : vector<16xf32>
        %add3A_878 = arith.addf %mul3A_873, %mul3A_877 : vector<16xf32>
        %mul3A_879 = arith.constant 5.000000e-01 : f32
        %mul3A_880 = vector.broadcast %mul3A_879 : f32 to vector<16xf32>
        %mul3A_881 = arith.mulf %mul3A_880, %add3A_878 : vector<16xf32>
        %add3A_882 = arith.constant 288 : i32
        %add3A_883 = vector.broadcast %add3A_882 : i32 to vector<16xi32>
        %add3A_884 = arith.addi %add3A_883, %mul3A_3 : vector<16xi32>
        %add3A_885 = arith.constant 1 : i32
        %add3A_886 = vector.broadcast %add3A_885 : i32 to vector<16xi32>
        %add3A_887 = arith.addi %add3A_884, %add3A_886 : vector<16xi32>
        tpu.vector_store_idx %arg6[%broadcast_in_dim3A_543, %add3A_884], %get3A_856 : memref<16x721xf32, #tpu.memory_space<vmem>>[vector<16xi32>, vector<16xi32>], vector<16xf32>,
        tpu.vector_store_idx %arg6[%broadcast_in_dim3A_543, %add3A_887], %mul3A_869 : memref<16x721xf32, #tpu.memory_space<vmem>>[vector<16xi32>, vector<16xi32>], vector<16xf32>,
        tpu.vector_store_idx %arg6[%add3A_546, %add3A_884], %mul3A_873 : memref<16x721xf32, #tpu.memory_space<vmem>>[vector<16xi32>, vector<16xi32>], vector<16xf32>,
        tpu.vector_store_idx %arg6[%add3A_546, %add3A_887], %mul3A_881 : memref<16x721xf32, #tpu.memory_space<vmem>>[vector<16xi32>, vector<16xi32>], vector<16xf32>,
        %get3A_888 = arith.index_cast %scan3A_538 : i32 to index
        %get3A_889 = arith.constant 160 : index
        %get3A_890 = tpu.vector_load %arg4[%get3A_888, %get3A_889] {strides = array<i32>} : memref<9x361xf32, #tpu.memory_space<vmem>>, vector<16xf32>,
        %get3A_891 = arith.index_cast %add3A_540 : i32 to index
        %get3A_892 = arith.constant 160 : index
        %get3A_893 = tpu.vector_load %arg4[%get3A_891, %get3A_892] {strides = array<i32>} : memref<9x361xf32, #tpu.memory_space<vmem>>, vector<16xf32>,
        %get3A_894 = arith.index_cast %scan3A_538 : i32 to index
        %get3A_895 = arith.constant 161 : index
        %get3A_896 = tpu.vector_load %arg4[%get3A_894, %get3A_895] {strides = array<i32>} : memref<9x361xf32, #tpu.memory_space<vmem>>, vector<16xf32>,
        %get3A_897 = arith.index_cast %add3A_540 : i32 to index
        %get3A_898 = arith.constant 161 : index
        %get3A_899 = tpu.vector_load %arg4[%get3A_897, %get3A_898] {strides = array<i32>} : memref<9x361xf32, #tpu.memory_space<vmem>>, vector<16xf32>,
        %add3A_900 = arith.addf %get3A_890, %get3A_896 : vector<16xf32>
        %mul3A_901 = arith.constant 5.000000e-01 : f32
        %mul3A_902 = vector.broadcast %mul3A_901 : f32 to vector<16xf32>
        %mul3A_903 = arith.mulf %mul3A_902, %add3A_900 : vector<16xf32>
        %add3A_904 = arith.addf %get3A_890, %get3A_893 : vector<16xf32>
        %mul3A_905 = arith.constant 5.000000e-01 : f32
        %mul3A_906 = vector.broadcast %mul3A_905 : f32 to vector<16xf32>
        %mul3A_907 = arith.mulf %mul3A_906, %add3A_904 : vector<16xf32>
        %add3A_908 = arith.addf %get3A_896, %get3A_899 : vector<16xf32>
        %mul3A_909 = arith.constant 5.000000e-01 : f32
        %mul3A_910 = vector.broadcast %mul3A_909 : f32 to vector<16xf32>
        %mul3A_911 = arith.mulf %mul3A_910, %add3A_908 : vector<16xf32>
        %add3A_912 = arith.addf %mul3A_907, %mul3A_911 : vector<16xf32>
        %mul3A_913 = arith.constant 5.000000e-01 : f32
        %mul3A_914 = vector.broadcast %mul3A_913 : f32 to vector<16xf32>
        %mul3A_915 = arith.mulf %mul3A_914, %add3A_912 : vector<16xf32>
        %add3A_916 = arith.constant 320 : i32
        %add3A_917 = vector.broadcast %add3A_916 : i32 to vector<16xi32>
        %add3A_918 = arith.addi %add3A_917, %mul3A_3 : vector<16xi32>
        %add3A_919 = arith.constant 1 : i32
        %add3A_920 = vector.broadcast %add3A_919 : i32 to vector<16xi32>
        %add3A_921 = arith.addi %add3A_918, %add3A_920 : vector<16xi32>
        tpu.vector_store_idx %arg6[%broadcast_in_dim3A_543, %add3A_918], %get3A_890 : memref<16x721xf32, #tpu.memory_space<vmem>>[vector<16xi32>, vector<16xi32>], vector<16xf32>,
        tpu.vector_store_idx %arg6[%broadcast_in_dim3A_543, %add3A_921], %mul3A_903 : memref<16x721xf32, #tpu.memory_space<vmem>>[vector<16xi32>, vector<16xi32>], vector<16xf32>,
        tpu.vector_store_idx %arg6[%add3A_546, %add3A_918], %mul3A_907 : memref<16x721xf32, #tpu.memory_space<vmem>>[vector<16xi32>, vector<16xi32>], vector<16xf32>,
        tpu.vector_store_idx %arg6[%add3A_546, %add3A_921], %mul3A_915 : memref<16x721xf32, #tpu.memory_space<vmem>>[vector<16xi32>, vector<16xi32>], vector<16xf32>,
        %get3A_922 = arith.index_cast %scan3A_538 : i32 to index
        %get3A_923 = arith.constant 176 : index
        %get3A_924 = tpu.vector_load %arg4[%get3A_922, %get3A_923] {strides = array<i32>} : memref<9x361xf32, #tpu.memory_space<vmem>>, vector<16xf32>,
        %get3A_925 = arith.index_cast %add3A_540 : i32 to index
        %get3A_926 = arith.constant 176 : index
        %get3A_927 = tpu.vector_load %arg4[%get3A_925, %get3A_926] {strides = array<i32>} : memref<9x361xf32, #tpu.memory_space<vmem>>, vector<16xf32>,
        %get3A_928 = arith.index_cast %scan3A_538 : i32 to index
        %get3A_929 = arith.constant 177 : index
        %get3A_930 = tpu.vector_load %arg4[%get3A_928, %get3A_929] {strides = array<i32>} : memref<9x361xf32, #tpu.memory_space<vmem>>, vector<16xf32>,
        %get3A_931 = arith.index_cast %add3A_540 : i32 to index
        %get3A_932 = arith.constant 177 : index
        %get3A_933 = tpu.vector_load %arg4[%get3A_931, %get3A_932] {strides = array<i32>} : memref<9x361xf32, #tpu.memory_space<vmem>>, vector<16xf32>,
        %add3A_934 = arith.addf %get3A_924, %get3A_930 : vector<16xf32>
        %mul3A_935 = arith.constant 5.000000e-01 : f32
        %mul3A_936 = vector.broadcast %mul3A_935 : f32 to vector<16xf32>
        %mul3A_937 = arith.mulf %mul3A_936, %add3A_934 : vector<16xf32>
        %add3A_938 = arith.addf %get3A_924, %get3A_927 : vector<16xf32>
        %mul3A_939 = arith.constant 5.000000e-01 : f32
        %mul3A_940 = vector.broadcast %mul3A_939 : f32 to vector<16xf32>
        %mul3A_941 = arith.mulf %mul3A_940, %add3A_938 : vector<16xf32>
        %add3A_942 = arith.addf %get3A_930, %get3A_933 : vector<16xf32>
        %mul3A_943 = arith.constant 5.000000e-01 : f32
        %mul3A_944 = vector.broadcast %mul3A_943 : f32 to vector<16xf32>
        %mul3A_945 = arith.mulf %mul3A_944, %add3A_942 : vector<16xf32>
        %add3A_946 = arith.addf %mul3A_941, %mul3A_945 : vector<16xf32>
        %mul3A_947 = arith.constant 5.000000e-01 : f32
        %mul3A_948 = vector.broadcast %mul3A_947 : f32 to vector<16xf32>
        %mul3A_949 = arith.mulf %mul3A_948, %add3A_946 : vector<16xf32>
        %add3A_950 = arith.constant 352 : i32
        %add3A_951 = vector.broadcast %add3A_950 : i32 to vector<16xi32>
        %add3A_952 = arith.addi %add3A_951, %mul3A_3 : vector<16xi32>
        %add3A_953 = arith.constant 1 : i32
        %add3A_954 = vector.broadcast %add3A_953 : i32 to vector<16xi32>
        %add3A_955 = arith.addi %add3A_952, %add3A_954 : vector<16xi32>
        tpu.vector_store_idx %arg6[%broadcast_in_dim3A_543, %add3A_952], %get3A_924 : memref<16x721xf32, #tpu.memory_space<vmem>>[vector<16xi32>, vector<16xi32>], vector<16xf32>,
        tpu.vector_store_idx %arg6[%broadcast_in_dim3A_543, %add3A_955], %mul3A_937 : memref<16x721xf32, #tpu.memory_space<vmem>>[vector<16xi32>, vector<16xi32>], vector<16xf32>,
        tpu.vector_store_idx %arg6[%add3A_546, %add3A_952], %mul3A_941 : memref<16x721xf32, #tpu.memory_space<vmem>>[vector<16xi32>, vector<16xi32>], vector<16xf32>,
        tpu.vector_store_idx %arg6[%add3A_546, %add3A_955], %mul3A_949 : memref<16x721xf32, #tpu.memory_space<vmem>>[vector<16xi32>, vector<16xi32>], vector<16xf32>,
        %get3A_956 = arith.index_cast %scan3A_538 : i32 to index
        %get3A_957 = arith.constant 192 : index
        %get3A_958 = tpu.vector_load %arg4[%get3A_956, %get3A_957] {strides = array<i32>} : memref<9x361xf32, #tpu.memory_space<vmem>>, vector<16xf32>,
        %get3A_959 = arith.index_cast %add3A_540 : i32 to index
        %get3A_960 = arith.constant 192 : index
        %get3A_961 = tpu.vector_load %arg4[%get3A_959, %get3A_960] {strides = array<i32>} : memref<9x361xf32, #tpu.memory_space<vmem>>, vector<16xf32>,
        %get3A_962 = arith.index_cast %scan3A_538 : i32 to index
        %get3A_963 = arith.constant 193 : index
        %get3A_964 = tpu.vector_load %arg4[%get3A_962, %get3A_963] {strides = array<i32>} : memref<9x361xf32, #tpu.memory_space<vmem>>, vector<16xf32>,
        %get3A_965 = arith.index_cast %add3A_540 : i32 to index
        %get3A_966 = arith.constant 193 : index
        %get3A_967 = tpu.vector_load %arg4[%get3A_965, %get3A_966] {strides = array<i32>} : memref<9x361xf32, #tpu.memory_space<vmem>>, vector<16xf32>,
        %add3A_968 = arith.addf %get3A_958, %get3A_964 : vector<16xf32>
        %mul3A_969 = arith.constant 5.000000e-01 : f32
        %mul3A_970 = vector.broadcast %mul3A_969 : f32 to vector<16xf32>
        %mul3A_971 = arith.mulf %mul3A_970, %add3A_968 : vector<16xf32>
        %add3A_972 = arith.addf %get3A_958, %get3A_961 : vector<16xf32>
        %mul3A_973 = arith.constant 5.000000e-01 : f32
        %mul3A_974 = vector.broadcast %mul3A_973 : f32 to vector<16xf32>
        %mul3A_975 = arith.mulf %mul3A_974, %add3A_972 : vector<16xf32>
        %add3A_976 = arith.addf %get3A_964, %get3A_967 : vector<16xf32>
        %mul3A_977 = arith.constant 5.000000e-01 : f32
        %mul3A_978 = vector.broadcast %mul3A_977 : f32 to vector<16xf32>
        %mul3A_979 = arith.mulf %mul3A_978, %add3A_976 : vector<16xf32>
        %add3A_980 = arith.addf %mul3A_975, %mul3A_979 : vector<16xf32>
        %mul3A_981 = arith.constant 5.000000e-01 : f32
        %mul3A_982 = vector.broadcast %mul3A_981 : f32 to vector<16xf32>
        %mul3A_983 = arith.mulf %mul3A_982, %add3A_980 : vector<16xf32>
        %add3A_984 = arith.constant 384 : i32
        %add3A_985 = vector.broadcast %add3A_984 : i32 to vector<16xi32>
        %add3A_986 = arith.addi %add3A_985, %mul3A_3 : vector<16xi32>
        %add3A_987 = arith.constant 1 : i32
        %add3A_988 = vector.broadcast %add3A_987 : i32 to vector<16xi32>
        %add3A_989 = arith.addi %add3A_986, %add3A_988 : vector<16xi32>
        tpu.vector_store_idx %arg6[%broadcast_in_dim3A_543, %add3A_986], %get3A_958 : memref<16x721xf32, #tpu.memory_space<vmem>>[vector<16xi32>, vector<16xi32>], vector<16xf32>,
        tpu.vector_store_idx %arg6[%broadcast_in_dim3A_543, %add3A_989], %mul3A_971 : memref<16x721xf32, #tpu.memory_space<vmem>>[vector<16xi32>, vector<16xi32>], vector<16xf32>,
        tpu.vector_store_idx %arg6[%add3A_546, %add3A_986], %mul3A_975 : memref<16x721xf32, #tpu.memory_space<vmem>>[vector<16xi32>, vector<16xi32>], vector<16xf32>,
        tpu.vector_store_idx %arg6[%add3A_546, %add3A_989], %mul3A_983 : memref<16x721xf32, #tpu.memory_space<vmem>>[vector<16xi32>, vector<16xi32>], vector<16xf32>,
        %get3A_990 = arith.index_cast %scan3A_538 : i32 to index
        %get3A_991 = arith.constant 208 : index
        %get3A_992 = tpu.vector_load %arg4[%get3A_990, %get3A_991] {strides = array<i32>} : memref<9x361xf32, #tpu.memory_space<vmem>>, vector<16xf32>,
        %get3A_993 = arith.index_cast %add3A_540 : i32 to index
        %get3A_994 = arith.constant 208 : index
        %get3A_995 = tpu.vector_load %arg4[%get3A_993, %get3A_994] {strides = array<i32>} : memref<9x361xf32, #tpu.memory_space<vmem>>, vector<16xf32>,
        %get3A_996 = arith.index_cast %scan3A_538 : i32 to index
        %get3A_997 = arith.constant 209 : index
        %get3A_998 = tpu.vector_load %arg4[%get3A_996, %get3A_997] {strides = array<i32>} : memref<9x361xf32, #tpu.memory_space<vmem>>, vector<16xf32>,
        %get3A_999 = arith.index_cast %add3A_540 : i32 to index
        %get3A_1000 = arith.constant 209 : index
        %get3A_1001 = tpu.vector_load %arg4[%get3A_999, %get3A_1000] {strides = array<i32>} : memref<9x361xf32, #tpu.memory_space<vmem>>, vector<16xf32>,
        %add3A_1002 = arith.addf %get3A_992, %get3A_998 : vector<16xf32>
        %mul3A_1003 = arith.constant 5.000000e-01 : f32
        %mul3A_1004 = vector.broadcast %mul3A_1003 : f32 to vector<16xf32>
        %mul3A_1005 = arith.mulf %mul3A_1004, %add3A_1002 : vector<16xf32>
        %add3A_1006 = arith.addf %get3A_992, %get3A_995 : vector<16xf32>
        %mul3A_1007 = arith.constant 5.000000e-01 : f32
        %mul3A_1008 = vector.broadcast %mul3A_1007 : f32 to vector<16xf32>
        %mul3A_1009 = arith.mulf %mul3A_1008, %add3A_1006 : vector<16xf32>
        %add3A_1010 = arith.addf %get3A_998, %get3A_1001 : vector<16xf32>
        %mul3A_1011 = arith.constant 5.000000e-01 : f32
        %mul3A_1012 = vector.broadcast %mul3A_1011 : f32 to vector<16xf32>
        %mul3A_1013 = arith.mulf %mul3A_1012, %add3A_1010 : vector<16xf32>
        %add3A_1014 = arith.addf %mul3A_1009, %mul3A_1013 : vector<16xf32>
        %mul3A_1015 = arith.constant 5.000000e-01 : f32
        %mul3A_1016 = vector.broadcast %mul3A_1015 : f32 to vector<16xf32>
        %mul3A_1017 = arith.mulf %mul3A_1016, %add3A_1014 : vector<16xf32>
        %add3A_1018 = arith.constant 416 : i32
        %add3A_1019 = vector.broadcast %add3A_1018 : i32 to vector<16xi32>
        %add3A_1020 = arith.addi %add3A_1019, %mul3A_3 : vector<16xi32>
        %add3A_1021 = arith.constant 1 : i32
        %add3A_1022 = vector.broadcast %add3A_1021 : i32 to vector<16xi32>
        %add3A_1023 = arith.addi %add3A_1020, %add3A_1022 : vector<16xi32>
        tpu.vector_store_idx %arg6[%broadcast_in_dim3A_543, %add3A_1020], %get3A_992 : memref<16x721xf32, #tpu.memory_space<vmem>>[vector<16xi32>, vector<16xi32>], vector<16xf32>,
        tpu.vector_store_idx %arg6[%broadcast_in_dim3A_543, %add3A_1023], %mul3A_1005 : memref<16x721xf32, #tpu.memory_space<vmem>>[vector<16xi32>, vector<16xi32>], vector<16xf32>,
        tpu.vector_store_idx %arg6[%add3A_546, %add3A_1020], %mul3A_1009 : memref<16x721xf32, #tpu.memory_space<vmem>>[vector<16xi32>, vector<16xi32>], vector<16xf32>,
        tpu.vector_store_idx %arg6[%add3A_546, %add3A_1023], %mul3A_1017 : memref<16x721xf32, #tpu.memory_space<vmem>>[vector<16xi32>, vector<16xi32>], vector<16xf32>,
        %get3A_1024 = arith.index_cast %scan3A_538 : i32 to index
        %get3A_1025 = arith.constant 224 : index
        %get3A_1026 = tpu.vector_load %arg4[%get3A_1024, %get3A_1025] {strides = array<i32>} : memref<9x361xf32, #tpu.memory_space<vmem>>, vector<16xf32>,
        %get3A_1027 = arith.index_cast %add3A_540 : i32 to index
        %get3A_1028 = arith.constant 224 : index
        %get3A_1029 = tpu.vector_load %arg4[%get3A_1027, %get3A_1028] {strides = array<i32>} : memref<9x361xf32, #tpu.memory_space<vmem>>, vector<16xf32>,
        %get3A_1030 = arith.index_cast %scan3A_538 : i32 to index
        %get3A_1031 = arith.constant 225 : index
        %get3A_1032 = tpu.vector_load %arg4[%get3A_1030, %get3A_1031] {strides = array<i32>} : memref<9x361xf32, #tpu.memory_space<vmem>>, vector<16xf32>,
        %get3A_1033 = arith.index_cast %add3A_540 : i32 to index
        %get3A_1034 = arith.constant 225 : index
        %get3A_1035 = tpu.vector_load %arg4[%get3A_1033, %get3A_1034] {strides = array<i32>} : memref<9x361xf32, #tpu.memory_space<vmem>>, vector<16xf32>,
        %add3A_1036 = arith.addf %get3A_1026, %get3A_1032 : vector<16xf32>
        %mul3A_1037 = arith.constant 5.000000e-01 : f32
        %mul3A_1038 = vector.broadcast %mul3A_1037 : f32 to vector<16xf32>
        %mul3A_1039 = arith.mulf %mul3A_1038, %add3A_1036 : vector<16xf32>
        %add3A_1040 = arith.addf %get3A_1026, %get3A_1029 : vector<16xf32>
        %mul3A_1041 = arith.constant 5.000000e-01 : f32
        %mul3A_1042 = vector.broadcast %mul3A_1041 : f32 to vector<16xf32>
        %mul3A_1043 = arith.mulf %mul3A_1042, %add3A_1040 : vector<16xf32>
        %add3A_1044 = arith.addf %get3A_1032, %get3A_1035 : vector<16xf32>
        %mul3A_1045 = arith.constant 5.000000e-01 : f32
        %mul3A_1046 = vector.broadcast %mul3A_1045 : f32 to vector<16xf32>
        %mul3A_1047 = arith.mulf %mul3A_1046, %add3A_1044 : vector<16xf32>
        %add3A_1048 = arith.addf %mul3A_1043, %mul3A_1047 : vector<16xf32>
        %mul3A_1049 = arith.constant 5.000000e-01 : f32
        %mul3A_1050 = vector.broadcast %mul3A_1049 : f32 to vector<16xf32>
        %mul3A_1051 = arith.mulf %mul3A_1050, %add3A_1048 : vector<16xf32>
        %add3A_1052 = arith.constant 448 : i32
        %add3A_1053 = vector.broadcast %add3A_1052 : i32 to vector<16xi32>
        %add3A_1054 = arith.addi %add3A_1053, %mul3A_3 : vector<16xi32>
        %add3A_1055 = arith.constant 1 : i32
        %add3A_1056 = vector.broadcast %add3A_1055 : i32 to vector<16xi32>
        %add3A_1057 = arith.addi %add3A_1054, %add3A_1056 : vector<16xi32>
        tpu.vector_store_idx %arg6[%broadcast_in_dim3A_543, %add3A_1054], %get3A_1026 : memref<16x721xf32, #tpu.memory_space<vmem>>[vector<16xi32>, vector<16xi32>], vector<16xf32>,
        tpu.vector_store_idx %arg6[%broadcast_in_dim3A_543, %add3A_1057], %mul3A_1039 : memref<16x721xf32, #tpu.memory_space<vmem>>[vector<16xi32>, vector<16xi32>], vector<16xf32>,
        tpu.vector_store_idx %arg6[%add3A_546, %add3A_1054], %mul3A_1043 : memref<16x721xf32, #tpu.memory_space<vmem>>[vector<16xi32>, vector<16xi32>], vector<16xf32>,
        tpu.vector_store_idx %arg6[%add3A_546, %add3A_1057], %mul3A_1051 : memref<16x721xf32, #tpu.memory_space<vmem>>[vector<16xi32>, vector<16xi32>], vector<16xf32>,
        %get3A_1058 = arith.index_cast %scan3A_538 : i32 to index
        %get3A_1059 = arith.constant 240 : index
        %get3A_1060 = tpu.vector_load %arg4[%get3A_1058, %get3A_1059] {strides = array<i32>} : memref<9x361xf32, #tpu.memory_space<vmem>>, vector<16xf32>,
        %get3A_1061 = arith.index_cast %add3A_540 : i32 to index
        %get3A_1062 = arith.constant 240 : index
        %get3A_1063 = tpu.vector_load %arg4[%get3A_1061, %get3A_1062] {strides = array<i32>} : memref<9x361xf32, #tpu.memory_space<vmem>>, vector<16xf32>,
        %add3A_1064 = arith.constant 241 : i32
        %add3A_1065 = vector.broadcast %add3A_1064 : i32 to vector<16xi32>
        %add3A_1066 = arith.addi %add3A_1065, %iota3A : vector<16xi32>
        %gather3A_1067 = tpu.vector_load_idx %arg4[%broadcast_in_dim3A_547, %add3A_1066] : memref<9x361xf32, #tpu.memory_space<vmem>>[vector<16xi32>, vector<16xi32>], vector<16xf32>,
        %gather3A_1068 = tpu.vector_load_idx %arg4[%broadcast_in_dim3A_548, %add3A_1066] : memref<9x361xf32, #tpu.memory_space<vmem>>[vector<16xi32>, vector<16xi32>], vector<16xf32>,
        %add3A_1069 = arith.addf %get3A_1060, %gather3A_1067 : vector<16xf32>
        %mul3A_1070 = arith.constant 5.000000e-01 : f32
        %mul3A_1071 = vector.broadcast %mul3A_1070 : f32 to vector<16xf32>
        %mul3A_1072 = arith.mulf %mul3A_1071, %add3A_1069 : vector<16xf32>
        %add3A_1073 = arith.addf %get3A_1060, %get3A_1063 : vector<16xf32>
        %mul3A_1074 = arith.constant 5.000000e-01 : f32
        %mul3A_1075 = vector.broadcast %mul3A_1074 : f32 to vector<16xf32>
        %mul3A_1076 = arith.mulf %mul3A_1075, %add3A_1073 : vector<16xf32>
        %add3A_1077 = arith.addf %gather3A_1067, %gather3A_1068 : vector<16xf32>
        %mul3A_1078 = arith.constant 5.000000e-01 : f32
        %mul3A_1079 = vector.broadcast %mul3A_1078 : f32 to vector<16xf32>
        %mul3A_1080 = arith.mulf %mul3A_1079, %add3A_1077 : vector<16xf32>
        %add3A_1081 = arith.addf %mul3A_1076, %mul3A_1080 : vector<16xf32>
        %mul3A_1082 = arith.constant 5.000000e-01 : f32
        %mul3A_1083 = vector.broadcast %mul3A_1082 : f32 to vector<16xf32>
        %mul3A_1084 = arith.mulf %mul3A_1083, %add3A_1081 : vector<16xf32>
        %add3A_1085 = arith.constant 480 : i32
        %add3A_1086 = vector.broadcast %add3A_1085 : i32 to vector<16xi32>
        %add3A_1087 = arith.addi %add3A_1086, %mul3A_3 : vector<16xi32>
        %add3A_1088 = arith.constant 1 : i32
        %add3A_1089 = vector.broadcast %add3A_1088 : i32 to vector<16xi32>
        %add3A_1090 = arith.addi %add3A_1087, %add3A_1089 : vector<16xi32>
        tpu.vector_store_idx %arg6[%broadcast_in_dim3A_543, %add3A_1087], %get3A_1060 : memref<16x721xf32, #tpu.memory_space<vmem>>[vector<16xi32>, vector<16xi32>], vector<16xf32>,
        tpu.vector_store_idx %arg6[%broadcast_in_dim3A_543, %add3A_1090], %mul3A_1072 : memref<16x721xf32, #tpu.memory_space<vmem>>[vector<16xi32>, vector<16xi32>], vector<16xf32>,
        tpu.vector_store_idx %arg6[%add3A_546, %add3A_1087], %mul3A_1076 : memref<16x721xf32, #tpu.memory_space<vmem>>[vector<16xi32>, vector<16xi32>], vector<16xf32>,
        tpu.vector_store_idx %arg6[%add3A_546, %add3A_1090], %mul3A_1084 : memref<16x721xf32, #tpu.memory_space<vmem>>[vector<16xi32>, vector<16xi32>], vector<16xf32>,
        %get3A_1091 = arith.index_cast %scan3A_538 : i32 to index
        %get3A_1092 = arith.constant 256 : index
        %get3A_1093 = tpu.vector_load %arg4[%get3A_1091, %get3A_1092] {strides = array<i32>} : memref<9x361xf32, #tpu.memory_space<vmem>>, vector<16xf32>,
        %get3A_1094 = arith.index_cast %add3A_540 : i32 to index
        %get3A_1095 = arith.constant 256 : index
        %get3A_1096 = tpu.vector_load %arg4[%get3A_1094, %get3A_1095] {strides = array<i32>} : memref<9x361xf32, #tpu.memory_space<vmem>>, vector<16xf32>,
        %get3A_1097 = arith.index_cast %scan3A_538 : i32 to index
        %get3A_1098 = arith.constant 257 : index
        %get3A_1099 = tpu.vector_load %arg4[%get3A_1097, %get3A_1098] {strides = array<i32>} : memref<9x361xf32, #tpu.memory_space<vmem>>, vector<16xf32>,
        %get3A_1100 = arith.index_cast %add3A_540 : i32 to index
        %get3A_1101 = arith.constant 257 : index
        %get3A_1102 = tpu.vector_load %arg4[%get3A_1100, %get3A_1101] {strides = array<i32>} : memref<9x361xf32, #tpu.memory_space<vmem>>, vector<16xf32>,
        %add3A_1103 = arith.addf %get3A_1093, %get3A_1099 : vector<16xf32>
        %mul3A_1104 = arith.constant 5.000000e-01 : f32
        %mul3A_1105 = vector.broadcast %mul3A_1104 : f32 to vector<16xf32>
        %mul3A_1106 = arith.mulf %mul3A_1105, %add3A_1103 : vector<16xf32>
        %add3A_1107 = arith.addf %get3A_1093, %get3A_1096 : vector<16xf32>
        %mul3A_1108 = arith.constant 5.000000e-01 : f32
        %mul3A_1109 = vector.broadcast %mul3A_1108 : f32 to vector<16xf32>
        %mul3A_1110 = arith.mulf %mul3A_1109, %add3A_1107 : vector<16xf32>
        %add3A_1111 = arith.addf %get3A_1099, %get3A_1102 : vector<16xf32>
        %mul3A_1112 = arith.constant 5.000000e-01 : f32
        %mul3A_1113 = vector.broadcast %mul3A_1112 : f32 to vector<16xf32>
        %mul3A_1114 = arith.mulf %mul3A_1113, %add3A_1111 : vector<16xf32>
        %add3A_1115 = arith.addf %mul3A_1110, %mul3A_1114 : vector<16xf32>
        %mul3A_1116 = arith.constant 5.000000e-01 : f32
        %mul3A_1117 = vector.broadcast %mul3A_1116 : f32 to vector<16xf32>
        %mul3A_1118 = arith.mulf %mul3A_1117, %add3A_1115 : vector<16xf32>
        %add3A_1119 = arith.constant 512 : i32
        %add3A_1120 = vector.broadcast %add3A_1119 : i32 to vector<16xi32>
        %add3A_1121 = arith.addi %add3A_1120, %mul3A_3 : vector<16xi32>
        %add3A_1122 = arith.constant 1 : i32
        %add3A_1123 = vector.broadcast %add3A_1122 : i32 to vector<16xi32>
        %add3A_1124 = arith.addi %add3A_1121, %add3A_1123 : vector<16xi32>
        tpu.vector_store_idx %arg6[%broadcast_in_dim3A_543, %add3A_1121], %get3A_1093 : memref<16x721xf32, #tpu.memory_space<vmem>>[vector<16xi32>, vector<16xi32>], vector<16xf32>,
        tpu.vector_store_idx %arg6[%broadcast_in_dim3A_543, %add3A_1124], %mul3A_1106 : memref<16x721xf32, #tpu.memory_space<vmem>>[vector<16xi32>, vector<16xi32>], vector<16xf32>,
        tpu.vector_store_idx %arg6[%add3A_546, %add3A_1121], %mul3A_1110 : memref<16x721xf32, #tpu.memory_space<vmem>>[vector<16xi32>, vector<16xi32>], vector<16xf32>,
        tpu.vector_store_idx %arg6[%add3A_546, %add3A_1124], %mul3A_1118 : memref<16x721xf32, #tpu.memory_space<vmem>>[vector<16xi32>, vector<16xi32>], vector<16xf32>,
        %get3A_1125 = arith.index_cast %scan3A_538 : i32 to index
        %get3A_1126 = arith.constant 272 : index
        %get3A_1127 = tpu.vector_load %arg4[%get3A_1125, %get3A_1126] {strides = array<i32>} : memref<9x361xf32, #tpu.memory_space<vmem>>, vector<16xf32>,
        %get3A_1128 = arith.index_cast %add3A_540 : i32 to index
        %get3A_1129 = arith.constant 272 : index
        %get3A_1130 = tpu.vector_load %arg4[%get3A_1128, %get3A_1129] {strides = array<i32>} : memref<9x361xf32, #tpu.memory_space<vmem>>, vector<16xf32>,
        %get3A_1131 = arith.index_cast %scan3A_538 : i32 to index
        %get3A_1132 = arith.constant 273 : index
        %get3A_1133 = tpu.vector_load %arg4[%get3A_1131, %get3A_1132] {strides = array<i32>} : memref<9x361xf32, #tpu.memory_space<vmem>>, vector<16xf32>,
        %get3A_1134 = arith.index_cast %add3A_540 : i32 to index
        %get3A_1135 = arith.constant 273 : index
        %get3A_1136 = tpu.vector_load %arg4[%get3A_1134, %get3A_1135] {strides = array<i32>} : memref<9x361xf32, #tpu.memory_space<vmem>>, vector<16xf32>,
        %add3A_1137 = arith.addf %get3A_1127, %get3A_1133 : vector<16xf32>
        %mul3A_1138 = arith.constant 5.000000e-01 : f32
        %mul3A_1139 = vector.broadcast %mul3A_1138 : f32 to vector<16xf32>
        %mul3A_1140 = arith.mulf %mul3A_1139, %add3A_1137 : vector<16xf32>
        %add3A_1141 = arith.addf %get3A_1127, %get3A_1130 : vector<16xf32>
        %mul3A_1142 = arith.constant 5.000000e-01 : f32
        %mul3A_1143 = vector.broadcast %mul3A_1142 : f32 to vector<16xf32>
        %mul3A_1144 = arith.mulf %mul3A_1143, %add3A_1141 : vector<16xf32>
        %add3A_1145 = arith.addf %get3A_1133, %get3A_1136 : vector<16xf32>
        %mul3A_1146 = arith.constant 5.000000e-01 : f32
        %mul3A_1147 = vector.broadcast %mul3A_1146 : f32 to vector<16xf32>
        %mul3A_1148 = arith.mulf %mul3A_1147, %add3A_1145 : vector<16xf32>
        %add3A_1149 = arith.addf %mul3A_1144, %mul3A_1148 : vector<16xf32>
        %mul3A_1150 = arith.constant 5.000000e-01 : f32
        %mul3A_1151 = vector.broadcast %mul3A_1150 : f32 to vector<16xf32>
        %mul3A_1152 = arith.mulf %mul3A_1151, %add3A_1149 : vector<16xf32>
        %add3A_1153 = arith.constant 544 : i32
        %add3A_1154 = vector.broadcast %add3A_1153 : i32 to vector<16xi32>
        %add3A_1155 = arith.addi %add3A_1154, %mul3A_3 : vector<16xi32>
        %add3A_1156 = arith.constant 1 : i32
        %add3A_1157 = vector.broadcast %add3A_1156 : i32 to vector<16xi32>
        %add3A_1158 = arith.addi %add3A_1155, %add3A_1157 : vector<16xi32>
        tpu.vector_store_idx %arg6[%broadcast_in_dim3A_543, %add3A_1155], %get3A_1127 : memref<16x721xf32, #tpu.memory_space<vmem>>[vector<16xi32>, vector<16xi32>], vector<16xf32>,
        tpu.vector_store_idx %arg6[%broadcast_in_dim3A_543, %add3A_1158], %mul3A_1140 : memref<16x721xf32, #tpu.memory_space<vmem>>[vector<16xi32>, vector<16xi32>], vector<16xf32>,
        tpu.vector_store_idx %arg6[%add3A_546, %add3A_1155], %mul3A_1144 : memref<16x721xf32, #tpu.memory_space<vmem>>[vector<16xi32>, vector<16xi32>], vector<16xf32>,
        tpu.vector_store_idx %arg6[%add3A_546, %add3A_1158], %mul3A_1152 : memref<16x721xf32, #tpu.memory_space<vmem>>[vector<16xi32>, vector<16xi32>], vector<16xf32>,
        %get3A_1159 = arith.index_cast %scan3A_538 : i32 to index
        %get3A_1160 = arith.constant 288 : index
        %get3A_1161 = tpu.vector_load %arg4[%get3A_1159, %get3A_1160] {strides = array<i32>} : memref<9x361xf32, #tpu.memory_space<vmem>>, vector<16xf32>,
        %get3A_1162 = arith.index_cast %add3A_540 : i32 to index
        %get3A_1163 = arith.constant 288 : index
        %get3A_1164 = tpu.vector_load %arg4[%get3A_1162, %get3A_1163] {strides = array<i32>} : memref<9x361xf32, #tpu.memory_space<vmem>>, vector<16xf32>,
        %get3A_1165 = arith.index_cast %scan3A_538 : i32 to index
        %get3A_1166 = arith.constant 289 : index
        %get3A_1167 = tpu.vector_load %arg4[%get3A_1165, %get3A_1166] {strides = array<i32>} : memref<9x361xf32, #tpu.memory_space<vmem>>, vector<16xf32>,
        %get3A_1168 = arith.index_cast %add3A_540 : i32 to index
        %get3A_1169 = arith.constant 289 : index
        %get3A_1170 = tpu.vector_load %arg4[%get3A_1168, %get3A_1169] {strides = array<i32>} : memref<9x361xf32, #tpu.memory_space<vmem>>, vector<16xf32>,
        %add3A_1171 = arith.addf %get3A_1161, %get3A_1167 : vector<16xf32>
        %mul3A_1172 = arith.constant 5.000000e-01 : f32
        %mul3A_1173 = vector.broadcast %mul3A_1172 : f32 to vector<16xf32>
        %mul3A_1174 = arith.mulf %mul3A_1173, %add3A_1171 : vector<16xf32>
        %add3A_1175 = arith.addf %get3A_1161, %get3A_1164 : vector<16xf32>
        %mul3A_1176 = arith.constant 5.000000e-01 : f32
        %mul3A_1177 = vector.broadcast %mul3A_1176 : f32 to vector<16xf32>
        %mul3A_1178 = arith.mulf %mul3A_1177, %add3A_1175 : vector<16xf32>
        %add3A_1179 = arith.addf %get3A_1167, %get3A_1170 : vector<16xf32>
        %mul3A_1180 = arith.constant 5.000000e-01 : f32
        %mul3A_1181 = vector.broadcast %mul3A_1180 : f32 to vector<16xf32>
        %mul3A_1182 = arith.mulf %mul3A_1181, %add3A_1179 : vector<16xf32>
        %add3A_1183 = arith.addf %mul3A_1178, %mul3A_1182 : vector<16xf32>
        %mul3A_1184 = arith.constant 5.000000e-01 : f32
        %mul3A_1185 = vector.broadcast %mul3A_1184 : f32 to vector<16xf32>
        %mul3A_1186 = arith.mulf %mul3A_1185, %add3A_1183 : vector<16xf32>
        %add3A_1187 = arith.constant 576 : i32
        %add3A_1188 = vector.broadcast %add3A_1187 : i32 to vector<16xi32>
        %add3A_1189 = arith.addi %add3A_1188, %mul3A_3 : vector<16xi32>
        %add3A_1190 = arith.constant 1 : i32
        %add3A_1191 = vector.broadcast %add3A_1190 : i32 to vector<16xi32>
        %add3A_1192 = arith.addi %add3A_1189, %add3A_1191 : vector<16xi32>
        tpu.vector_store_idx %arg6[%broadcast_in_dim3A_543, %add3A_1189], %get3A_1161 : memref<16x721xf32, #tpu.memory_space<vmem>>[vector<16xi32>, vector<16xi32>], vector<16xf32>,
        tpu.vector_store_idx %arg6[%broadcast_in_dim3A_543, %add3A_1192], %mul3A_1174 : memref<16x721xf32, #tpu.memory_space<vmem>>[vector<16xi32>, vector<16xi32>], vector<16xf32>,
        tpu.vector_store_idx %arg6[%add3A_546, %add3A_1189], %mul3A_1178 : memref<16x721xf32, #tpu.memory_space<vmem>>[vector<16xi32>, vector<16xi32>], vector<16xf32>,
        tpu.vector_store_idx %arg6[%add3A_546, %add3A_1192], %mul3A_1186 : memref<16x721xf32, #tpu.memory_space<vmem>>[vector<16xi32>, vector<16xi32>], vector<16xf32>,
        %get3A_1193 = arith.index_cast %scan3A_538 : i32 to index
        %get3A_1194 = arith.constant 304 : index
        %get3A_1195 = tpu.vector_load %arg4[%get3A_1193, %get3A_1194] {strides = array<i32>} : memref<9x361xf32, #tpu.memory_space<vmem>>, vector<16xf32>,
        %get3A_1196 = arith.index_cast %add3A_540 : i32 to index
        %get3A_1197 = arith.constant 304 : index
        %get3A_1198 = tpu.vector_load %arg4[%get3A_1196, %get3A_1197] {strides = array<i32>} : memref<9x361xf32, #tpu.memory_space<vmem>>, vector<16xf32>,
        %get3A_1199 = arith.index_cast %scan3A_538 : i32 to index
        %get3A_1200 = arith.constant 305 : index
        %get3A_1201 = tpu.vector_load %arg4[%get3A_1199, %get3A_1200] {strides = array<i32>} : memref<9x361xf32, #tpu.memory_space<vmem>>, vector<16xf32>,
        %get3A_1202 = arith.index_cast %add3A_540 : i32 to index
        %get3A_1203 = arith.constant 305 : index
        %get3A_1204 = tpu.vector_load %arg4[%get3A_1202, %get3A_1203] {strides = array<i32>} : memref<9x361xf32, #tpu.memory_space<vmem>>, vector<16xf32>,
        %add3A_1205 = arith.addf %get3A_1195, %get3A_1201 : vector<16xf32>
        %mul3A_1206 = arith.constant 5.000000e-01 : f32
        %mul3A_1207 = vector.broadcast %mul3A_1206 : f32 to vector<16xf32>
        %mul3A_1208 = arith.mulf %mul3A_1207, %add3A_1205 : vector<16xf32>
        %add3A_1209 = arith.addf %get3A_1195, %get3A_1198 : vector<16xf32>
        %mul3A_1210 = arith.constant 5.000000e-01 : f32
        %mul3A_1211 = vector.broadcast %mul3A_1210 : f32 to vector<16xf32>
        %mul3A_1212 = arith.mulf %mul3A_1211, %add3A_1209 : vector<16xf32>
        %add3A_1213 = arith.addf %get3A_1201, %get3A_1204 : vector<16xf32>
        %mul3A_1214 = arith.constant 5.000000e-01 : f32
        %mul3A_1215 = vector.broadcast %mul3A_1214 : f32 to vector<16xf32>
        %mul3A_1216 = arith.mulf %mul3A_1215, %add3A_1213 : vector<16xf32>
        %add3A_1217 = arith.addf %mul3A_1212, %mul3A_1216 : vector<16xf32>
        %mul3A_1218 = arith.constant 5.000000e-01 : f32
        %mul3A_1219 = vector.broadcast %mul3A_1218 : f32 to vector<16xf32>
        %mul3A_1220 = arith.mulf %mul3A_1219, %add3A_1217 : vector<16xf32>
        %add3A_1221 = arith.constant 608 : i32
        %add3A_1222 = vector.broadcast %add3A_1221 : i32 to vector<16xi32>
        %add3A_1223 = arith.addi %add3A_1222, %mul3A_3 : vector<16xi32>
        %add3A_1224 = arith.constant 1 : i32
        %add3A_1225 = vector.broadcast %add3A_1224 : i32 to vector<16xi32>
        %add3A_1226 = arith.addi %add3A_1223, %add3A_1225 : vector<16xi32>
        tpu.vector_store_idx %arg6[%broadcast_in_dim3A_543, %add3A_1223], %get3A_1195 : memref<16x721xf32, #tpu.memory_space<vmem>>[vector<16xi32>, vector<16xi32>], vector<16xf32>,
        tpu.vector_store_idx %arg6[%broadcast_in_dim3A_543, %add3A_1226], %mul3A_1208 : memref<16x721xf32, #tpu.memory_space<vmem>>[vector<16xi32>, vector<16xi32>], vector<16xf32>,
        tpu.vector_store_idx %arg6[%add3A_546, %add3A_1223], %mul3A_1212 : memref<16x721xf32, #tpu.memory_space<vmem>>[vector<16xi32>, vector<16xi32>], vector<16xf32>,
        tpu.vector_store_idx %arg6[%add3A_546, %add3A_1226], %mul3A_1220 : memref<16x721xf32, #tpu.memory_space<vmem>>[vector<16xi32>, vector<16xi32>], vector<16xf32>,
        %get3A_1227 = arith.index_cast %scan3A_538 : i32 to index
        %get3A_1228 = arith.constant 320 : index
        %get3A_1229 = tpu.vector_load %arg4[%get3A_1227, %get3A_1228] {strides = array<i32>} : memref<9x361xf32, #tpu.memory_space<vmem>>, vector<16xf32>,
        %get3A_1230 = arith.index_cast %add3A_540 : i32 to index
        %get3A_1231 = arith.constant 320 : index
        %get3A_1232 = tpu.vector_load %arg4[%get3A_1230, %get3A_1231] {strides = array<i32>} : memref<9x361xf32, #tpu.memory_space<vmem>>, vector<16xf32>,
        %get3A_1233 = arith.index_cast %scan3A_538 : i32 to index
        %get3A_1234 = arith.constant 321 : index
        %get3A_1235 = tpu.vector_load %arg4[%get3A_1233, %get3A_1234] {strides = array<i32>} : memref<9x361xf32, #tpu.memory_space<vmem>>, vector<16xf32>,
        %get3A_1236 = arith.index_cast %add3A_540 : i32 to index
        %get3A_1237 = arith.constant 321 : index
        %get3A_1238 = tpu.vector_load %arg4[%get3A_1236, %get3A_1237] {strides = array<i32>} : memref<9x361xf32, #tpu.memory_space<vmem>>, vector<16xf32>,
        %add3A_1239 = arith.addf %get3A_1229, %get3A_1235 : vector<16xf32>
        %mul3A_1240 = arith.constant 5.000000e-01 : f32
        %mul3A_1241 = vector.broadcast %mul3A_1240 : f32 to vector<16xf32>
        %mul3A_1242 = arith.mulf %mul3A_1241, %add3A_1239 : vector<16xf32>
        %add3A_1243 = arith.addf %get3A_1229, %get3A_1232 : vector<16xf32>
        %mul3A_1244 = arith.constant 5.000000e-01 : f32
        %mul3A_1245 = vector.broadcast %mul3A_1244 : f32 to vector<16xf32>
        %mul3A_1246 = arith.mulf %mul3A_1245, %add3A_1243 : vector<16xf32>
        %add3A_1247 = arith.addf %get3A_1235, %get3A_1238 : vector<16xf32>
        %mul3A_1248 = arith.constant 5.000000e-01 : f32
        %mul3A_1249 = vector.broadcast %mul3A_1248 : f32 to vector<16xf32>
        %mul3A_1250 = arith.mulf %mul3A_1249, %add3A_1247 : vector<16xf32>
        %add3A_1251 = arith.addf %mul3A_1246, %mul3A_1250 : vector<16xf32>
        %mul3A_1252 = arith.constant 5.000000e-01 : f32
        %mul3A_1253 = vector.broadcast %mul3A_1252 : f32 to vector<16xf32>
        %mul3A_1254 = arith.mulf %mul3A_1253, %add3A_1251 : vector<16xf32>
        %add3A_1255 = arith.constant 640 : i32
        %add3A_1256 = vector.broadcast %add3A_1255 : i32 to vector<16xi32>
        %add3A_1257 = arith.addi %add3A_1256, %mul3A_3 : vector<16xi32>
        %add3A_1258 = arith.constant 1 : i32
        %add3A_1259 = vector.broadcast %add3A_1258 : i32 to vector<16xi32>
        %add3A_1260 = arith.addi %add3A_1257, %add3A_1259 : vector<16xi32>
        tpu.vector_store_idx %arg6[%broadcast_in_dim3A_543, %add3A_1257], %get3A_1229 : memref<16x721xf32, #tpu.memory_space<vmem>>[vector<16xi32>, vector<16xi32>], vector<16xf32>,
        tpu.vector_store_idx %arg6[%broadcast_in_dim3A_543, %add3A_1260], %mul3A_1242 : memref<16x721xf32, #tpu.memory_space<vmem>>[vector<16xi32>, vector<16xi32>], vector<16xf32>,
        tpu.vector_store_idx %arg6[%add3A_546, %add3A_1257], %mul3A_1246 : memref<16x721xf32, #tpu.memory_space<vmem>>[vector<16xi32>, vector<16xi32>], vector<16xf32>,
        tpu.vector_store_idx %arg6[%add3A_546, %add3A_1260], %mul3A_1254 : memref<16x721xf32, #tpu.memory_space<vmem>>[vector<16xi32>, vector<16xi32>], vector<16xf32>,
        %get3A_1261 = arith.index_cast %scan3A_538 : i32 to index
        %get3A_1262 = arith.constant 336 : index
        %get3A_1263 = tpu.vector_load %arg4[%get3A_1261, %get3A_1262] {strides = array<i32>} : memref<9x361xf32, #tpu.memory_space<vmem>>, vector<16xf32>,
        %get3A_1264 = arith.index_cast %add3A_540 : i32 to index
        %get3A_1265 = arith.constant 336 : index
        %get3A_1266 = tpu.vector_load %arg4[%get3A_1264, %get3A_1265] {strides = array<i32>} : memref<9x361xf32, #tpu.memory_space<vmem>>, vector<16xf32>,
        %get3A_1267 = arith.index_cast %scan3A_538 : i32 to index
        %get3A_1268 = arith.constant 337 : index
        %get3A_1269 = tpu.vector_load %arg4[%get3A_1267, %get3A_1268] {strides = array<i32>} : memref<9x361xf32, #tpu.memory_space<vmem>>, vector<16xf32>,
        %get3A_1270 = arith.index_cast %add3A_540 : i32 to index
        %get3A_1271 = arith.constant 337 : index
        %get3A_1272 = tpu.vector_load %arg4[%get3A_1270, %get3A_1271] {strides = array<i32>} : memref<9x361xf32, #tpu.memory_space<vmem>>, vector<16xf32>,
        %add3A_1273 = arith.addf %get3A_1263, %get3A_1269 : vector<16xf32>
        %mul3A_1274 = arith.constant 5.000000e-01 : f32
        %mul3A_1275 = vector.broadcast %mul3A_1274 : f32 to vector<16xf32>
        %mul3A_1276 = arith.mulf %mul3A_1275, %add3A_1273 : vector<16xf32>
        %add3A_1277 = arith.addf %get3A_1263, %get3A_1266 : vector<16xf32>
        %mul3A_1278 = arith.constant 5.000000e-01 : f32
        %mul3A_1279 = vector.broadcast %mul3A_1278 : f32 to vector<16xf32>
        %mul3A_1280 = arith.mulf %mul3A_1279, %add3A_1277 : vector<16xf32>
        %add3A_1281 = arith.addf %get3A_1269, %get3A_1272 : vector<16xf32>
        %mul3A_1282 = arith.constant 5.000000e-01 : f32
        %mul3A_1283 = vector.broadcast %mul3A_1282 : f32 to vector<16xf32>
        %mul3A_1284 = arith.mulf %mul3A_1283, %add3A_1281 : vector<16xf32>
        %add3A_1285 = arith.addf %mul3A_1280, %mul3A_1284 : vector<16xf32>
        %mul3A_1286 = arith.constant 5.000000e-01 : f32
        %mul3A_1287 = vector.broadcast %mul3A_1286 : f32 to vector<16xf32>
        %mul3A_1288 = arith.mulf %mul3A_1287, %add3A_1285 : vector<16xf32>
        %add3A_1289 = arith.constant 672 : i32
        %add3A_1290 = vector.broadcast %add3A_1289 : i32 to vector<16xi32>
        %add3A_1291 = arith.addi %add3A_1290, %mul3A_3 : vector<16xi32>
        %add3A_1292 = arith.constant 1 : i32
        %add3A_1293 = vector.broadcast %add3A_1292 : i32 to vector<16xi32>
        %add3A_1294 = arith.addi %add3A_1291, %add3A_1293 : vector<16xi32>
        tpu.vector_store_idx %arg6[%broadcast_in_dim3A_543, %add3A_1291], %get3A_1263 : memref<16x721xf32, #tpu.memory_space<vmem>>[vector<16xi32>, vector<16xi32>], vector<16xf32>,
        tpu.vector_store_idx %arg6[%broadcast_in_dim3A_543, %add3A_1294], %mul3A_1276 : memref<16x721xf32, #tpu.memory_space<vmem>>[vector<16xi32>, vector<16xi32>], vector<16xf32>,
        tpu.vector_store_idx %arg6[%add3A_546, %add3A_1291], %mul3A_1280 : memref<16x721xf32, #tpu.memory_space<vmem>>[vector<16xi32>, vector<16xi32>], vector<16xf32>,
        tpu.vector_store_idx %arg6[%add3A_546, %add3A_1294], %mul3A_1288 : memref<16x721xf32, #tpu.memory_space<vmem>>[vector<16xi32>, vector<16xi32>], vector<16xf32>,
        %add3A_1295 = arith.constant 352 : i32
        %add3A_1296 = vector.broadcast %add3A_1295 : i32 to vector<16xi32>
        %add3A_1297 = arith.addi %add3A_1296, %iota3A : vector<16xi32>
        %min3A_1298 = arith.constant 360 : i32
        %min3A_1299 = vector.broadcast %min3A_1298 : i32 to vector<16xi32>
        %min3A_1300 = arith.minsi %add3A_1297, %min3A_1299 : vector<16xi32>
        %add3A_1301 = arith.constant 353 : i32
        %add3A_1302 = vector.broadcast %add3A_1301 : i32 to vector<16xi32>
        %add3A_1303 = arith.addi %add3A_1302, %iota3A : vector<16xi32>
        %min3A_1304 = arith.constant 360 : i32
        %min3A_1305 = vector.broadcast %min3A_1304 : i32 to vector<16xi32>
        %min3A_1306 = arith.minsi %add3A_1303, %min3A_1305 : vector<16xi32>
        %gather3A_1307 = tpu.vector_load_idx %arg4[%broadcast_in_dim3A_547, %min3A_1300] : memref<9x361xf32, #tpu.memory_space<vmem>>[vector<16xi32>, vector<16xi32>], vector<16xf32>,
        %gather3A_1308 = tpu.vector_load_idx %arg4[%broadcast_in_dim3A_548, %min3A_1300] : memref<9x361xf32, #tpu.memory_space<vmem>>[vector<16xi32>, vector<16xi32>], vector<16xf32>,
        %gather3A_1309 = tpu.vector_load_idx %arg4[%broadcast_in_dim3A_547, %min3A_1306] : memref<9x361xf32, #tpu.memory_space<vmem>>[vector<16xi32>, vector<16xi32>], vector<16xf32>,
        %gather3A_1310 = tpu.vector_load_idx %arg4[%broadcast_in_dim3A_548, %min3A_1306] : memref<9x361xf32, #tpu.memory_space<vmem>>[vector<16xi32>, vector<16xi32>], vector<16xf32>,
        %add3A_1311 = arith.addf %gather3A_1307, %gather3A_1309 : vector<16xf32>
        %mul3A_1312 = arith.constant 5.000000e-01 : f32
        %mul3A_1313 = vector.broadcast %mul3A_1312 : f32 to vector<16xf32>
        %mul3A_1314 = arith.mulf %mul3A_1313, %add3A_1311 : vector<16xf32>
        %add3A_1315 = arith.addf %gather3A_1307, %gather3A_1308 : vector<16xf32>
        %mul3A_1316 = arith.constant 5.000000e-01 : f32
        %mul3A_1317 = vector.broadcast %mul3A_1316 : f32 to vector<16xf32>
        %mul3A_1318 = arith.mulf %mul3A_1317, %add3A_1315 : vector<16xf32>
        %add3A_1319 = arith.addf %gather3A_1309, %gather3A_1310 : vector<16xf32>
        %mul3A_1320 = arith.constant 5.000000e-01 : f32
        %mul3A_1321 = vector.broadcast %mul3A_1320 : f32 to vector<16xf32>
        %mul3A_1322 = arith.mulf %mul3A_1321, %add3A_1319 : vector<16xf32>
        %add3A_1323 = arith.addf %mul3A_1318, %mul3A_1322 : vector<16xf32>
        %mul3A_1324 = arith.constant 5.000000e-01 : f32
        %mul3A_1325 = vector.broadcast %mul3A_1324 : f32 to vector<16xf32>
        %mul3A_1326 = arith.mulf %mul3A_1325, %add3A_1323 : vector<16xf32>
        %add3A_1327 = arith.constant 704 : i32
        %add3A_1328 = vector.broadcast %add3A_1327 : i32 to vector<16xi32>
        %add3A_1329 = arith.addi %add3A_1328, %mul3A_3 : vector<16xi32>
        %add3A_1330 = arith.constant 1 : i32
        %add3A_1331 = vector.broadcast %add3A_1330 : i32 to vector<16xi32>
        %add3A_1332 = arith.addi %add3A_1329, %add3A_1331 : vector<16xi32>
        %min3A_1333 = arith.constant 720 : i32
        %min3A_1334 = vector.broadcast %min3A_1333 : i32 to vector<16xi32>
        %min3A_1335 = arith.minsi %add3A_1329, %min3A_1334 : vector<16xi32>
        %min3A_1336 = arith.constant 720 : i32
        %min3A_1337 = vector.broadcast %min3A_1336 : i32 to vector<16xi32>
        %min3A_1338 = arith.minsi %add3A_1332, %min3A_1337 : vector<16xi32>
        tpu.vector_store_idx %arg6[%broadcast_in_dim3A_543, %min3A_1335], %gather3A_1307 masked %lt3A_5 : memref<16x721xf32, #tpu.memory_space<vmem>>[vector<16xi32>, vector<16xi32>], vector<16xf32>, vector<16xi1>
        tpu.vector_store_idx %arg6[%broadcast_in_dim3A_543, %min3A_1338], %mul3A_1314 masked %lt3A_8 : memref<16x721xf32, #tpu.memory_space<vmem>>[vector<16xi32>, vector<16xi32>], vector<16xf32>, vector<16xi1>
        tpu.vector_store_idx %arg6[%add3A_546, %min3A_1335], %mul3A_1318 masked %lt3A_5 : memref<16x721xf32, #tpu.memory_space<vmem>>[vector<16xi32>, vector<16xi32>], vector<16xf32>, vector<16xi1>
        tpu.vector_store_idx %arg6[%add3A_546, %min3A_1338], %mul3A_1326 masked %lt3A_8 : memref<16x721xf32, #tpu.memory_space<vmem>>[vector<16xi32>, vector<16xi32>], vector<16xf32>, vector<16xi1>
      }
      %scan3A_289 = arith.constant 8 : i32
      %mul3A_290 = arith.constant 16 : i32
      %mul3A_291 = arith.muli %mul3A_290, %add3A_84 : i32
      %dma_start3A_292 = arith.constant 0 : i32
      %dma_start3A_293 = arith.constant 0 : i32
      %dma_start3A_294 = tpu.memref_slice %arg3[%dma_start3A_292, %add3A, %mul3A_291, %dma_start3A_293] : memref<1x32x1440x721xf32, #tpu.memory_space<hbm>> -> memref<1x1x16x721xf32, #tpu.memory_space<hbm>>
      %dma_start3A_295 = tpu.memref_squeeze %dma_start3A_294 : memref<1x1x16x721xf32, #tpu.memory_space<hbm>> -> memref<16x721xf32, #tpu.memory_space<hbm>>
      %dma_start3A_296 = arith.constant 0 : i32
      %dma_start3A_297 = tpu.memref_slice %arg3[%dma_start3A_292, %add3A, %mul3A_291, %dma_start3A_296] : memref<1x32x1440x721xf32, #tpu.memory_space<hbm>> -> memref<1x1x16x721xf32, #tpu.memory_space<hbm>>
      %dma_start3A_298 = tpu.memref_squeeze %dma_start3A_297 : memref<1x1x16x721xf32, #tpu.memory_space<hbm>> -> memref<16x721xf32, #tpu.memory_space<hbm>>
      tpu.enqueue_dma source(%arg6 : memref<16x721xf32, #tpu.memory_space<vmem>>) target(%dma_start3A_298 : memref<16x721xf32, #tpu.memory_space<hbm>>) target_semaphore(%arg10 : memref<!tpu.dma_semaphore, #tpu.memory_space<semaphore_mem>>)
      %add3A_299 = arith.constant 2 : i32
      %add3A_300 = arith.addi %add3A_84, %add3A_299 : i32
      %le3A = arith.constant 90 : i32
      %le3A_301 = arith.cmpi sle, %add3A_300, %le3A : i32
      %convert_element_type3A_302 = arith.extui %le3A_301 : i1 to i32
      %cond3A_303 = arith.constant 0 : i32
      %cond3A_304 = arith.cmpi ne, %convert_element_type3A_302, %cond3A_303 : i32
      scf.if %cond3A_304 {
        %add3A_538 = arith.constant 2 : i32
        %add3A_539 = arith.addi %add3A_84, %add3A_538 : i32
        %rem3A_540 = arith.constant 90 : i32
        %rem3A_541 = arith.remsi %add3A_539, %rem3A_540 : i32
        %mul3A_542 = arith.constant 8 : i32
        %mul3A_543 = arith.muli %mul3A_542, %rem3A_541 : i32
        %dma_start3A_544 = arith.constant 0 : i32
        %dma_start3A_545 = arith.constant 0 : i32
        %dma_start3A_546 = arith.constant 0 : i32
        %dma_start3A_547 = tpu.memref_slice %arg4[%dma_start3A_545, %dma_start3A_546] : memref<9x361xf32, #tpu.memory_space<vmem>> -> memref<8x361xf32, #tpu.memory_space<vmem>>
        %dma_start3A_548 = arith.constant 0 : i32
        %dma_start3A_549 = tpu.memref_slice %arg2[%dma_start3A_544, %add3A, %mul3A_543, %dma_start3A_548] : memref<1x32x720x361xf32, #tpu.memory_space<hbm>> -> memref<1x1x8x361xf32, #tpu.memory_space<hbm>>
        %dma_start3A_550 = tpu.memref_squeeze %dma_start3A_549 : memref<1x1x8x361xf32, #tpu.memory_space<hbm>> -> memref<8x361xf32, #tpu.memory_space<hbm>>
        %dma_start3A_551 = arith.constant 0 : i32
        %dma_start3A_552 = arith.constant 0 : i32
        %dma_start3A_553 = tpu.memref_slice %arg4[%dma_start3A_551, %dma_start3A_552] : memref<9x361xf32, #tpu.memory_space<vmem>> -> memref<8x361xf32, #tpu.memory_space<vmem>>
        %dma_start3A_554 = arith.constant 0 : i32
        %dma_start3A_555 = tpu.memref_slice %arg2[%dma_start3A_544, %add3A, %mul3A_543, %dma_start3A_554] : memref<1x32x720x361xf32, #tpu.memory_space<hbm>> -> memref<1x1x8x361xf32, #tpu.memory_space<hbm>>
        %dma_start3A_556 = tpu.memref_squeeze %dma_start3A_555 : memref<1x1x8x361xf32, #tpu.memory_space<hbm>> -> memref<8x361xf32, #tpu.memory_space<hbm>>
        tpu.enqueue_dma source(%dma_start3A_556 : memref<8x361xf32, #tpu.memory_space<hbm>>) target(%dma_start3A_553 : memref<8x361xf32, #tpu.memory_space<vmem>>) target_semaphore(%arg8 : memref<!tpu.dma_semaphore, #tpu.memory_space<semaphore_mem>>)
      } else {
      }
      %mul3A_305 = arith.constant 2 : i32
      %mul3A_306 = arith.muli %mul3A_305, %scan3A_80 : i32
      %add3A_307 = arith.constant 1 : i32
      %add3A_308 = arith.addi %mul3A_306, %add3A_307 : i32
      %dma_wait3A_309 = arith.constant 0 : i32
      %dma_wait3A_310 = arith.constant 0 : i32
      %dma_wait3A_311 = arith.constant 0 : i32
      %dma_wait3A_312 = tpu.memref_slice %arg4[%dma_wait3A_310, %dma_wait3A_311] : memref<9x361xf32, #tpu.memory_space<vmem>> -> memref<8x361xf32, #tpu.memory_space<vmem>>
      %dma_wait3A_313 = arith.constant 0 : i32
      %dma_wait3A_314 = arith.constant 0 : i32
      %dma_wait3A_315 = tpu.memref_slice %arg2[%dma_wait3A_309, %add3A, %dma_wait3A_313, %dma_wait3A_314] : memref<1x32x720x361xf32, #tpu.memory_space<hbm>> -> memref<1x1x8x361xf32, #tpu.memory_space<hbm>>
      %dma_wait3A_316 = tpu.memref_squeeze %dma_wait3A_315 : memref<1x1x8x361xf32, #tpu.memory_space<hbm>> -> memref<8x361xf32, #tpu.memory_space<hbm>>
      %dma_wait3A_317 = arith.constant 0 : i32
      %dma_wait3A_318 = arith.constant 0 : i32
      %dma_wait3A_319 = tpu.memref_slice %arg4[%dma_wait3A_317, %dma_wait3A_318] : memref<9x361xf32, #tpu.memory_space<vmem>> -> memref<8x361xf32, #tpu.memory_space<vmem>>
      %dma_wait3A_320 = arith.constant 0 : i32
      %dma_wait3A_321 = arith.constant 0 : i32
      %dma_wait3A_322 = tpu.memref_slice %arg2[%dma_wait3A_309, %add3A, %dma_wait3A_320, %dma_wait3A_321] : memref<1x32x720x361xf32, #tpu.memory_space<hbm>> -> memref<1x1x8x361xf32, #tpu.memory_space<hbm>>
      %dma_wait3A_323 = tpu.memref_squeeze %dma_wait3A_322 : memref<1x1x8x361xf32, #tpu.memory_space<hbm>> -> memref<8x361xf32, #tpu.memory_space<hbm>>
      tpu.wait_dma2 semaphore(%arg8 : memref<!tpu.dma_semaphore, #tpu.memory_space<semaphore_mem>>) src(%dma_wait3A_323 : memref<8x361xf32, #tpu.memory_space<hbm>>) dst(%dma_wait3A_319 : memref<8x361xf32, #tpu.memory_space<vmem>>)
      %get3A_324 = arith.constant 0 : i32
      %get3A_325 = arith.index_cast %get3A_324 : i32 to index
      %get3A_326 = arith.constant 0 : index
      %get3A_327 = tpu.vector_load %arg4[%get3A_325, %get3A_326] {strides = array<i32>} : memref<9x361xf32, #tpu.memory_space<vmem>>, vector<16xf32>,
      %swap3A_328 = arith.constant 8 : i32
      %swap3A_329 = arith.index_cast %swap3A_328 : i32 to index
      %swap3A_330 = arith.constant 0 : index
      %swap3A_331 = tpu.vector_load %arg5[%swap3A_329, %swap3A_330] {strides = array<i32>} : memref<9x361xf32, #tpu.memory_space<vmem>>, vector<16xf32>,
      tpu.vector_store %arg5[%swap3A_329, %swap3A_330], %get3A_327 {strides = array<i32>} : memref<9x361xf32, #tpu.memory_space<vmem>>, vector<16xf32>,
      %get3A_332 = arith.constant 0 : i32
      %get3A_333 = arith.index_cast %get3A_332 : i32 to index
      %get3A_334 = arith.constant 16 : index
      %get3A_335 = tpu.vector_load %arg4[%get3A_333, %get3A_334] {strides = array<i32>} : memref<9x361xf32, #tpu.memory_space<vmem>>, vector<16xf32>,
      %swap3A_336 = arith.constant 8 : i32
      %swap3A_337 = arith.index_cast %swap3A_336 : i32 to index
      %swap3A_338 = arith.constant 16 : index
      %swap3A_339 = tpu.vector_load %arg5[%swap3A_337, %swap3A_338] {strides = array<i32>} : memref<9x361xf32, #tpu.memory_space<vmem>>, vector<16xf32>,
      tpu.vector_store %arg5[%swap3A_337, %swap3A_338], %get3A_335 {strides = array<i32>} : memref<9x361xf32, #tpu.memory_space<vmem>>, vector<16xf32>,
      %get3A_340 = arith.constant 0 : i32
      %get3A_341 = arith.index_cast %get3A_340 : i32 to index
      %get3A_342 = arith.constant 32 : index
      %get3A_343 = tpu.vector_load %arg4[%get3A_341, %get3A_342] {strides = array<i32>} : memref<9x361xf32, #tpu.memory_space<vmem>>, vector<16xf32>,
      %swap3A_344 = arith.constant 8 : i32
      %swap3A_345 = arith.index_cast %swap3A_344 : i32 to index
      %swap3A_346 = arith.constant 32 : index
      %swap3A_347 = tpu.vector_load %arg5[%swap3A_345, %swap3A_346] {strides = array<i32>} : memref<9x361xf32, #tpu.memory_space<vmem>>, vector<16xf32>,
      tpu.vector_store %arg5[%swap3A_345, %swap3A_346], %get3A_343 {strides = array<i32>} : memref<9x361xf32, #tpu.memory_space<vmem>>, vector<16xf32>,
      %get3A_348 = arith.constant 0 : i32
      %get3A_349 = arith.index_cast %get3A_348 : i32 to index
      %get3A_350 = arith.constant 48 : index
      %get3A_351 = tpu.vector_load %arg4[%get3A_349, %get3A_350] {strides = array<i32>} : memref<9x361xf32, #tpu.memory_space<vmem>>, vector<16xf32>,
      %swap3A_352 = arith.constant 8 : i32
      %swap3A_353 = arith.index_cast %swap3A_352 : i32 to index
      %swap3A_354 = arith.constant 48 : index
      %swap3A_355 = tpu.vector_load %arg5[%swap3A_353, %swap3A_354] {strides = array<i32>} : memref<9x361xf32, #tpu.memory_space<vmem>>, vector<16xf32>,
      tpu.vector_store %arg5[%swap3A_353, %swap3A_354], %get3A_351 {strides = array<i32>} : memref<9x361xf32, #tpu.memory_space<vmem>>, vector<16xf32>,
      %get3A_356 = arith.constant 0 : i32
      %get3A_357 = arith.index_cast %get3A_356 : i32 to index
      %get3A_358 = arith.constant 64 : index
      %get3A_359 = tpu.vector_load %arg4[%get3A_357, %get3A_358] {strides = array<i32>} : memref<9x361xf32, #tpu.memory_space<vmem>>, vector<16xf32>,
      %swap3A_360 = arith.constant 8 : i32
      %swap3A_361 = arith.index_cast %swap3A_360 : i32 to index
      %swap3A_362 = arith.constant 64 : index
      %swap3A_363 = tpu.vector_load %arg5[%swap3A_361, %swap3A_362] {strides = array<i32>} : memref<9x361xf32, #tpu.memory_space<vmem>>, vector<16xf32>,
      tpu.vector_store %arg5[%swap3A_361, %swap3A_362], %get3A_359 {strides = array<i32>} : memref<9x361xf32, #tpu.memory_space<vmem>>, vector<16xf32>,
      %get3A_364 = arith.constant 0 : i32
      %get3A_365 = arith.index_cast %get3A_364 : i32 to index
      %get3A_366 = arith.constant 80 : index
      %get3A_367 = tpu.vector_load %arg4[%get3A_365, %get3A_366] {strides = array<i32>} : memref<9x361xf32, #tpu.memory_space<vmem>>, vector<16xf32>,
      %swap3A_368 = arith.constant 8 : i32
      %swap3A_369 = arith.index_cast %swap3A_368 : i32 to index
      %swap3A_370 = arith.constant 80 : index
      %swap3A_371 = tpu.vector_load %arg5[%swap3A_369, %swap3A_370] {strides = array<i32>} : memref<9x361xf32, #tpu.memory_space<vmem>>, vector<16xf32>,
      tpu.vector_store %arg5[%swap3A_369, %swap3A_370], %get3A_367 {strides = array<i32>} : memref<9x361xf32, #tpu.memory_space<vmem>>, vector<16xf32>,
      %get3A_372 = arith.constant 0 : i32
      %get3A_373 = arith.index_cast %get3A_372 : i32 to index
      %get3A_374 = arith.constant 96 : index
      %get3A_375 = tpu.vector_load %arg4[%get3A_373, %get3A_374] {strides = array<i32>} : memref<9x361xf32, #tpu.memory_space<vmem>>, vector<16xf32>,
      %swap3A_376 = arith.constant 8 : i32
      %swap3A_377 = arith.index_cast %swap3A_376 : i32 to index
      %swap3A_378 = arith.constant 96 : index
      %swap3A_379 = tpu.vector_load %arg5[%swap3A_377, %swap3A_378] {strides = array<i32>} : memref<9x361xf32, #tpu.memory_space<vmem>>, vector<16xf32>,
      tpu.vector_store %arg5[%swap3A_377, %swap3A_378], %get3A_375 {strides = array<i32>} : memref<9x361xf32, #tpu.memory_space<vmem>>, vector<16xf32>,
      %get3A_380 = arith.constant 0 : i32
      %get3A_381 = arith.index_cast %get3A_380 : i32 to index
      %get3A_382 = arith.constant 112 : index
      %get3A_383 = tpu.vector_load %arg4[%get3A_381, %get3A_382] {strides = array<i32>} : memref<9x361xf32, #tpu.memory_space<vmem>>, vector<16xf32>,
      %swap3A_384 = arith.constant 8 : i32
      %swap3A_385 = arith.index_cast %swap3A_384 : i32 to index
      %swap3A_386 = arith.constant 112 : index
      %swap3A_387 = tpu.vector_load %arg5[%swap3A_385, %swap3A_386] {strides = array<i32>} : memref<9x361xf32, #tpu.memory_space<vmem>>, vector<16xf32>,
      tpu.vector_store %arg5[%swap3A_385, %swap3A_386], %get3A_383 {strides = array<i32>} : memref<9x361xf32, #tpu.memory_space<vmem>>, vector<16xf32>,
      %get3A_388 = arith.constant 0 : i32
      %get3A_389 = arith.index_cast %get3A_388 : i32 to index
      %get3A_390 = arith.constant 128 : index
      %get3A_391 = tpu.vector_load %arg4[%get3A_389, %get3A_390] {strides = array<i32>} : memref<9x361xf32, #tpu.memory_space<vmem>>, vector<16xf32>,
      %swap3A_392 = arith.constant 8 : i32
      %swap3A_393 = arith.index_cast %swap3A_392 : i32 to index
      %swap3A_394 = arith.constant 128 : index
      %swap3A_395 = tpu.vector_load %arg5[%swap3A_393, %swap3A_394] {strides = array<i32>} : memref<9x361xf32, #tpu.memory_space<vmem>>, vector<16xf32>,
      tpu.vector_store %arg5[%swap3A_393, %swap3A_394], %get3A_391 {strides = array<i32>} : memref<9x361xf32, #tpu.memory_space<vmem>>, vector<16xf32>,
      %get3A_396 = arith.constant 0 : i32
      %get3A_397 = arith.index_cast %get3A_396 : i32 to index
      %get3A_398 = arith.constant 144 : index
      %get3A_399 = tpu.vector_load %arg4[%get3A_397, %get3A_398] {strides = array<i32>} : memref<9x361xf32, #tpu.memory_space<vmem>>, vector<16xf32>,
      %swap3A_400 = arith.constant 8 : i32
      %swap3A_401 = arith.index_cast %swap3A_400 : i32 to index
      %swap3A_402 = arith.constant 144 : index
      %swap3A_403 = tpu.vector_load %arg5[%swap3A_401, %swap3A_402] {strides = array<i32>} : memref<9x361xf32, #tpu.memory_space<vmem>>, vector<16xf32>,
      tpu.vector_store %arg5[%swap3A_401, %swap3A_402], %get3A_399 {strides = array<i32>} : memref<9x361xf32, #tpu.memory_space<vmem>>, vector<16xf32>,
      %get3A_404 = arith.constant 0 : i32
      %get3A_405 = arith.index_cast %get3A_404 : i32 to index
      %get3A_406 = arith.constant 160 : index
      %get3A_407 = tpu.vector_load %arg4[%get3A_405, %get3A_406] {strides = array<i32>} : memref<9x361xf32, #tpu.memory_space<vmem>>, vector<16xf32>,
      %swap3A_408 = arith.constant 8 : i32
      %swap3A_409 = arith.index_cast %swap3A_408 : i32 to index
      %swap3A_410 = arith.constant 160 : index
      %swap3A_411 = tpu.vector_load %arg5[%swap3A_409, %swap3A_410] {strides = array<i32>} : memref<9x361xf32, #tpu.memory_space<vmem>>, vector<16xf32>,
      tpu.vector_store %arg5[%swap3A_409, %swap3A_410], %get3A_407 {strides = array<i32>} : memref<9x361xf32, #tpu.memory_space<vmem>>, vector<16xf32>,
      %get3A_412 = arith.constant 0 : i32
      %get3A_413 = arith.index_cast %get3A_412 : i32 to index
      %get3A_414 = arith.constant 176 : index
      %get3A_415 = tpu.vector_load %arg4[%get3A_413, %get3A_414] {strides = array<i32>} : memref<9x361xf32, #tpu.memory_space<vmem>>, vector<16xf32>,
      %swap3A_416 = arith.constant 8 : i32
      %swap3A_417 = arith.index_cast %swap3A_416 : i32 to index
      %swap3A_418 = arith.constant 176 : index
      %swap3A_419 = tpu.vector_load %arg5[%swap3A_417, %swap3A_418] {strides = array<i32>} : memref<9x361xf32, #tpu.memory_space<vmem>>, vector<16xf32>,
      tpu.vector_store %arg5[%swap3A_417, %swap3A_418], %get3A_415 {strides = array<i32>} : memref<9x361xf32, #tpu.memory_space<vmem>>, vector<16xf32>,
      %get3A_420 = arith.constant 0 : i32
      %get3A_421 = arith.index_cast %get3A_420 : i32 to index
      %get3A_422 = arith.constant 192 : index
      %get3A_423 = tpu.vector_load %arg4[%get3A_421, %get3A_422] {strides = array<i32>} : memref<9x361xf32, #tpu.memory_space<vmem>>, vector<16xf32>,
      %swap3A_424 = arith.constant 8 : i32
      %swap3A_425 = arith.index_cast %swap3A_424 : i32 to index
      %swap3A_426 = arith.constant 192 : index
      %swap3A_427 = tpu.vector_load %arg5[%swap3A_425, %swap3A_426] {strides = array<i32>} : memref<9x361xf32, #tpu.memory_space<vmem>>, vector<16xf32>,
      tpu.vector_store %arg5[%swap3A_425, %swap3A_426], %get3A_423 {strides = array<i32>} : memref<9x361xf32, #tpu.memory_space<vmem>>, vector<16xf32>,
      %get3A_428 = arith.constant 0 : i32
      %get3A_429 = arith.index_cast %get3A_428 : i32 to index
      %get3A_430 = arith.constant 208 : index
      %get3A_431 = tpu.vector_load %arg4[%get3A_429, %get3A_430] {strides = array<i32>} : memref<9x361xf32, #tpu.memory_space<vmem>>, vector<16xf32>,
      %swap3A_432 = arith.constant 8 : i32
      %swap3A_433 = arith.index_cast %swap3A_432 : i32 to index
      %swap3A_434 = arith.constant 208 : index
      %swap3A_435 = tpu.vector_load %arg5[%swap3A_433, %swap3A_434] {strides = array<i32>} : memref<9x361xf32, #tpu.memory_space<vmem>>, vector<16xf32>,
      tpu.vector_store %arg5[%swap3A_433, %swap3A_434], %get3A_431 {strides = array<i32>} : memref<9x361xf32, #tpu.memory_space<vmem>>, vector<16xf32>,
      %get3A_436 = arith.constant 0 : i32
      %get3A_437 = arith.index_cast %get3A_436 : i32 to index
      %get3A_438 = arith.constant 224 : index
      %get3A_439 = tpu.vector_load %arg4[%get3A_437, %get3A_438] {strides = array<i32>} : memref<9x361xf32, #tpu.memory_space<vmem>>, vector<16xf32>,
      %swap3A_440 = arith.constant 8 : i32
      %swap3A_441 = arith.index_cast %swap3A_440 : i32 to index
      %swap3A_442 = arith.constant 224 : index
      %swap3A_443 = tpu.vector_load %arg5[%swap3A_441, %swap3A_442] {strides = array<i32>} : memref<9x361xf32, #tpu.memory_space<vmem>>, vector<16xf32>,
      tpu.vector_store %arg5[%swap3A_441, %swap3A_442], %get3A_439 {strides = array<i32>} : memref<9x361xf32, #tpu.memory_space<vmem>>, vector<16xf32>,
      %get3A_444 = arith.constant 0 : i32
      %get3A_445 = arith.index_cast %get3A_444 : i32 to index
      %get3A_446 = arith.constant 240 : index
      %get3A_447 = tpu.vector_load %arg4[%get3A_445, %get3A_446] {strides = array<i32>} : memref<9x361xf32, #tpu.memory_space<vmem>>, vector<16xf32>,
      %swap3A_448 = arith.constant 8 : i32
      %swap3A_449 = arith.index_cast %swap3A_448 : i32 to index
      %swap3A_450 = arith.constant 240 : index
      %swap3A_451 = tpu.vector_load %arg5[%swap3A_449, %swap3A_450] {strides = array<i32>} : memref<9x361xf32, #tpu.memory_space<vmem>>, vector<16xf32>,
      tpu.vector_store %arg5[%swap3A_449, %swap3A_450], %get3A_447 {strides = array<i32>} : memref<9x361xf32, #tpu.memory_space<vmem>>, vector<16xf32>,
      %get3A_452 = arith.constant 0 : i32
      %get3A_453 = arith.index_cast %get3A_452 : i32 to index
      %get3A_454 = arith.constant 256 : index
      %get3A_455 = tpu.vector_load %arg4[%get3A_453, %get3A_454] {strides = array<i32>} : memref<9x361xf32, #tpu.memory_space<vmem>>, vector<16xf32>,
      %swap3A_456 = arith.constant 8 : i32
      %swap3A_457 = arith.index_cast %swap3A_456 : i32 to index
      %swap3A_458 = arith.constant 256 : index
      %swap3A_459 = tpu.vector_load %arg5[%swap3A_457, %swap3A_458] {strides = array<i32>} : memref<9x361xf32, #tpu.memory_space<vmem>>, vector<16xf32>,
      tpu.vector_store %arg5[%swap3A_457, %swap3A_458], %get3A_455 {strides = array<i32>} : memref<9x361xf32, #tpu.memory_space<vmem>>, vector<16xf32>,
      %get3A_460 = arith.constant 0 : i32
      %get3A_461 = arith.index_cast %get3A_460 : i32 to index
      %get3A_462 = arith.constant 272 : index
      %get3A_463 = tpu.vector_load %arg4[%get3A_461, %get3A_462] {strides = array<i32>} : memref<9x361xf32, #tpu.memory_space<vmem>>, vector<16xf32>,
      %swap3A_464 = arith.constant 8 : i32
      %swap3A_465 = arith.index_cast %swap3A_464 : i32 to index
      %swap3A_466 = arith.constant 272 : index
      %swap3A_467 = tpu.vector_load %arg5[%swap3A_465, %swap3A_466] {strides = array<i32>} : memref<9x361xf32, #tpu.memory_space<vmem>>, vector<16xf32>,
      tpu.vector_store %arg5[%swap3A_465, %swap3A_466], %get3A_463 {strides = array<i32>} : memref<9x361xf32, #tpu.memory_space<vmem>>, vector<16xf32>,
      %get3A_468 = arith.constant 0 : i32
      %get3A_469 = arith.index_cast %get3A_468 : i32 to index
      %get3A_470 = arith.constant 288 : index
      %get3A_471 = tpu.vector_load %arg4[%get3A_469, %get3A_470] {strides = array<i32>} : memref<9x361xf32, #tpu.memory_space<vmem>>, vector<16xf32>,
      %swap3A_472 = arith.constant 8 : i32
      %swap3A_473 = arith.index_cast %swap3A_472 : i32 to index
      %swap3A_474 = arith.constant 288 : index
      %swap3A_475 = tpu.vector_load %arg5[%swap3A_473, %swap3A_474] {strides = array<i32>} : memref<9x361xf32, #tpu.memory_space<vmem>>, vector<16xf32>,
      tpu.vector_store %arg5[%swap3A_473, %swap3A_474], %get3A_471 {strides = array<i32>} : memref<9x361xf32, #tpu.memory_space<vmem>>, vector<16xf32>,
      %get3A_476 = arith.constant 0 : i32
      %get3A_477 = arith.index_cast %get3A_476 : i32 to index
      %get3A_478 = arith.constant 304 : index
      %get3A_479 = tpu.vector_load %arg4[%get3A_477, %get3A_478] {strides = array<i32>} : memref<9x361xf32, #tpu.memory_space<vmem>>, vector<16xf32>,
      %swap3A_480 = arith.constant 8 : i32
      %swap3A_481 = arith.index_cast %swap3A_480 : i32 to index
      %swap3A_482 = arith.constant 304 : index
      %swap3A_483 = tpu.vector_load %arg5[%swap3A_481, %swap3A_482] {strides = array<i32>} : memref<9x361xf32, #tpu.memory_space<vmem>>, vector<16xf32>,
      tpu.vector_store %arg5[%swap3A_481, %swap3A_482], %get3A_479 {strides = array<i32>} : memref<9x361xf32, #tpu.memory_space<vmem>>, vector<16xf32>,
      %get3A_484 = arith.constant 0 : i32
      %get3A_485 = arith.index_cast %get3A_484 : i32 to index
      %get3A_486 = arith.constant 320 : index
      %get3A_487 = tpu.vector_load %arg4[%get3A_485, %get3A_486] {strides = array<i32>} : memref<9x361xf32, #tpu.memory_space<vmem>>, vector<16xf32>,
      %swap3A_488 = arith.constant 8 : i32
      %swap3A_489 = arith.index_cast %swap3A_488 : i32 to index
      %swap3A_490 = arith.constant 320 : index
      %swap3A_491 = tpu.vector_load %arg5[%swap3A_489, %swap3A_490] {strides = array<i32>} : memref<9x361xf32, #tpu.memory_space<vmem>>, vector<16xf32>,
      tpu.vector_store %arg5[%swap3A_489, %swap3A_490], %get3A_487 {strides = array<i32>} : memref<9x361xf32, #tpu.memory_space<vmem>>, vector<16xf32>,
      %get3A_492 = arith.constant 0 : i32
      %get3A_493 = arith.index_cast %get3A_492 : i32 to index
      %get3A_494 = arith.constant 336 : index
      %get3A_495 = tpu.vector_load %arg4[%get3A_493, %get3A_494] {strides = array<i32>} : memref<9x361xf32, #tpu.memory_space<vmem>>, vector<16xf32>,
      %swap3A_496 = arith.constant 8 : i32
      %swap3A_497 = arith.index_cast %swap3A_496 : i32 to index
      %swap3A_498 = arith.constant 336 : index
      %swap3A_499 = tpu.vector_load %arg5[%swap3A_497, %swap3A_498] {strides = array<i32>} : memref<9x361xf32, #tpu.memory_space<vmem>>, vector<16xf32>,
      tpu.vector_store %arg5[%swap3A_497, %swap3A_498], %get3A_495 {strides = array<i32>} : memref<9x361xf32, #tpu.memory_space<vmem>>, vector<16xf32>,
      %add3A_500 = arith.constant 352 : i32
      %add3A_501 = vector.broadcast %add3A_500 : i32 to vector<16xi32>
      %add3A_502 = arith.addi %add3A_501, %iota3A : vector<16xi32>
      %min3A_503 = arith.constant 360 : i32
      %min3A_504 = vector.broadcast %min3A_503 : i32 to vector<16xi32>
      %min3A_505 = arith.minsi %add3A_502, %min3A_504 : vector<16xi32>
      %broadcast_in_dim3A_506 = arith.constant 0 : i32
      %broadcast_in_dim3A_507 = vector.broadcast %broadcast_in_dim3A_506 : i32 to vector<16xi32>
      %gather3A_508 = tpu.vector_load_idx %arg4[%broadcast_in_dim3A_507, %min3A_505] : memref<9x361xf32, #tpu.memory_space<vmem>>[vector<16xi32>, vector<16xi32>], vector<16xf32>,
      %broadcast_in_dim3A_509 = arith.constant 8 : i32
      %broadcast_in_dim3A_510 = vector.broadcast %broadcast_in_dim3A_509 : i32 to vector<16xi32>
      tpu.vector_store_idx %arg5[%broadcast_in_dim3A_510, %min3A_505], %gather3A_508 masked %lt3A_5 : memref<9x361xf32, #tpu.memory_space<vmem>>[vector<16xi32>, vector<16xi32>], vector<16xf32>, vector<16xi1>
      %ge3A_511 = arith.constant 1 : i32
      %ge3A_512 = arith.cmpi sge, %scan3A_80, %ge3A_511 : i32
      %convert_element_type3A_513 = arith.extui %ge3A_512 : i1 to i32
      %cond3A_514 = arith.constant 0 : i32
      %cond3A_515 = arith.cmpi ne, %convert_element_type3A_513, %cond3A_514 : i32
      scf.if %cond3A_515 {
        %dma_wait3A_538 = arith.constant 0 : i32
        %dma_wait3A_539 = arith.constant 0 : i32
        %dma_wait3A_540 = arith.constant 0 : i32
        %dma_wait3A_541 = tpu.memref_slice %arg3[%dma_wait3A_538, %add3A, %dma_wait3A_539, %dma_wait3A_540] : memref<1x32x1440x721xf32, #tpu.memory_space<hbm>> -> memref<1x1x16x721xf32, #tpu.memory_space<hbm>>
        %dma_wait3A_542 = tpu.memref_squeeze %dma_wait3A_541 : memref<1x1x16x721xf32, #tpu.memory_space<hbm>> -> memref<16x721xf32, #tpu.memory_space<hbm>>
        %dma_wait3A_543 = arith.constant 0 : i32
        %dma_wait3A_544 = arith.constant 0 : i32
        %dma_wait3A_545 = tpu.memref_slice %arg3[%dma_wait3A_538, %add3A, %dma_wait3A_543, %dma_wait3A_544] : memref<1x32x1440x721xf32, #tpu.memory_space<hbm>> -> memref<1x1x16x721xf32, #tpu.memory_space<hbm>>
        %dma_wait3A_546 = tpu.memref_squeeze %dma_wait3A_545 : memref<1x1x16x721xf32, #tpu.memory_space<hbm>> -> memref<16x721xf32, #tpu.memory_space<hbm>>
        tpu.wait_dma2 semaphore(%arg11 : memref<!tpu.dma_semaphore, #tpu.memory_space<semaphore_mem>>) src(%arg7 : memref<16x721xf32, #tpu.memory_space<vmem>>) dst(%dma_wait3A_546 : memref<16x721xf32, #tpu.memory_space<hbm>>)
      } else {
      }
      %scan3A_516 = arith.constant 0 : i32
      %scan3A_517 = arith.constant 0 : i32
      %scan3A_518 = arith.constant 8 : i32
      %scan3A_519 = arith.addi %scan3A_517, %scan3A_518 : i32
      %scan3A_520 = arith.constant 1 : i32
      scf.for %scan3A_538 = %scan3A_517 to %scan3A_519 step %scan3A_520  : i32 {
        %add3A_539 = arith.constant 1 : i32
        %add3A_540 = arith.addi %scan3A_538, %add3A_539 : i32
        %mul3A_541 = arith.constant 2 : i32
        %mul3A_542 = arith.muli %mul3A_541, %scan3A_538 : i32
        %broadcast_in_dim3A_543 = vector.broadcast %mul3A_542 : i32 to vector<16xi32>
        %add3A_544 = arith.constant 1 : i32
        %add3A_545 = vector.broadcast %add3A_544 : i32 to vector<16xi32>
        %add3A_546 = arith.addi %broadcast_in_dim3A_543, %add3A_545 : vector<16xi32>
        %broadcast_in_dim3A_547 = vector.broadcast %scan3A_538 : i32 to vector<16xi32>
        %broadcast_in_dim3A_548 = vector.broadcast %add3A_540 : i32 to vector<16xi32>
        %get3A_549 = arith.index_cast %scan3A_538 : i32 to index
        %get3A_550 = arith.constant 0 : index
        %get3A_551 = tpu.vector_load %arg5[%get3A_549, %get3A_550] {strides = array<i32>} : memref<9x361xf32, #tpu.memory_space<vmem>>, vector<16xf32>,
        %get3A_552 = arith.index_cast %add3A_540 : i32 to index
        %get3A_553 = arith.constant 0 : index
        %get3A_554 = tpu.vector_load %arg5[%get3A_552, %get3A_553] {strides = array<i32>} : memref<9x361xf32, #tpu.memory_space<vmem>>, vector<16xf32>,
        %get3A_555 = arith.index_cast %scan3A_538 : i32 to index
        %get3A_556 = arith.constant 1 : index
        %get3A_557 = tpu.vector_load %arg5[%get3A_555, %get3A_556] {strides = array<i32>} : memref<9x361xf32, #tpu.memory_space<vmem>>, vector<16xf32>,
        %get3A_558 = arith.index_cast %add3A_540 : i32 to index
        %get3A_559 = arith.constant 1 : index
        %get3A_560 = tpu.vector_load %arg5[%get3A_558, %get3A_559] {strides = array<i32>} : memref<9x361xf32, #tpu.memory_space<vmem>>, vector<16xf32>,
        %add3A_561 = arith.addf %get3A_551, %get3A_557 : vector<16xf32>
        %mul3A_562 = arith.constant 5.000000e-01 : f32
        %mul3A_563 = vector.broadcast %mul3A_562 : f32 to vector<16xf32>
        %mul3A_564 = arith.mulf %mul3A_563, %add3A_561 : vector<16xf32>
        %add3A_565 = arith.addf %get3A_551, %get3A_554 : vector<16xf32>
        %mul3A_566 = arith.constant 5.000000e-01 : f32
        %mul3A_567 = vector.broadcast %mul3A_566 : f32 to vector<16xf32>
        %mul3A_568 = arith.mulf %mul3A_567, %add3A_565 : vector<16xf32>
        %add3A_569 = arith.addf %get3A_557, %get3A_560 : vector<16xf32>
        %mul3A_570 = arith.constant 5.000000e-01 : f32
        %mul3A_571 = vector.broadcast %mul3A_570 : f32 to vector<16xf32>
        %mul3A_572 = arith.mulf %mul3A_571, %add3A_569 : vector<16xf32>
        %add3A_573 = arith.addf %mul3A_568, %mul3A_572 : vector<16xf32>
        %mul3A_574 = arith.constant 5.000000e-01 : f32
        %mul3A_575 = vector.broadcast %mul3A_574 : f32 to vector<16xf32>
        %mul3A_576 = arith.mulf %mul3A_575, %add3A_573 : vector<16xf32>
        %add3A_577 = arith.constant 0 : i32
        %add3A_578 = vector.broadcast %add3A_577 : i32 to vector<16xi32>
        %add3A_579 = arith.addi %add3A_578, %mul3A_3 : vector<16xi32>
        %add3A_580 = arith.constant 1 : i32
        %add3A_581 = vector.broadcast %add3A_580 : i32 to vector<16xi32>
        %add3A_582 = arith.addi %add3A_579, %add3A_581 : vector<16xi32>
        tpu.vector_store_idx %arg7[%broadcast_in_dim3A_543, %add3A_579], %get3A_551 : memref<16x721xf32, #tpu.memory_space<vmem>>[vector<16xi32>, vector<16xi32>], vector<16xf32>,
        tpu.vector_store_idx %arg7[%broadcast_in_dim3A_543, %add3A_582], %mul3A_564 : memref<16x721xf32, #tpu.memory_space<vmem>>[vector<16xi32>, vector<16xi32>], vector<16xf32>,
        tpu.vector_store_idx %arg7[%add3A_546, %add3A_579], %mul3A_568 : memref<16x721xf32, #tpu.memory_space<vmem>>[vector<16xi32>, vector<16xi32>], vector<16xf32>,
        tpu.vector_store_idx %arg7[%add3A_546, %add3A_582], %mul3A_576 : memref<16x721xf32, #tpu.memory_space<vmem>>[vector<16xi32>, vector<16xi32>], vector<16xf32>,
        %get3A_583 = arith.index_cast %scan3A_538 : i32 to index
        %get3A_584 = arith.constant 16 : index
        %get3A_585 = tpu.vector_load %arg5[%get3A_583, %get3A_584] {strides = array<i32>} : memref<9x361xf32, #tpu.memory_space<vmem>>, vector<16xf32>,
        %get3A_586 = arith.index_cast %add3A_540 : i32 to index
        %get3A_587 = arith.constant 16 : index
        %get3A_588 = tpu.vector_load %arg5[%get3A_586, %get3A_587] {strides = array<i32>} : memref<9x361xf32, #tpu.memory_space<vmem>>, vector<16xf32>,
        %get3A_589 = arith.index_cast %scan3A_538 : i32 to index
        %get3A_590 = arith.constant 17 : index
        %get3A_591 = tpu.vector_load %arg5[%get3A_589, %get3A_590] {strides = array<i32>} : memref<9x361xf32, #tpu.memory_space<vmem>>, vector<16xf32>,
        %get3A_592 = arith.index_cast %add3A_540 : i32 to index
        %get3A_593 = arith.constant 17 : index
        %get3A_594 = tpu.vector_load %arg5[%get3A_592, %get3A_593] {strides = array<i32>} : memref<9x361xf32, #tpu.memory_space<vmem>>, vector<16xf32>,
        %add3A_595 = arith.addf %get3A_585, %get3A_591 : vector<16xf32>
        %mul3A_596 = arith.constant 5.000000e-01 : f32
        %mul3A_597 = vector.broadcast %mul3A_596 : f32 to vector<16xf32>
        %mul3A_598 = arith.mulf %mul3A_597, %add3A_595 : vector<16xf32>
        %add3A_599 = arith.addf %get3A_585, %get3A_588 : vector<16xf32>
        %mul3A_600 = arith.constant 5.000000e-01 : f32
        %mul3A_601 = vector.broadcast %mul3A_600 : f32 to vector<16xf32>
        %mul3A_602 = arith.mulf %mul3A_601, %add3A_599 : vector<16xf32>
        %add3A_603 = arith.addf %get3A_591, %get3A_594 : vector<16xf32>
        %mul3A_604 = arith.constant 5.000000e-01 : f32
        %mul3A_605 = vector.broadcast %mul3A_604 : f32 to vector<16xf32>
        %mul3A_606 = arith.mulf %mul3A_605, %add3A_603 : vector<16xf32>
        %add3A_607 = arith.addf %mul3A_602, %mul3A_606 : vector<16xf32>
        %mul3A_608 = arith.constant 5.000000e-01 : f32
        %mul3A_609 = vector.broadcast %mul3A_608 : f32 to vector<16xf32>
        %mul3A_610 = arith.mulf %mul3A_609, %add3A_607 : vector<16xf32>
        %add3A_611 = arith.constant 32 : i32
        %add3A_612 = vector.broadcast %add3A_611 : i32 to vector<16xi32>
        %add3A_613 = arith.addi %add3A_612, %mul3A_3 : vector<16xi32>
        %add3A_614 = arith.constant 1 : i32
        %add3A_615 = vector.broadcast %add3A_614 : i32 to vector<16xi32>
        %add3A_616 = arith.addi %add3A_613, %add3A_615 : vector<16xi32>
        tpu.vector_store_idx %arg7[%broadcast_in_dim3A_543, %add3A_613], %get3A_585 : memref<16x721xf32, #tpu.memory_space<vmem>>[vector<16xi32>, vector<16xi32>], vector<16xf32>,
        tpu.vector_store_idx %arg7[%broadcast_in_dim3A_543, %add3A_616], %mul3A_598 : memref<16x721xf32, #tpu.memory_space<vmem>>[vector<16xi32>, vector<16xi32>], vector<16xf32>,
        tpu.vector_store_idx %arg7[%add3A_546, %add3A_613], %mul3A_602 : memref<16x721xf32, #tpu.memory_space<vmem>>[vector<16xi32>, vector<16xi32>], vector<16xf32>,
        tpu.vector_store_idx %arg7[%add3A_546, %add3A_616], %mul3A_610 : memref<16x721xf32, #tpu.memory_space<vmem>>[vector<16xi32>, vector<16xi32>], vector<16xf32>,
        %get3A_617 = arith.index_cast %scan3A_538 : i32 to index
        %get3A_618 = arith.constant 32 : index
        %get3A_619 = tpu.vector_load %arg5[%get3A_617, %get3A_618] {strides = array<i32>} : memref<9x361xf32, #tpu.memory_space<vmem>>, vector<16xf32>,
        %get3A_620 = arith.index_cast %add3A_540 : i32 to index
        %get3A_621 = arith.constant 32 : index
        %get3A_622 = tpu.vector_load %arg5[%get3A_620, %get3A_621] {strides = array<i32>} : memref<9x361xf32, #tpu.memory_space<vmem>>, vector<16xf32>,
        %get3A_623 = arith.index_cast %scan3A_538 : i32 to index
        %get3A_624 = arith.constant 33 : index
        %get3A_625 = tpu.vector_load %arg5[%get3A_623, %get3A_624] {strides = array<i32>} : memref<9x361xf32, #tpu.memory_space<vmem>>, vector<16xf32>,
        %get3A_626 = arith.index_cast %add3A_540 : i32 to index
        %get3A_627 = arith.constant 33 : index
        %get3A_628 = tpu.vector_load %arg5[%get3A_626, %get3A_627] {strides = array<i32>} : memref<9x361xf32, #tpu.memory_space<vmem>>, vector<16xf32>,
        %add3A_629 = arith.addf %get3A_619, %get3A_625 : vector<16xf32>
        %mul3A_630 = arith.constant 5.000000e-01 : f32
        %mul3A_631 = vector.broadcast %mul3A_630 : f32 to vector<16xf32>
        %mul3A_632 = arith.mulf %mul3A_631, %add3A_629 : vector<16xf32>
        %add3A_633 = arith.addf %get3A_619, %get3A_622 : vector<16xf32>
        %mul3A_634 = arith.constant 5.000000e-01 : f32
        %mul3A_635 = vector.broadcast %mul3A_634 : f32 to vector<16xf32>
        %mul3A_636 = arith.mulf %mul3A_635, %add3A_633 : vector<16xf32>
        %add3A_637 = arith.addf %get3A_625, %get3A_628 : vector<16xf32>
        %mul3A_638 = arith.constant 5.000000e-01 : f32
        %mul3A_639 = vector.broadcast %mul3A_638 : f32 to vector<16xf32>
        %mul3A_640 = arith.mulf %mul3A_639, %add3A_637 : vector<16xf32>
        %add3A_641 = arith.addf %mul3A_636, %mul3A_640 : vector<16xf32>
        %mul3A_642 = arith.constant 5.000000e-01 : f32
        %mul3A_643 = vector.broadcast %mul3A_642 : f32 to vector<16xf32>
        %mul3A_644 = arith.mulf %mul3A_643, %add3A_641 : vector<16xf32>
        %add3A_645 = arith.constant 64 : i32
        %add3A_646 = vector.broadcast %add3A_645 : i32 to vector<16xi32>
        %add3A_647 = arith.addi %add3A_646, %mul3A_3 : vector<16xi32>
        %add3A_648 = arith.constant 1 : i32
        %add3A_649 = vector.broadcast %add3A_648 : i32 to vector<16xi32>
        %add3A_650 = arith.addi %add3A_647, %add3A_649 : vector<16xi32>
        tpu.vector_store_idx %arg7[%broadcast_in_dim3A_543, %add3A_647], %get3A_619 : memref<16x721xf32, #tpu.memory_space<vmem>>[vector<16xi32>, vector<16xi32>], vector<16xf32>,
        tpu.vector_store_idx %arg7[%broadcast_in_dim3A_543, %add3A_650], %mul3A_632 : memref<16x721xf32, #tpu.memory_space<vmem>>[vector<16xi32>, vector<16xi32>], vector<16xf32>,
        tpu.vector_store_idx %arg7[%add3A_546, %add3A_647], %mul3A_636 : memref<16x721xf32, #tpu.memory_space<vmem>>[vector<16xi32>, vector<16xi32>], vector<16xf32>,
        tpu.vector_store_idx %arg7[%add3A_546, %add3A_650], %mul3A_644 : memref<16x721xf32, #tpu.memory_space<vmem>>[vector<16xi32>, vector<16xi32>], vector<16xf32>,
        %get3A_651 = arith.index_cast %scan3A_538 : i32 to index
        %get3A_652 = arith.constant 48 : index
        %get3A_653 = tpu.vector_load %arg5[%get3A_651, %get3A_652] {strides = array<i32>} : memref<9x361xf32, #tpu.memory_space<vmem>>, vector<16xf32>,
        %get3A_654 = arith.index_cast %add3A_540 : i32 to index
        %get3A_655 = arith.constant 48 : index
        %get3A_656 = tpu.vector_load %arg5[%get3A_654, %get3A_655] {strides = array<i32>} : memref<9x361xf32, #tpu.memory_space<vmem>>, vector<16xf32>,
        %get3A_657 = arith.index_cast %scan3A_538 : i32 to index
        %get3A_658 = arith.constant 49 : index
        %get3A_659 = tpu.vector_load %arg5[%get3A_657, %get3A_658] {strides = array<i32>} : memref<9x361xf32, #tpu.memory_space<vmem>>, vector<16xf32>,
        %get3A_660 = arith.index_cast %add3A_540 : i32 to index
        %get3A_661 = arith.constant 49 : index
        %get3A_662 = tpu.vector_load %arg5[%get3A_660, %get3A_661] {strides = array<i32>} : memref<9x361xf32, #tpu.memory_space<vmem>>, vector<16xf32>,
        %add3A_663 = arith.addf %get3A_653, %get3A_659 : vector<16xf32>
        %mul3A_664 = arith.constant 5.000000e-01 : f32
        %mul3A_665 = vector.broadcast %mul3A_664 : f32 to vector<16xf32>
        %mul3A_666 = arith.mulf %mul3A_665, %add3A_663 : vector<16xf32>
        %add3A_667 = arith.addf %get3A_653, %get3A_656 : vector<16xf32>
        %mul3A_668 = arith.constant 5.000000e-01 : f32
        %mul3A_669 = vector.broadcast %mul3A_668 : f32 to vector<16xf32>
        %mul3A_670 = arith.mulf %mul3A_669, %add3A_667 : vector<16xf32>
        %add3A_671 = arith.addf %get3A_659, %get3A_662 : vector<16xf32>
        %mul3A_672 = arith.constant 5.000000e-01 : f32
        %mul3A_673 = vector.broadcast %mul3A_672 : f32 to vector<16xf32>
        %mul3A_674 = arith.mulf %mul3A_673, %add3A_671 : vector<16xf32>
        %add3A_675 = arith.addf %mul3A_670, %mul3A_674 : vector<16xf32>
        %mul3A_676 = arith.constant 5.000000e-01 : f32
        %mul3A_677 = vector.broadcast %mul3A_676 : f32 to vector<16xf32>
        %mul3A_678 = arith.mulf %mul3A_677, %add3A_675 : vector<16xf32>
        %add3A_679 = arith.constant 96 : i32
        %add3A_680 = vector.broadcast %add3A_679 : i32 to vector<16xi32>
        %add3A_681 = arith.addi %add3A_680, %mul3A_3 : vector<16xi32>
        %add3A_682 = arith.constant 1 : i32
        %add3A_683 = vector.broadcast %add3A_682 : i32 to vector<16xi32>
        %add3A_684 = arith.addi %add3A_681, %add3A_683 : vector<16xi32>
        tpu.vector_store_idx %arg7[%broadcast_in_dim3A_543, %add3A_681], %get3A_653 : memref<16x721xf32, #tpu.memory_space<vmem>>[vector<16xi32>, vector<16xi32>], vector<16xf32>,
        tpu.vector_store_idx %arg7[%broadcast_in_dim3A_543, %add3A_684], %mul3A_666 : memref<16x721xf32, #tpu.memory_space<vmem>>[vector<16xi32>, vector<16xi32>], vector<16xf32>,
        tpu.vector_store_idx %arg7[%add3A_546, %add3A_681], %mul3A_670 : memref<16x721xf32, #tpu.memory_space<vmem>>[vector<16xi32>, vector<16xi32>], vector<16xf32>,
        tpu.vector_store_idx %arg7[%add3A_546, %add3A_684], %mul3A_678 : memref<16x721xf32, #tpu.memory_space<vmem>>[vector<16xi32>, vector<16xi32>], vector<16xf32>,
        %get3A_685 = arith.index_cast %scan3A_538 : i32 to index
        %get3A_686 = arith.constant 64 : index
        %get3A_687 = tpu.vector_load %arg5[%get3A_685, %get3A_686] {strides = array<i32>} : memref<9x361xf32, #tpu.memory_space<vmem>>, vector<16xf32>,
        %get3A_688 = arith.index_cast %add3A_540 : i32 to index
        %get3A_689 = arith.constant 64 : index
        %get3A_690 = tpu.vector_load %arg5[%get3A_688, %get3A_689] {strides = array<i32>} : memref<9x361xf32, #tpu.memory_space<vmem>>, vector<16xf32>,
        %get3A_691 = arith.index_cast %scan3A_538 : i32 to index
        %get3A_692 = arith.constant 65 : index
        %get3A_693 = tpu.vector_load %arg5[%get3A_691, %get3A_692] {strides = array<i32>} : memref<9x361xf32, #tpu.memory_space<vmem>>, vector<16xf32>,
        %get3A_694 = arith.index_cast %add3A_540 : i32 to index
        %get3A_695 = arith.constant 65 : index
        %get3A_696 = tpu.vector_load %arg5[%get3A_694, %get3A_695] {strides = array<i32>} : memref<9x361xf32, #tpu.memory_space<vmem>>, vector<16xf32>,
        %add3A_697 = arith.addf %get3A_687, %get3A_693 : vector<16xf32>
        %mul3A_698 = arith.constant 5.000000e-01 : f32
        %mul3A_699 = vector.broadcast %mul3A_698 : f32 to vector<16xf32>
        %mul3A_700 = arith.mulf %mul3A_699, %add3A_697 : vector<16xf32>
        %add3A_701 = arith.addf %get3A_687, %get3A_690 : vector<16xf32>
        %mul3A_702 = arith.constant 5.000000e-01 : f32
        %mul3A_703 = vector.broadcast %mul3A_702 : f32 to vector<16xf32>
        %mul3A_704 = arith.mulf %mul3A_703, %add3A_701 : vector<16xf32>
        %add3A_705 = arith.addf %get3A_693, %get3A_696 : vector<16xf32>
        %mul3A_706 = arith.constant 5.000000e-01 : f32
        %mul3A_707 = vector.broadcast %mul3A_706 : f32 to vector<16xf32>
        %mul3A_708 = arith.mulf %mul3A_707, %add3A_705 : vector<16xf32>
        %add3A_709 = arith.addf %mul3A_704, %mul3A_708 : vector<16xf32>
        %mul3A_710 = arith.constant 5.000000e-01 : f32
        %mul3A_711 = vector.broadcast %mul3A_710 : f32 to vector<16xf32>
        %mul3A_712 = arith.mulf %mul3A_711, %add3A_709 : vector<16xf32>
        %add3A_713 = arith.constant 128 : i32
        %add3A_714 = vector.broadcast %add3A_713 : i32 to vector<16xi32>
        %add3A_715 = arith.addi %add3A_714, %mul3A_3 : vector<16xi32>
        %add3A_716 = arith.constant 1 : i32
        %add3A_717 = vector.broadcast %add3A_716 : i32 to vector<16xi32>
        %add3A_718 = arith.addi %add3A_715, %add3A_717 : vector<16xi32>
        tpu.vector_store_idx %arg7[%broadcast_in_dim3A_543, %add3A_715], %get3A_687 : memref<16x721xf32, #tpu.memory_space<vmem>>[vector<16xi32>, vector<16xi32>], vector<16xf32>,
        tpu.vector_store_idx %arg7[%broadcast_in_dim3A_543, %add3A_718], %mul3A_700 : memref<16x721xf32, #tpu.memory_space<vmem>>[vector<16xi32>, vector<16xi32>], vector<16xf32>,
        tpu.vector_store_idx %arg7[%add3A_546, %add3A_715], %mul3A_704 : memref<16x721xf32, #tpu.memory_space<vmem>>[vector<16xi32>, vector<16xi32>], vector<16xf32>,
        tpu.vector_store_idx %arg7[%add3A_546, %add3A_718], %mul3A_712 : memref<16x721xf32, #tpu.memory_space<vmem>>[vector<16xi32>, vector<16xi32>], vector<16xf32>,
        %get3A_719 = arith.index_cast %scan3A_538 : i32 to index
        %get3A_720 = arith.constant 80 : index
        %get3A_721 = tpu.vector_load %arg5[%get3A_719, %get3A_720] {strides = array<i32>} : memref<9x361xf32, #tpu.memory_space<vmem>>, vector<16xf32>,
        %get3A_722 = arith.index_cast %add3A_540 : i32 to index
        %get3A_723 = arith.constant 80 : index
        %get3A_724 = tpu.vector_load %arg5[%get3A_722, %get3A_723] {strides = array<i32>} : memref<9x361xf32, #tpu.memory_space<vmem>>, vector<16xf32>,
        %get3A_725 = arith.index_cast %scan3A_538 : i32 to index
        %get3A_726 = arith.constant 81 : index
        %get3A_727 = tpu.vector_load %arg5[%get3A_725, %get3A_726] {strides = array<i32>} : memref<9x361xf32, #tpu.memory_space<vmem>>, vector<16xf32>,
        %get3A_728 = arith.index_cast %add3A_540 : i32 to index
        %get3A_729 = arith.constant 81 : index
        %get3A_730 = tpu.vector_load %arg5[%get3A_728, %get3A_729] {strides = array<i32>} : memref<9x361xf32, #tpu.memory_space<vmem>>, vector<16xf32>,
        %add3A_731 = arith.addf %get3A_721, %get3A_727 : vector<16xf32>
        %mul3A_732 = arith.constant 5.000000e-01 : f32
        %mul3A_733 = vector.broadcast %mul3A_732 : f32 to vector<16xf32>
        %mul3A_734 = arith.mulf %mul3A_733, %add3A_731 : vector<16xf32>
        %add3A_735 = arith.addf %get3A_721, %get3A_724 : vector<16xf32>
        %mul3A_736 = arith.constant 5.000000e-01 : f32
        %mul3A_737 = vector.broadcast %mul3A_736 : f32 to vector<16xf32>
        %mul3A_738 = arith.mulf %mul3A_737, %add3A_735 : vector<16xf32>
        %add3A_739 = arith.addf %get3A_727, %get3A_730 : vector<16xf32>
        %mul3A_740 = arith.constant 5.000000e-01 : f32
        %mul3A_741 = vector.broadcast %mul3A_740 : f32 to vector<16xf32>
        %mul3A_742 = arith.mulf %mul3A_741, %add3A_739 : vector<16xf32>
        %add3A_743 = arith.addf %mul3A_738, %mul3A_742 : vector<16xf32>
        %mul3A_744 = arith.constant 5.000000e-01 : f32
        %mul3A_745 = vector.broadcast %mul3A_744 : f32 to vector<16xf32>
        %mul3A_746 = arith.mulf %mul3A_745, %add3A_743 : vector<16xf32>
        %add3A_747 = arith.constant 160 : i32
        %add3A_748 = vector.broadcast %add3A_747 : i32 to vector<16xi32>
        %add3A_749 = arith.addi %add3A_748, %mul3A_3 : vector<16xi32>
        %add3A_750 = arith.constant 1 : i32
        %add3A_751 = vector.broadcast %add3A_750 : i32 to vector<16xi32>
        %add3A_752 = arith.addi %add3A_749, %add3A_751 : vector<16xi32>
        tpu.vector_store_idx %arg7[%broadcast_in_dim3A_543, %add3A_749], %get3A_721 : memref<16x721xf32, #tpu.memory_space<vmem>>[vector<16xi32>, vector<16xi32>], vector<16xf32>,
        tpu.vector_store_idx %arg7[%broadcast_in_dim3A_543, %add3A_752], %mul3A_734 : memref<16x721xf32, #tpu.memory_space<vmem>>[vector<16xi32>, vector<16xi32>], vector<16xf32>,
        tpu.vector_store_idx %arg7[%add3A_546, %add3A_749], %mul3A_738 : memref<16x721xf32, #tpu.memory_space<vmem>>[vector<16xi32>, vector<16xi32>], vector<16xf32>,
        tpu.vector_store_idx %arg7[%add3A_546, %add3A_752], %mul3A_746 : memref<16x721xf32, #tpu.memory_space<vmem>>[vector<16xi32>, vector<16xi32>], vector<16xf32>,
        %get3A_753 = arith.index_cast %scan3A_538 : i32 to index
        %get3A_754 = arith.constant 96 : index
        %get3A_755 = tpu.vector_load %arg5[%get3A_753, %get3A_754] {strides = array<i32>} : memref<9x361xf32, #tpu.memory_space<vmem>>, vector<16xf32>,
        %get3A_756 = arith.index_cast %add3A_540 : i32 to index
        %get3A_757 = arith.constant 96 : index
        %get3A_758 = tpu.vector_load %arg5[%get3A_756, %get3A_757] {strides = array<i32>} : memref<9x361xf32, #tpu.memory_space<vmem>>, vector<16xf32>,
        %get3A_759 = arith.index_cast %scan3A_538 : i32 to index
        %get3A_760 = arith.constant 97 : index
        %get3A_761 = tpu.vector_load %arg5[%get3A_759, %get3A_760] {strides = array<i32>} : memref<9x361xf32, #tpu.memory_space<vmem>>, vector<16xf32>,
        %get3A_762 = arith.index_cast %add3A_540 : i32 to index
        %get3A_763 = arith.constant 97 : index
        %get3A_764 = tpu.vector_load %arg5[%get3A_762, %get3A_763] {strides = array<i32>} : memref<9x361xf32, #tpu.memory_space<vmem>>, vector<16xf32>,
        %add3A_765 = arith.addf %get3A_755, %get3A_761 : vector<16xf32>
        %mul3A_766 = arith.constant 5.000000e-01 : f32
        %mul3A_767 = vector.broadcast %mul3A_766 : f32 to vector<16xf32>
        %mul3A_768 = arith.mulf %mul3A_767, %add3A_765 : vector<16xf32>
        %add3A_769 = arith.addf %get3A_755, %get3A_758 : vector<16xf32>
        %mul3A_770 = arith.constant 5.000000e-01 : f32
        %mul3A_771 = vector.broadcast %mul3A_770 : f32 to vector<16xf32>
        %mul3A_772 = arith.mulf %mul3A_771, %add3A_769 : vector<16xf32>
        %add3A_773 = arith.addf %get3A_761, %get3A_764 : vector<16xf32>
        %mul3A_774 = arith.constant 5.000000e-01 : f32
        %mul3A_775 = vector.broadcast %mul3A_774 : f32 to vector<16xf32>
        %mul3A_776 = arith.mulf %mul3A_775, %add3A_773 : vector<16xf32>
        %add3A_777 = arith.addf %mul3A_772, %mul3A_776 : vector<16xf32>
        %mul3A_778 = arith.constant 5.000000e-01 : f32
        %mul3A_779 = vector.broadcast %mul3A_778 : f32 to vector<16xf32>
        %mul3A_780 = arith.mulf %mul3A_779, %add3A_777 : vector<16xf32>
        %add3A_781 = arith.constant 192 : i32
        %add3A_782 = vector.broadcast %add3A_781 : i32 to vector<16xi32>
        %add3A_783 = arith.addi %add3A_782, %mul3A_3 : vector<16xi32>
        %add3A_784 = arith.constant 1 : i32
        %add3A_785 = vector.broadcast %add3A_784 : i32 to vector<16xi32>
        %add3A_786 = arith.addi %add3A_783, %add3A_785 : vector<16xi32>
        tpu.vector_store_idx %arg7[%broadcast_in_dim3A_543, %add3A_783], %get3A_755 : memref<16x721xf32, #tpu.memory_space<vmem>>[vector<16xi32>, vector<16xi32>], vector<16xf32>,
        tpu.vector_store_idx %arg7[%broadcast_in_dim3A_543, %add3A_786], %mul3A_768 : memref<16x721xf32, #tpu.memory_space<vmem>>[vector<16xi32>, vector<16xi32>], vector<16xf32>,
        tpu.vector_store_idx %arg7[%add3A_546, %add3A_783], %mul3A_772 : memref<16x721xf32, #tpu.memory_space<vmem>>[vector<16xi32>, vector<16xi32>], vector<16xf32>,
        tpu.vector_store_idx %arg7[%add3A_546, %add3A_786], %mul3A_780 : memref<16x721xf32, #tpu.memory_space<vmem>>[vector<16xi32>, vector<16xi32>], vector<16xf32>,
        %get3A_787 = arith.index_cast %scan3A_538 : i32 to index
        %get3A_788 = arith.constant 112 : index
        %get3A_789 = tpu.vector_load %arg5[%get3A_787, %get3A_788] {strides = array<i32>} : memref<9x361xf32, #tpu.memory_space<vmem>>, vector<16xf32>,
        %get3A_790 = arith.index_cast %add3A_540 : i32 to index
        %get3A_791 = arith.constant 112 : index
        %get3A_792 = tpu.vector_load %arg5[%get3A_790, %get3A_791] {strides = array<i32>} : memref<9x361xf32, #tpu.memory_space<vmem>>, vector<16xf32>,
        %add3A_793 = arith.constant 113 : i32
        %add3A_794 = vector.broadcast %add3A_793 : i32 to vector<16xi32>
        %add3A_795 = arith.addi %add3A_794, %iota3A : vector<16xi32>
        %gather3A_796 = tpu.vector_load_idx %arg5[%broadcast_in_dim3A_547, %add3A_795] : memref<9x361xf32, #tpu.memory_space<vmem>>[vector<16xi32>, vector<16xi32>], vector<16xf32>,
        %gather3A_797 = tpu.vector_load_idx %arg5[%broadcast_in_dim3A_548, %add3A_795] : memref<9x361xf32, #tpu.memory_space<vmem>>[vector<16xi32>, vector<16xi32>], vector<16xf32>,
        %add3A_798 = arith.addf %get3A_789, %gather3A_796 : vector<16xf32>
        %mul3A_799 = arith.constant 5.000000e-01 : f32
        %mul3A_800 = vector.broadcast %mul3A_799 : f32 to vector<16xf32>
        %mul3A_801 = arith.mulf %mul3A_800, %add3A_798 : vector<16xf32>
        %add3A_802 = arith.addf %get3A_789, %get3A_792 : vector<16xf32>
        %mul3A_803 = arith.constant 5.000000e-01 : f32
        %mul3A_804 = vector.broadcast %mul3A_803 : f32 to vector<16xf32>
        %mul3A_805 = arith.mulf %mul3A_804, %add3A_802 : vector<16xf32>
        %add3A_806 = arith.addf %gather3A_796, %gather3A_797 : vector<16xf32>
        %mul3A_807 = arith.constant 5.000000e-01 : f32
        %mul3A_808 = vector.broadcast %mul3A_807 : f32 to vector<16xf32>
        %mul3A_809 = arith.mulf %mul3A_808, %add3A_806 : vector<16xf32>
        %add3A_810 = arith.addf %mul3A_805, %mul3A_809 : vector<16xf32>
        %mul3A_811 = arith.constant 5.000000e-01 : f32
        %mul3A_812 = vector.broadcast %mul3A_811 : f32 to vector<16xf32>
        %mul3A_813 = arith.mulf %mul3A_812, %add3A_810 : vector<16xf32>
        %add3A_814 = arith.constant 224 : i32
        %add3A_815 = vector.broadcast %add3A_814 : i32 to vector<16xi32>
        %add3A_816 = arith.addi %add3A_815, %mul3A_3 : vector<16xi32>
        %add3A_817 = arith.constant 1 : i32
        %add3A_818 = vector.broadcast %add3A_817 : i32 to vector<16xi32>
        %add3A_819 = arith.addi %add3A_816, %add3A_818 : vector<16xi32>
        tpu.vector_store_idx %arg7[%broadcast_in_dim3A_543, %add3A_816], %get3A_789 : memref<16x721xf32, #tpu.memory_space<vmem>>[vector<16xi32>, vector<16xi32>], vector<16xf32>,
        tpu.vector_store_idx %arg7[%broadcast_in_dim3A_543, %add3A_819], %mul3A_801 : memref<16x721xf32, #tpu.memory_space<vmem>>[vector<16xi32>, vector<16xi32>], vector<16xf32>,
        tpu.vector_store_idx %arg7[%add3A_546, %add3A_816], %mul3A_805 : memref<16x721xf32, #tpu.memory_space<vmem>>[vector<16xi32>, vector<16xi32>], vector<16xf32>,
        tpu.vector_store_idx %arg7[%add3A_546, %add3A_819], %mul3A_813 : memref<16x721xf32, #tpu.memory_space<vmem>>[vector<16xi32>, vector<16xi32>], vector<16xf32>,
        %get3A_820 = arith.index_cast %scan3A_538 : i32 to index
        %get3A_821 = arith.constant 128 : index
        %get3A_822 = tpu.vector_load %arg5[%get3A_820, %get3A_821] {strides = array<i32>} : memref<9x361xf32, #tpu.memory_space<vmem>>, vector<16xf32>,
        %get3A_823 = arith.index_cast %add3A_540 : i32 to index
        %get3A_824 = arith.constant 128 : index
        %get3A_825 = tpu.vector_load %arg5[%get3A_823, %get3A_824] {strides = array<i32>} : memref<9x361xf32, #tpu.memory_space<vmem>>, vector<16xf32>,
        %get3A_826 = arith.index_cast %scan3A_538 : i32 to index
        %get3A_827 = arith.constant 129 : index
        %get3A_828 = tpu.vector_load %arg5[%get3A_826, %get3A_827] {strides = array<i32>} : memref<9x361xf32, #tpu.memory_space<vmem>>, vector<16xf32>,
        %get3A_829 = arith.index_cast %add3A_540 : i32 to index
        %get3A_830 = arith.constant 129 : index
        %get3A_831 = tpu.vector_load %arg5[%get3A_829, %get3A_830] {strides = array<i32>} : memref<9x361xf32, #tpu.memory_space<vmem>>, vector<16xf32>,
        %add3A_832 = arith.addf %get3A_822, %get3A_828 : vector<16xf32>
        %mul3A_833 = arith.constant 5.000000e-01 : f32
        %mul3A_834 = vector.broadcast %mul3A_833 : f32 to vector<16xf32>
        %mul3A_835 = arith.mulf %mul3A_834, %add3A_832 : vector<16xf32>
        %add3A_836 = arith.addf %get3A_822, %get3A_825 : vector<16xf32>
        %mul3A_837 = arith.constant 5.000000e-01 : f32
        %mul3A_838 = vector.broadcast %mul3A_837 : f32 to vector<16xf32>
        %mul3A_839 = arith.mulf %mul3A_838, %add3A_836 : vector<16xf32>
        %add3A_840 = arith.addf %get3A_828, %get3A_831 : vector<16xf32>
        %mul3A_841 = arith.constant 5.000000e-01 : f32
        %mul3A_842 = vector.broadcast %mul3A_841 : f32 to vector<16xf32>
        %mul3A_843 = arith.mulf %mul3A_842, %add3A_840 : vector<16xf32>
        %add3A_844 = arith.addf %mul3A_839, %mul3A_843 : vector<16xf32>
        %mul3A_845 = arith.constant 5.000000e-01 : f32
        %mul3A_846 = vector.broadcast %mul3A_845 : f32 to vector<16xf32>
        %mul3A_847 = arith.mulf %mul3A_846, %add3A_844 : vector<16xf32>
        %add3A_848 = arith.constant 256 : i32
        %add3A_849 = vector.broadcast %add3A_848 : i32 to vector<16xi32>
        %add3A_850 = arith.addi %add3A_849, %mul3A_3 : vector<16xi32>
        %add3A_851 = arith.constant 1 : i32
        %add3A_852 = vector.broadcast %add3A_851 : i32 to vector<16xi32>
        %add3A_853 = arith.addi %add3A_850, %add3A_852 : vector<16xi32>
        tpu.vector_store_idx %arg7[%broadcast_in_dim3A_543, %add3A_850], %get3A_822 : memref<16x721xf32, #tpu.memory_space<vmem>>[vector<16xi32>, vector<16xi32>], vector<16xf32>,
        tpu.vector_store_idx %arg7[%broadcast_in_dim3A_543, %add3A_853], %mul3A_835 : memref<16x721xf32, #tpu.memory_space<vmem>>[vector<16xi32>, vector<16xi32>], vector<16xf32>,
        tpu.vector_store_idx %arg7[%add3A_546, %add3A_850], %mul3A_839 : memref<16x721xf32, #tpu.memory_space<vmem>>[vector<16xi32>, vector<16xi32>], vector<16xf32>,
        tpu.vector_store_idx %arg7[%add3A_546, %add3A_853], %mul3A_847 : memref<16x721xf32, #tpu.memory_space<vmem>>[vector<16xi32>, vector<16xi32>], vector<16xf32>,
        %get3A_854 = arith.index_cast %scan3A_538 : i32 to index
        %get3A_855 = arith.constant 144 : index
        %get3A_856 = tpu.vector_load %arg5[%get3A_854, %get3A_855] {strides = array<i32>} : memref<9x361xf32, #tpu.memory_space<vmem>>, vector<16xf32>,
        %get3A_857 = arith.index_cast %add3A_540 : i32 to index
        %get3A_858 = arith.constant 144 : index
        %get3A_859 = tpu.vector_load %arg5[%get3A_857, %get3A_858] {strides = array<i32>} : memref<9x361xf32, #tpu.memory_space<vmem>>, vector<16xf32>,
        %get3A_860 = arith.index_cast %scan3A_538 : i32 to index
        %get3A_861 = arith.constant 145 : index
        %get3A_862 = tpu.vector_load %arg5[%get3A_860, %get3A_861] {strides = array<i32>} : memref<9x361xf32, #tpu.memory_space<vmem>>, vector<16xf32>,
        %get3A_863 = arith.index_cast %add3A_540 : i32 to index
        %get3A_864 = arith.constant 145 : index
        %get3A_865 = tpu.vector_load %arg5[%get3A_863, %get3A_864] {strides = array<i32>} : memref<9x361xf32, #tpu.memory_space<vmem>>, vector<16xf32>,
        %add3A_866 = arith.addf %get3A_856, %get3A_862 : vector<16xf32>
        %mul3A_867 = arith.constant 5.000000e-01 : f32
        %mul3A_868 = vector.broadcast %mul3A_867 : f32 to vector<16xf32>
        %mul3A_869 = arith.mulf %mul3A_868, %add3A_866 : vector<16xf32>
        %add3A_870 = arith.addf %get3A_856, %get3A_859 : vector<16xf32>
        %mul3A_871 = arith.constant 5.000000e-01 : f32
        %mul3A_872 = vector.broadcast %mul3A_871 : f32 to vector<16xf32>
        %mul3A_873 = arith.mulf %mul3A_872, %add3A_870 : vector<16xf32>
        %add3A_874 = arith.addf %get3A_862, %get3A_865 : vector<16xf32>
        %mul3A_875 = arith.constant 5.000000e-01 : f32
        %mul3A_876 = vector.broadcast %mul3A_875 : f32 to vector<16xf32>
        %mul3A_877 = arith.mulf %mul3A_876, %add3A_874 : vector<16xf32>
        %add3A_878 = arith.addf %mul3A_873, %mul3A_877 : vector<16xf32>
        %mul3A_879 = arith.constant 5.000000e-01 : f32
        %mul3A_880 = vector.broadcast %mul3A_879 : f32 to vector<16xf32>
        %mul3A_881 = arith.mulf %mul3A_880, %add3A_878 : vector<16xf32>
        %add3A_882 = arith.constant 288 : i32
        %add3A_883 = vector.broadcast %add3A_882 : i32 to vector<16xi32>
        %add3A_884 = arith.addi %add3A_883, %mul3A_3 : vector<16xi32>
        %add3A_885 = arith.constant 1 : i32
        %add3A_886 = vector.broadcast %add3A_885 : i32 to vector<16xi32>
        %add3A_887 = arith.addi %add3A_884, %add3A_886 : vector<16xi32>
        tpu.vector_store_idx %arg7[%broadcast_in_dim3A_543, %add3A_884], %get3A_856 : memref<16x721xf32, #tpu.memory_space<vmem>>[vector<16xi32>, vector<16xi32>], vector<16xf32>,
        tpu.vector_store_idx %arg7[%broadcast_in_dim3A_543, %add3A_887], %mul3A_869 : memref<16x721xf32, #tpu.memory_space<vmem>>[vector<16xi32>, vector<16xi32>], vector<16xf32>,
        tpu.vector_store_idx %arg7[%add3A_546, %add3A_884], %mul3A_873 : memref<16x721xf32, #tpu.memory_space<vmem>>[vector<16xi32>, vector<16xi32>], vector<16xf32>,
        tpu.vector_store_idx %arg7[%add3A_546, %add3A_887], %mul3A_881 : memref<16x721xf32, #tpu.memory_space<vmem>>[vector<16xi32>, vector<16xi32>], vector<16xf32>,
        %get3A_888 = arith.index_cast %scan3A_538 : i32 to index
        %get3A_889 = arith.constant 160 : index
        %get3A_890 = tpu.vector_load %arg5[%get3A_888, %get3A_889] {strides = array<i32>} : memref<9x361xf32, #tpu.memory_space<vmem>>, vector<16xf32>,
        %get3A_891 = arith.index_cast %add3A_540 : i32 to index
        %get3A_892 = arith.constant 160 : index
        %get3A_893 = tpu.vector_load %arg5[%get3A_891, %get3A_892] {strides = array<i32>} : memref<9x361xf32, #tpu.memory_space<vmem>>, vector<16xf32>,
        %get3A_894 = arith.index_cast %scan3A_538 : i32 to index
        %get3A_895 = arith.constant 161 : index
        %get3A_896 = tpu.vector_load %arg5[%get3A_894, %get3A_895] {strides = array<i32>} : memref<9x361xf32, #tpu.memory_space<vmem>>, vector<16xf32>,
        %get3A_897 = arith.index_cast %add3A_540 : i32 to index
        %get3A_898 = arith.constant 161 : index
        %get3A_899 = tpu.vector_load %arg5[%get3A_897, %get3A_898] {strides = array<i32>} : memref<9x361xf32, #tpu.memory_space<vmem>>, vector<16xf32>,
        %add3A_900 = arith.addf %get3A_890, %get3A_896 : vector<16xf32>
        %mul3A_901 = arith.constant 5.000000e-01 : f32
        %mul3A_902 = vector.broadcast %mul3A_901 : f32 to vector<16xf32>
        %mul3A_903 = arith.mulf %mul3A_902, %add3A_900 : vector<16xf32>
        %add3A_904 = arith.addf %get3A_890, %get3A_893 : vector<16xf32>
        %mul3A_905 = arith.constant 5.000000e-01 : f32
        %mul3A_906 = vector.broadcast %mul3A_905 : f32 to vector<16xf32>
        %mul3A_907 = arith.mulf %mul3A_906, %add3A_904 : vector<16xf32>
        %add3A_908 = arith.addf %get3A_896, %get3A_899 : vector<16xf32>
        %mul3A_909 = arith.constant 5.000000e-01 : f32
        %mul3A_910 = vector.broadcast %mul3A_909 : f32 to vector<16xf32>
        %mul3A_911 = arith.mulf %mul3A_910, %add3A_908 : vector<16xf32>
        %add3A_912 = arith.addf %mul3A_907, %mul3A_911 : vector<16xf32>
        %mul3A_913 = arith.constant 5.000000e-01 : f32
        %mul3A_914 = vector.broadcast %mul3A_913 : f32 to vector<16xf32>
        %mul3A_915 = arith.mulf %mul3A_914, %add3A_912 : vector<16xf32>
        %add3A_916 = arith.constant 320 : i32
        %add3A_917 = vector.broadcast %add3A_916 : i32 to vector<16xi32>
        %add3A_918 = arith.addi %add3A_917, %mul3A_3 : vector<16xi32>
        %add3A_919 = arith.constant 1 : i32
        %add3A_920 = vector.broadcast %add3A_919 : i32 to vector<16xi32>
        %add3A_921 = arith.addi %add3A_918, %add3A_920 : vector<16xi32>
        tpu.vector_store_idx %arg7[%broadcast_in_dim3A_543, %add3A_918], %get3A_890 : memref<16x721xf32, #tpu.memory_space<vmem>>[vector<16xi32>, vector<16xi32>], vector<16xf32>,
        tpu.vector_store_idx %arg7[%broadcast_in_dim3A_543, %add3A_921], %mul3A_903 : memref<16x721xf32, #tpu.memory_space<vmem>>[vector<16xi32>, vector<16xi32>], vector<16xf32>,
        tpu.vector_store_idx %arg7[%add3A_546, %add3A_918], %mul3A_907 : memref<16x721xf32, #tpu.memory_space<vmem>>[vector<16xi32>, vector<16xi32>], vector<16xf32>,
        tpu.vector_store_idx %arg7[%add3A_546, %add3A_921], %mul3A_915 : memref<16x721xf32, #tpu.memory_space<vmem>>[vector<16xi32>, vector<16xi32>], vector<16xf32>,
        %get3A_922 = arith.index_cast %scan3A_538 : i32 to index
        %get3A_923 = arith.constant 176 : index
        %get3A_924 = tpu.vector_load %arg5[%get3A_922, %get3A_923] {strides = array<i32>} : memref<9x361xf32, #tpu.memory_space<vmem>>, vector<16xf32>,
        %get3A_925 = arith.index_cast %add3A_540 : i32 to index
        %get3A_926 = arith.constant 176 : index
        %get3A_927 = tpu.vector_load %arg5[%get3A_925, %get3A_926] {strides = array<i32>} : memref<9x361xf32, #tpu.memory_space<vmem>>, vector<16xf32>,
        %get3A_928 = arith.index_cast %scan3A_538 : i32 to index
        %get3A_929 = arith.constant 177 : index
        %get3A_930 = tpu.vector_load %arg5[%get3A_928, %get3A_929] {strides = array<i32>} : memref<9x361xf32, #tpu.memory_space<vmem>>, vector<16xf32>,
        %get3A_931 = arith.index_cast %add3A_540 : i32 to index
        %get3A_932 = arith.constant 177 : index
        %get3A_933 = tpu.vector_load %arg5[%get3A_931, %get3A_932] {strides = array<i32>} : memref<9x361xf32, #tpu.memory_space<vmem>>, vector<16xf32>,
        %add3A_934 = arith.addf %get3A_924, %get3A_930 : vector<16xf32>
        %mul3A_935 = arith.constant 5.000000e-01 : f32
        %mul3A_936 = vector.broadcast %mul3A_935 : f32 to vector<16xf32>
        %mul3A_937 = arith.mulf %mul3A_936, %add3A_934 : vector<16xf32>
        %add3A_938 = arith.addf %get3A_924, %get3A_927 : vector<16xf32>
        %mul3A_939 = arith.constant 5.000000e-01 : f32
        %mul3A_940 = vector.broadcast %mul3A_939 : f32 to vector<16xf32>
        %mul3A_941 = arith.mulf %mul3A_940, %add3A_938 : vector<16xf32>
        %add3A_942 = arith.addf %get3A_930, %get3A_933 : vector<16xf32>
        %mul3A_943 = arith.constant 5.000000e-01 : f32
        %mul3A_944 = vector.broadcast %mul3A_943 : f32 to vector<16xf32>
        %mul3A_945 = arith.mulf %mul3A_944, %add3A_942 : vector<16xf32>
        %add3A_946 = arith.addf %mul3A_941, %mul3A_945 : vector<16xf32>
        %mul3A_947 = arith.constant 5.000000e-01 : f32
        %mul3A_948 = vector.broadcast %mul3A_947 : f32 to vector<16xf32>
        %mul3A_949 = arith.mulf %mul3A_948, %add3A_946 : vector<16xf32>
        %add3A_950 = arith.constant 352 : i32
        %add3A_951 = vector.broadcast %add3A_950 : i32 to vector<16xi32>
        %add3A_952 = arith.addi %add3A_951, %mul3A_3 : vector<16xi32>
        %add3A_953 = arith.constant 1 : i32
        %add3A_954 = vector.broadcast %add3A_953 : i32 to vector<16xi32>
        %add3A_955 = arith.addi %add3A_952, %add3A_954 : vector<16xi32>
        tpu.vector_store_idx %arg7[%broadcast_in_dim3A_543, %add3A_952], %get3A_924 : memref<16x721xf32, #tpu.memory_space<vmem>>[vector<16xi32>, vector<16xi32>], vector<16xf32>,
        tpu.vector_store_idx %arg7[%broadcast_in_dim3A_543, %add3A_955], %mul3A_937 : memref<16x721xf32, #tpu.memory_space<vmem>>[vector<16xi32>, vector<16xi32>], vector<16xf32>,
        tpu.vector_store_idx %arg7[%add3A_546, %add3A_952], %mul3A_941 : memref<16x721xf32, #tpu.memory_space<vmem>>[vector<16xi32>, vector<16xi32>], vector<16xf32>,
        tpu.vector_store_idx %arg7[%add3A_546, %add3A_955], %mul3A_949 : memref<16x721xf32, #tpu.memory_space<vmem>>[vector<16xi32>, vector<16xi32>], vector<16xf32>,
        %get3A_956 = arith.index_cast %scan3A_538 : i32 to index
        %get3A_957 = arith.constant 192 : index
        %get3A_958 = tpu.vector_load %arg5[%get3A_956, %get3A_957] {strides = array<i32>} : memref<9x361xf32, #tpu.memory_space<vmem>>, vector<16xf32>,
        %get3A_959 = arith.index_cast %add3A_540 : i32 to index
        %get3A_960 = arith.constant 192 : index
        %get3A_961 = tpu.vector_load %arg5[%get3A_959, %get3A_960] {strides = array<i32>} : memref<9x361xf32, #tpu.memory_space<vmem>>, vector<16xf32>,
        %get3A_962 = arith.index_cast %scan3A_538 : i32 to index
        %get3A_963 = arith.constant 193 : index
        %get3A_964 = tpu.vector_load %arg5[%get3A_962, %get3A_963] {strides = array<i32>} : memref<9x361xf32, #tpu.memory_space<vmem>>, vector<16xf32>,
        %get3A_965 = arith.index_cast %add3A_540 : i32 to index
        %get3A_966 = arith.constant 193 : index
        %get3A_967 = tpu.vector_load %arg5[%get3A_965, %get3A_966] {strides = array<i32>} : memref<9x361xf32, #tpu.memory_space<vmem>>, vector<16xf32>,
        %add3A_968 = arith.addf %get3A_958, %get3A_964 : vector<16xf32>
        %mul3A_969 = arith.constant 5.000000e-01 : f32
        %mul3A_970 = vector.broadcast %mul3A_969 : f32 to vector<16xf32>
        %mul3A_971 = arith.mulf %mul3A_970, %add3A_968 : vector<16xf32>
        %add3A_972 = arith.addf %get3A_958, %get3A_961 : vector<16xf32>
        %mul3A_973 = arith.constant 5.000000e-01 : f32
        %mul3A_974 = vector.broadcast %mul3A_973 : f32 to vector<16xf32>
        %mul3A_975 = arith.mulf %mul3A_974, %add3A_972 : vector<16xf32>
        %add3A_976 = arith.addf %get3A_964, %get3A_967 : vector<16xf32>
        %mul3A_977 = arith.constant 5.000000e-01 : f32
        %mul3A_978 = vector.broadcast %mul3A_977 : f32 to vector<16xf32>
        %mul3A_979 = arith.mulf %mul3A_978, %add3A_976 : vector<16xf32>
        %add3A_980 = arith.addf %mul3A_975, %mul3A_979 : vector<16xf32>
        %mul3A_981 = arith.constant 5.000000e-01 : f32
        %mul3A_982 = vector.broadcast %mul3A_981 : f32 to vector<16xf32>
        %mul3A_983 = arith.mulf %mul3A_982, %add3A_980 : vector<16xf32>
        %add3A_984 = arith.constant 384 : i32
        %add3A_985 = vector.broadcast %add3A_984 : i32 to vector<16xi32>
        %add3A_986 = arith.addi %add3A_985, %mul3A_3 : vector<16xi32>
        %add3A_987 = arith.constant 1 : i32
        %add3A_988 = vector.broadcast %add3A_987 : i32 to vector<16xi32>
        %add3A_989 = arith.addi %add3A_986, %add3A_988 : vector<16xi32>
        tpu.vector_store_idx %arg7[%broadcast_in_dim3A_543, %add3A_986], %get3A_958 : memref<16x721xf32, #tpu.memory_space<vmem>>[vector<16xi32>, vector<16xi32>], vector<16xf32>,
        tpu.vector_store_idx %arg7[%broadcast_in_dim3A_543, %add3A_989], %mul3A_971 : memref<16x721xf32, #tpu.memory_space<vmem>>[vector<16xi32>, vector<16xi32>], vector<16xf32>,
        tpu.vector_store_idx %arg7[%add3A_546, %add3A_986], %mul3A_975 : memref<16x721xf32, #tpu.memory_space<vmem>>[vector<16xi32>, vector<16xi32>], vector<16xf32>,
        tpu.vector_store_idx %arg7[%add3A_546, %add3A_989], %mul3A_983 : memref<16x721xf32, #tpu.memory_space<vmem>>[vector<16xi32>, vector<16xi32>], vector<16xf32>,
        %get3A_990 = arith.index_cast %scan3A_538 : i32 to index
        %get3A_991 = arith.constant 208 : index
        %get3A_992 = tpu.vector_load %arg5[%get3A_990, %get3A_991] {strides = array<i32>} : memref<9x361xf32, #tpu.memory_space<vmem>>, vector<16xf32>,
        %get3A_993 = arith.index_cast %add3A_540 : i32 to index
        %get3A_994 = arith.constant 208 : index
        %get3A_995 = tpu.vector_load %arg5[%get3A_993, %get3A_994] {strides = array<i32>} : memref<9x361xf32, #tpu.memory_space<vmem>>, vector<16xf32>,
        %get3A_996 = arith.index_cast %scan3A_538 : i32 to index
        %get3A_997 = arith.constant 209 : index
        %get3A_998 = tpu.vector_load %arg5[%get3A_996, %get3A_997] {strides = array<i32>} : memref<9x361xf32, #tpu.memory_space<vmem>>, vector<16xf32>,
        %get3A_999 = arith.index_cast %add3A_540 : i32 to index
        %get3A_1000 = arith.constant 209 : index
        %get3A_1001 = tpu.vector_load %arg5[%get3A_999, %get3A_1000] {strides = array<i32>} : memref<9x361xf32, #tpu.memory_space<vmem>>, vector<16xf32>,
        %add3A_1002 = arith.addf %get3A_992, %get3A_998 : vector<16xf32>
        %mul3A_1003 = arith.constant 5.000000e-01 : f32
        %mul3A_1004 = vector.broadcast %mul3A_1003 : f32 to vector<16xf32>
        %mul3A_1005 = arith.mulf %mul3A_1004, %add3A_1002 : vector<16xf32>
        %add3A_1006 = arith.addf %get3A_992, %get3A_995 : vector<16xf32>
        %mul3A_1007 = arith.constant 5.000000e-01 : f32
        %mul3A_1008 = vector.broadcast %mul3A_1007 : f32 to vector<16xf32>
        %mul3A_1009 = arith.mulf %mul3A_1008, %add3A_1006 : vector<16xf32>
        %add3A_1010 = arith.addf %get3A_998, %get3A_1001 : vector<16xf32>
        %mul3A_1011 = arith.constant 5.000000e-01 : f32
        %mul3A_1012 = vector.broadcast %mul3A_1011 : f32 to vector<16xf32>
        %mul3A_1013 = arith.mulf %mul3A_1012, %add3A_1010 : vector<16xf32>
        %add3A_1014 = arith.addf %mul3A_1009, %mul3A_1013 : vector<16xf32>
        %mul3A_1015 = arith.constant 5.000000e-01 : f32
        %mul3A_1016 = vector.broadcast %mul3A_1015 : f32 to vector<16xf32>
        %mul3A_1017 = arith.mulf %mul3A_1016, %add3A_1014 : vector<16xf32>
        %add3A_1018 = arith.constant 416 : i32
        %add3A_1019 = vector.broadcast %add3A_1018 : i32 to vector<16xi32>
        %add3A_1020 = arith.addi %add3A_1019, %mul3A_3 : vector<16xi32>
        %add3A_1021 = arith.constant 1 : i32
        %add3A_1022 = vector.broadcast %add3A_1021 : i32 to vector<16xi32>
        %add3A_1023 = arith.addi %add3A_1020, %add3A_1022 : vector<16xi32>
        tpu.vector_store_idx %arg7[%broadcast_in_dim3A_543, %add3A_1020], %get3A_992 : memref<16x721xf32, #tpu.memory_space<vmem>>[vector<16xi32>, vector<16xi32>], vector<16xf32>,
        tpu.vector_store_idx %arg7[%broadcast_in_dim3A_543, %add3A_1023], %mul3A_1005 : memref<16x721xf32, #tpu.memory_space<vmem>>[vector<16xi32>, vector<16xi32>], vector<16xf32>,
        tpu.vector_store_idx %arg7[%add3A_546, %add3A_1020], %mul3A_1009 : memref<16x721xf32, #tpu.memory_space<vmem>>[vector<16xi32>, vector<16xi32>], vector<16xf32>,
        tpu.vector_store_idx %arg7[%add3A_546, %add3A_1023], %mul3A_1017 : memref<16x721xf32, #tpu.memory_space<vmem>>[vector<16xi32>, vector<16xi32>], vector<16xf32>,
        %get3A_1024 = arith.index_cast %scan3A_538 : i32 to index
        %get3A_1025 = arith.constant 224 : index
        %get3A_1026 = tpu.vector_load %arg5[%get3A_1024, %get3A_1025] {strides = array<i32>} : memref<9x361xf32, #tpu.memory_space<vmem>>, vector<16xf32>,
        %get3A_1027 = arith.index_cast %add3A_540 : i32 to index
        %get3A_1028 = arith.constant 224 : index
        %get3A_1029 = tpu.vector_load %arg5[%get3A_1027, %get3A_1028] {strides = array<i32>} : memref<9x361xf32, #tpu.memory_space<vmem>>, vector<16xf32>,
        %get3A_1030 = arith.index_cast %scan3A_538 : i32 to index
        %get3A_1031 = arith.constant 225 : index
        %get3A_1032 = tpu.vector_load %arg5[%get3A_1030, %get3A_1031] {strides = array<i32>} : memref<9x361xf32, #tpu.memory_space<vmem>>, vector<16xf32>,
        %get3A_1033 = arith.index_cast %add3A_540 : i32 to index
        %get3A_1034 = arith.constant 225 : index
        %get3A_1035 = tpu.vector_load %arg5[%get3A_1033, %get3A_1034] {strides = array<i32>} : memref<9x361xf32, #tpu.memory_space<vmem>>, vector<16xf32>,
        %add3A_1036 = arith.addf %get3A_1026, %get3A_1032 : vector<16xf32>
        %mul3A_1037 = arith.constant 5.000000e-01 : f32
        %mul3A_1038 = vector.broadcast %mul3A_1037 : f32 to vector<16xf32>
        %mul3A_1039 = arith.mulf %mul3A_1038, %add3A_1036 : vector<16xf32>
        %add3A_1040 = arith.addf %get3A_1026, %get3A_1029 : vector<16xf32>
        %mul3A_1041 = arith.constant 5.000000e-01 : f32
        %mul3A_1042 = vector.broadcast %mul3A_1041 : f32 to vector<16xf32>
        %mul3A_1043 = arith.mulf %mul3A_1042, %add3A_1040 : vector<16xf32>
        %add3A_1044 = arith.addf %get3A_1032, %get3A_1035 : vector<16xf32>
        %mul3A_1045 = arith.constant 5.000000e-01 : f32
        %mul3A_1046 = vector.broadcast %mul3A_1045 : f32 to vector<16xf32>
        %mul3A_1047 = arith.mulf %mul3A_1046, %add3A_1044 : vector<16xf32>
        %add3A_1048 = arith.addf %mul3A_1043, %mul3A_1047 : vector<16xf32>
        %mul3A_1049 = arith.constant 5.000000e-01 : f32
        %mul3A_1050 = vector.broadcast %mul3A_1049 : f32 to vector<16xf32>
        %mul3A_1051 = arith.mulf %mul3A_1050, %add3A_1048 : vector<16xf32>
        %add3A_1052 = arith.constant 448 : i32
        %add3A_1053 = vector.broadcast %add3A_1052 : i32 to vector<16xi32>
        %add3A_1054 = arith.addi %add3A_1053, %mul3A_3 : vector<16xi32>
        %add3A_1055 = arith.constant 1 : i32
        %add3A_1056 = vector.broadcast %add3A_1055 : i32 to vector<16xi32>
        %add3A_1057 = arith.addi %add3A_1054, %add3A_1056 : vector<16xi32>
        tpu.vector_store_idx %arg7[%broadcast_in_dim3A_543, %add3A_1054], %get3A_1026 : memref<16x721xf32, #tpu.memory_space<vmem>>[vector<16xi32>, vector<16xi32>], vector<16xf32>,
        tpu.vector_store_idx %arg7[%broadcast_in_dim3A_543, %add3A_1057], %mul3A_1039 : memref<16x721xf32, #tpu.memory_space<vmem>>[vector<16xi32>, vector<16xi32>], vector<16xf32>,
        tpu.vector_store_idx %arg7[%add3A_546, %add3A_1054], %mul3A_1043 : memref<16x721xf32, #tpu.memory_space<vmem>>[vector<16xi32>, vector<16xi32>], vector<16xf32>,
        tpu.vector_store_idx %arg7[%add3A_546, %add3A_1057], %mul3A_1051 : memref<16x721xf32, #tpu.memory_space<vmem>>[vector<16xi32>, vector<16xi32>], vector<16xf32>,
        %get3A_1058 = arith.index_cast %scan3A_538 : i32 to index
        %get3A_1059 = arith.constant 240 : index
        %get3A_1060 = tpu.vector_load %arg5[%get3A_1058, %get3A_1059] {strides = array<i32>} : memref<9x361xf32, #tpu.memory_space<vmem>>, vector<16xf32>,
        %get3A_1061 = arith.index_cast %add3A_540 : i32 to index
        %get3A_1062 = arith.constant 240 : index
        %get3A_1063 = tpu.vector_load %arg5[%get3A_1061, %get3A_1062] {strides = array<i32>} : memref<9x361xf32, #tpu.memory_space<vmem>>, vector<16xf32>,
        %add3A_1064 = arith.constant 241 : i32
        %add3A_1065 = vector.broadcast %add3A_1064 : i32 to vector<16xi32>
        %add3A_1066 = arith.addi %add3A_1065, %iota3A : vector<16xi32>
        %gather3A_1067 = tpu.vector_load_idx %arg5[%broadcast_in_dim3A_547, %add3A_1066] : memref<9x361xf32, #tpu.memory_space<vmem>>[vector<16xi32>, vector<16xi32>], vector<16xf32>,
        %gather3A_1068 = tpu.vector_load_idx %arg5[%broadcast_in_dim3A_548, %add3A_1066] : memref<9x361xf32, #tpu.memory_space<vmem>>[vector<16xi32>, vector<16xi32>], vector<16xf32>,
        %add3A_1069 = arith.addf %get3A_1060, %gather3A_1067 : vector<16xf32>
        %mul3A_1070 = arith.constant 5.000000e-01 : f32
        %mul3A_1071 = vector.broadcast %mul3A_1070 : f32 to vector<16xf32>
        %mul3A_1072 = arith.mulf %mul3A_1071, %add3A_1069 : vector<16xf32>
        %add3A_1073 = arith.addf %get3A_1060, %get3A_1063 : vector<16xf32>
        %mul3A_1074 = arith.constant 5.000000e-01 : f32
        %mul3A_1075 = vector.broadcast %mul3A_1074 : f32 to vector<16xf32>
        %mul3A_1076 = arith.mulf %mul3A_1075, %add3A_1073 : vector<16xf32>
        %add3A_1077 = arith.addf %gather3A_1067, %gather3A_1068 : vector<16xf32>
        %mul3A_1078 = arith.constant 5.000000e-01 : f32
        %mul3A_1079 = vector.broadcast %mul3A_1078 : f32 to vector<16xf32>
        %mul3A_1080 = arith.mulf %mul3A_1079, %add3A_1077 : vector<16xf32>
        %add3A_1081 = arith.addf %mul3A_1076, %mul3A_1080 : vector<16xf32>
        %mul3A_1082 = arith.constant 5.000000e-01 : f32
        %mul3A_1083 = vector.broadcast %mul3A_1082 : f32 to vector<16xf32>
        %mul3A_1084 = arith.mulf %mul3A_1083, %add3A_1081 : vector<16xf32>
        %add3A_1085 = arith.constant 480 : i32
        %add3A_1086 = vector.broadcast %add3A_1085 : i32 to vector<16xi32>
        %add3A_1087 = arith.addi %add3A_1086, %mul3A_3 : vector<16xi32>
        %add3A_1088 = arith.constant 1 : i32
        %add3A_1089 = vector.broadcast %add3A_1088 : i32 to vector<16xi32>
        %add3A_1090 = arith.addi %add3A_1087, %add3A_1089 : vector<16xi32>
        tpu.vector_store_idx %arg7[%broadcast_in_dim3A_543, %add3A_1087], %get3A_1060 : memref<16x721xf32, #tpu.memory_space<vmem>>[vector<16xi32>, vector<16xi32>], vector<16xf32>,
        tpu.vector_store_idx %arg7[%broadcast_in_dim3A_543, %add3A_1090], %mul3A_1072 : memref<16x721xf32, #tpu.memory_space<vmem>>[vector<16xi32>, vector<16xi32>], vector<16xf32>,
        tpu.vector_store_idx %arg7[%add3A_546, %add3A_1087], %mul3A_1076 : memref<16x721xf32, #tpu.memory_space<vmem>>[vector<16xi32>, vector<16xi32>], vector<16xf32>,
        tpu.vector_store_idx %arg7[%add3A_546, %add3A_1090], %mul3A_1084 : memref<16x721xf32, #tpu.memory_space<vmem>>[vector<16xi32>, vector<16xi32>], vector<16xf32>,
        %get3A_1091 = arith.index_cast %scan3A_538 : i32 to index
        %get3A_1092 = arith.constant 256 : index
        %get3A_1093 = tpu.vector_load %arg5[%get3A_1091, %get3A_1092] {strides = array<i32>} : memref<9x361xf32, #tpu.memory_space<vmem>>, vector<16xf32>,
        %get3A_1094 = arith.index_cast %add3A_540 : i32 to index
        %get3A_1095 = arith.constant 256 : index
        %get3A_1096 = tpu.vector_load %arg5[%get3A_1094, %get3A_1095] {strides = array<i32>} : memref<9x361xf32, #tpu.memory_space<vmem>>, vector<16xf32>,
        %get3A_1097 = arith.index_cast %scan3A_538 : i32 to index
        %get3A_1098 = arith.constant 257 : index
        %get3A_1099 = tpu.vector_load %arg5[%get3A_1097, %get3A_1098] {strides = array<i32>} : memref<9x361xf32, #tpu.memory_space<vmem>>, vector<16xf32>,
        %get3A_1100 = arith.index_cast %add3A_540 : i32 to index
        %get3A_1101 = arith.constant 257 : index
        %get3A_1102 = tpu.vector_load %arg5[%get3A_1100, %get3A_1101] {strides = array<i32>} : memref<9x361xf32, #tpu.memory_space<vmem>>, vector<16xf32>,
        %add3A_1103 = arith.addf %get3A_1093, %get3A_1099 : vector<16xf32>
        %mul3A_1104 = arith.constant 5.000000e-01 : f32
        %mul3A_1105 = vector.broadcast %mul3A_1104 : f32 to vector<16xf32>
        %mul3A_1106 = arith.mulf %mul3A_1105, %add3A_1103 : vector<16xf32>
        %add3A_1107 = arith.addf %get3A_1093, %get3A_1096 : vector<16xf32>
        %mul3A_1108 = arith.constant 5.000000e-01 : f32
        %mul3A_1109 = vector.broadcast %mul3A_1108 : f32 to vector<16xf32>
        %mul3A_1110 = arith.mulf %mul3A_1109, %add3A_1107 : vector<16xf32>
        %add3A_1111 = arith.addf %get3A_1099, %get3A_1102 : vector<16xf32>
        %mul3A_1112 = arith.constant 5.000000e-01 : f32
        %mul3A_1113 = vector.broadcast %mul3A_1112 : f32 to vector<16xf32>
        %mul3A_1114 = arith.mulf %mul3A_1113, %add3A_1111 : vector<16xf32>
        %add3A_1115 = arith.addf %mul3A_1110, %mul3A_1114 : vector<16xf32>
        %mul3A_1116 = arith.constant 5.000000e-01 : f32
        %mul3A_1117 = vector.broadcast %mul3A_1116 : f32 to vector<16xf32>
        %mul3A_1118 = arith.mulf %mul3A_1117, %add3A_1115 : vector<16xf32>
        %add3A_1119 = arith.constant 512 : i32
        %add3A_1120 = vector.broadcast %add3A_1119 : i32 to vector<16xi32>
        %add3A_1121 = arith.addi %add3A_1120, %mul3A_3 : vector<16xi32>
        %add3A_1122 = arith.constant 1 : i32
        %add3A_1123 = vector.broadcast %add3A_1122 : i32 to vector<16xi32>
        %add3A_1124 = arith.addi %add3A_1121, %add3A_1123 : vector<16xi32>
        tpu.vector_store_idx %arg7[%broadcast_in_dim3A_543, %add3A_1121], %get3A_1093 : memref<16x721xf32, #tpu.memory_space<vmem>>[vector<16xi32>, vector<16xi32>], vector<16xf32>,
        tpu.vector_store_idx %arg7[%broadcast_in_dim3A_543, %add3A_1124], %mul3A_1106 : memref<16x721xf32, #tpu.memory_space<vmem>>[vector<16xi32>, vector<16xi32>], vector<16xf32>,
        tpu.vector_store_idx %arg7[%add3A_546, %add3A_1121], %mul3A_1110 : memref<16x721xf32, #tpu.memory_space<vmem>>[vector<16xi32>, vector<16xi32>], vector<16xf32>,
        tpu.vector_store_idx %arg7[%add3A_546, %add3A_1124], %mul3A_1118 : memref<16x721xf32, #tpu.memory_space<vmem>>[vector<16xi32>, vector<16xi32>], vector<16xf32>,
        %get3A_1125 = arith.index_cast %scan3A_538 : i32 to index
        %get3A_1126 = arith.constant 272 : index
        %get3A_1127 = tpu.vector_load %arg5[%get3A_1125, %get3A_1126] {strides = array<i32>} : memref<9x361xf32, #tpu.memory_space<vmem>>, vector<16xf32>,
        %get3A_1128 = arith.index_cast %add3A_540 : i32 to index
        %get3A_1129 = arith.constant 272 : index
        %get3A_1130 = tpu.vector_load %arg5[%get3A_1128, %get3A_1129] {strides = array<i32>} : memref<9x361xf32, #tpu.memory_space<vmem>>, vector<16xf32>,
        %get3A_1131 = arith.index_cast %scan3A_538 : i32 to index
        %get3A_1132 = arith.constant 273 : index
        %get3A_1133 = tpu.vector_load %arg5[%get3A_1131, %get3A_1132] {strides = array<i32>} : memref<9x361xf32, #tpu.memory_space<vmem>>, vector<16xf32>,
        %get3A_1134 = arith.index_cast %add3A_540 : i32 to index
        %get3A_1135 = arith.constant 273 : index
        %get3A_1136 = tpu.vector_load %arg5[%get3A_1134, %get3A_1135] {strides = array<i32>} : memref<9x361xf32, #tpu.memory_space<vmem>>, vector<16xf32>,
        %add3A_1137 = arith.addf %get3A_1127, %get3A_1133 : vector<16xf32>
        %mul3A_1138 = arith.constant 5.000000e-01 : f32
        %mul3A_1139 = vector.broadcast %mul3A_1138 : f32 to vector<16xf32>
        %mul3A_1140 = arith.mulf %mul3A_1139, %add3A_1137 : vector<16xf32>
        %add3A_1141 = arith.addf %get3A_1127, %get3A_1130 : vector<16xf32>
        %mul3A_1142 = arith.constant 5.000000e-01 : f32
        %mul3A_1143 = vector.broadcast %mul3A_1142 : f32 to vector<16xf32>
        %mul3A_1144 = arith.mulf %mul3A_1143, %add3A_1141 : vector<16xf32>
        %add3A_1145 = arith.addf %get3A_1133, %get3A_1136 : vector<16xf32>
        %mul3A_1146 = arith.constant 5.000000e-01 : f32
        %mul3A_1147 = vector.broadcast %mul3A_1146 : f32 to vector<16xf32>
        %mul3A_1148 = arith.mulf %mul3A_1147, %add3A_1145 : vector<16xf32>
        %add3A_1149 = arith.addf %mul3A_1144, %mul3A_1148 : vector<16xf32>
        %mul3A_1150 = arith.constant 5.000000e-01 : f32
        %mul3A_1151 = vector.broadcast %mul3A_1150 : f32 to vector<16xf32>
        %mul3A_1152 = arith.mulf %mul3A_1151, %add3A_1149 : vector<16xf32>
        %add3A_1153 = arith.constant 544 : i32
        %add3A_1154 = vector.broadcast %add3A_1153 : i32 to vector<16xi32>
        %add3A_1155 = arith.addi %add3A_1154, %mul3A_3 : vector<16xi32>
        %add3A_1156 = arith.constant 1 : i32
        %add3A_1157 = vector.broadcast %add3A_1156 : i32 to vector<16xi32>
        %add3A_1158 = arith.addi %add3A_1155, %add3A_1157 : vector<16xi32>
        tpu.vector_store_idx %arg7[%broadcast_in_dim3A_543, %add3A_1155], %get3A_1127 : memref<16x721xf32, #tpu.memory_space<vmem>>[vector<16xi32>, vector<16xi32>], vector<16xf32>,
        tpu.vector_store_idx %arg7[%broadcast_in_dim3A_543, %add3A_1158], %mul3A_1140 : memref<16x721xf32, #tpu.memory_space<vmem>>[vector<16xi32>, vector<16xi32>], vector<16xf32>,
        tpu.vector_store_idx %arg7[%add3A_546, %add3A_1155], %mul3A_1144 : memref<16x721xf32, #tpu.memory_space<vmem>>[vector<16xi32>, vector<16xi32>], vector<16xf32>,
        tpu.vector_store_idx %arg7[%add3A_546, %add3A_1158], %mul3A_1152 : memref<16x721xf32, #tpu.memory_space<vmem>>[vector<16xi32>, vector<16xi32>], vector<16xf32>,
        %get3A_1159 = arith.index_cast %scan3A_538 : i32 to index
        %get3A_1160 = arith.constant 288 : index
        %get3A_1161 = tpu.vector_load %arg5[%get3A_1159, %get3A_1160] {strides = array<i32>} : memref<9x361xf32, #tpu.memory_space<vmem>>, vector<16xf32>,
        %get3A_1162 = arith.index_cast %add3A_540 : i32 to index
        %get3A_1163 = arith.constant 288 : index
        %get3A_1164 = tpu.vector_load %arg5[%get3A_1162, %get3A_1163] {strides = array<i32>} : memref<9x361xf32, #tpu.memory_space<vmem>>, vector<16xf32>,
        %get3A_1165 = arith.index_cast %scan3A_538 : i32 to index
        %get3A_1166 = arith.constant 289 : index
        %get3A_1167 = tpu.vector_load %arg5[%get3A_1165, %get3A_1166] {strides = array<i32>} : memref<9x361xf32, #tpu.memory_space<vmem>>, vector<16xf32>,
        %get3A_1168 = arith.index_cast %add3A_540 : i32 to index
        %get3A_1169 = arith.constant 289 : index
        %get3A_1170 = tpu.vector_load %arg5[%get3A_1168, %get3A_1169] {strides = array<i32>} : memref<9x361xf32, #tpu.memory_space<vmem>>, vector<16xf32>,
        %add3A_1171 = arith.addf %get3A_1161, %get3A_1167 : vector<16xf32>
        %mul3A_1172 = arith.constant 5.000000e-01 : f32
        %mul3A_1173 = vector.broadcast %mul3A_1172 : f32 to vector<16xf32>
        %mul3A_1174 = arith.mulf %mul3A_1173, %add3A_1171 : vector<16xf32>
        %add3A_1175 = arith.addf %get3A_1161, %get3A_1164 : vector<16xf32>
        %mul3A_1176 = arith.constant 5.000000e-01 : f32
        %mul3A_1177 = vector.broadcast %mul3A_1176 : f32 to vector<16xf32>
        %mul3A_1178 = arith.mulf %mul3A_1177, %add3A_1175 : vector<16xf32>
        %add3A_1179 = arith.addf %get3A_1167, %get3A_1170 : vector<16xf32>
        %mul3A_1180 = arith.constant 5.000000e-01 : f32
        %mul3A_1181 = vector.broadcast %mul3A_1180 : f32 to vector<16xf32>
        %mul3A_1182 = arith.mulf %mul3A_1181, %add3A_1179 : vector<16xf32>
        %add3A_1183 = arith.addf %mul3A_1178, %mul3A_1182 : vector<16xf32>
        %mul3A_1184 = arith.constant 5.000000e-01 : f32
        %mul3A_1185 = vector.broadcast %mul3A_1184 : f32 to vector<16xf32>
        %mul3A_1186 = arith.mulf %mul3A_1185, %add3A_1183 : vector<16xf32>
        %add3A_1187 = arith.constant 576 : i32
        %add3A_1188 = vector.broadcast %add3A_1187 : i32 to vector<16xi32>
        %add3A_1189 = arith.addi %add3A_1188, %mul3A_3 : vector<16xi32>
        %add3A_1190 = arith.constant 1 : i32
        %add3A_1191 = vector.broadcast %add3A_1190 : i32 to vector<16xi32>
        %add3A_1192 = arith.addi %add3A_1189, %add3A_1191 : vector<16xi32>
        tpu.vector_store_idx %arg7[%broadcast_in_dim3A_543, %add3A_1189], %get3A_1161 : memref<16x721xf32, #tpu.memory_space<vmem>>[vector<16xi32>, vector<16xi32>], vector<16xf32>,
        tpu.vector_store_idx %arg7[%broadcast_in_dim3A_543, %add3A_1192], %mul3A_1174 : memref<16x721xf32, #tpu.memory_space<vmem>>[vector<16xi32>, vector<16xi32>], vector<16xf32>,
        tpu.vector_store_idx %arg7[%add3A_546, %add3A_1189], %mul3A_1178 : memref<16x721xf32, #tpu.memory_space<vmem>>[vector<16xi32>, vector<16xi32>], vector<16xf32>,
        tpu.vector_store_idx %arg7[%add3A_546, %add3A_1192], %mul3A_1186 : memref<16x721xf32, #tpu.memory_space<vmem>>[vector<16xi32>, vector<16xi32>], vector<16xf32>,
        %get3A_1193 = arith.index_cast %scan3A_538 : i32 to index
        %get3A_1194 = arith.constant 304 : index
        %get3A_1195 = tpu.vector_load %arg5[%get3A_1193, %get3A_1194] {strides = array<i32>} : memref<9x361xf32, #tpu.memory_space<vmem>>, vector<16xf32>,
        %get3A_1196 = arith.index_cast %add3A_540 : i32 to index
        %get3A_1197 = arith.constant 304 : index
        %get3A_1198 = tpu.vector_load %arg5[%get3A_1196, %get3A_1197] {strides = array<i32>} : memref<9x361xf32, #tpu.memory_space<vmem>>, vector<16xf32>,
        %get3A_1199 = arith.index_cast %scan3A_538 : i32 to index
        %get3A_1200 = arith.constant 305 : index
        %get3A_1201 = tpu.vector_load %arg5[%get3A_1199, %get3A_1200] {strides = array<i32>} : memref<9x361xf32, #tpu.memory_space<vmem>>, vector<16xf32>,
        %get3A_1202 = arith.index_cast %add3A_540 : i32 to index
        %get3A_1203 = arith.constant 305 : index
        %get3A_1204 = tpu.vector_load %arg5[%get3A_1202, %get3A_1203] {strides = array<i32>} : memref<9x361xf32, #tpu.memory_space<vmem>>, vector<16xf32>,
        %add3A_1205 = arith.addf %get3A_1195, %get3A_1201 : vector<16xf32>
        %mul3A_1206 = arith.constant 5.000000e-01 : f32
        %mul3A_1207 = vector.broadcast %mul3A_1206 : f32 to vector<16xf32>
        %mul3A_1208 = arith.mulf %mul3A_1207, %add3A_1205 : vector<16xf32>
        %add3A_1209 = arith.addf %get3A_1195, %get3A_1198 : vector<16xf32>
        %mul3A_1210 = arith.constant 5.000000e-01 : f32
        %mul3A_1211 = vector.broadcast %mul3A_1210 : f32 to vector<16xf32>
        %mul3A_1212 = arith.mulf %mul3A_1211, %add3A_1209 : vector<16xf32>
        %add3A_1213 = arith.addf %get3A_1201, %get3A_1204 : vector<16xf32>
        %mul3A_1214 = arith.constant 5.000000e-01 : f32
        %mul3A_1215 = vector.broadcast %mul3A_1214 : f32 to vector<16xf32>
        %mul3A_1216 = arith.mulf %mul3A_1215, %add3A_1213 : vector<16xf32>
        %add3A_1217 = arith.addf %mul3A_1212, %mul3A_1216 : vector<16xf32>
        %mul3A_1218 = arith.constant 5.000000e-01 : f32
        %mul3A_1219 = vector.broadcast %mul3A_1218 : f32 to vector<16xf32>
        %mul3A_1220 = arith.mulf %mul3A_1219, %add3A_1217 : vector<16xf32>
        %add3A_1221 = arith.constant 608 : i32
        %add3A_1222 = vector.broadcast %add3A_1221 : i32 to vector<16xi32>
        %add3A_1223 = arith.addi %add3A_1222, %mul3A_3 : vector<16xi32>
        %add3A_1224 = arith.constant 1 : i32
        %add3A_1225 = vector.broadcast %add3A_1224 : i32 to vector<16xi32>
        %add3A_1226 = arith.addi %add3A_1223, %add3A_1225 : vector<16xi32>
        tpu.vector_store_idx %arg7[%broadcast_in_dim3A_543, %add3A_1223], %get3A_1195 : memref<16x721xf32, #tpu.memory_space<vmem>>[vector<16xi32>, vector<16xi32>], vector<16xf32>,
        tpu.vector_store_idx %arg7[%broadcast_in_dim3A_543, %add3A_1226], %mul3A_1208 : memref<16x721xf32, #tpu.memory_space<vmem>>[vector<16xi32>, vector<16xi32>], vector<16xf32>,
        tpu.vector_store_idx %arg7[%add3A_546, %add3A_1223], %mul3A_1212 : memref<16x721xf32, #tpu.memory_space<vmem>>[vector<16xi32>, vector<16xi32>], vector<16xf32>,
        tpu.vector_store_idx %arg7[%add3A_546, %add3A_1226], %mul3A_1220 : memref<16x721xf32, #tpu.memory_space<vmem>>[vector<16xi32>, vector<16xi32>], vector<16xf32>,
        %get3A_1227 = arith.index_cast %scan3A_538 : i32 to index
        %get3A_1228 = arith.constant 320 : index
        %get3A_1229 = tpu.vector_load %arg5[%get3A_1227, %get3A_1228] {strides = array<i32>} : memref<9x361xf32, #tpu.memory_space<vmem>>, vector<16xf32>,
        %get3A_1230 = arith.index_cast %add3A_540 : i32 to index
        %get3A_1231 = arith.constant 320 : index
        %get3A_1232 = tpu.vector_load %arg5[%get3A_1230, %get3A_1231] {strides = array<i32>} : memref<9x361xf32, #tpu.memory_space<vmem>>, vector<16xf32>,
        %get3A_1233 = arith.index_cast %scan3A_538 : i32 to index
        %get3A_1234 = arith.constant 321 : index
        %get3A_1235 = tpu.vector_load %arg5[%get3A_1233, %get3A_1234] {strides = array<i32>} : memref<9x361xf32, #tpu.memory_space<vmem>>, vector<16xf32>,
        %get3A_1236 = arith.index_cast %add3A_540 : i32 to index
        %get3A_1237 = arith.constant 321 : index
        %get3A_1238 = tpu.vector_load %arg5[%get3A_1236, %get3A_1237] {strides = array<i32>} : memref<9x361xf32, #tpu.memory_space<vmem>>, vector<16xf32>,
        %add3A_1239 = arith.addf %get3A_1229, %get3A_1235 : vector<16xf32>
        %mul3A_1240 = arith.constant 5.000000e-01 : f32
        %mul3A_1241 = vector.broadcast %mul3A_1240 : f32 to vector<16xf32>
        %mul3A_1242 = arith.mulf %mul3A_1241, %add3A_1239 : vector<16xf32>
        %add3A_1243 = arith.addf %get3A_1229, %get3A_1232 : vector<16xf32>
        %mul3A_1244 = arith.constant 5.000000e-01 : f32
        %mul3A_1245 = vector.broadcast %mul3A_1244 : f32 to vector<16xf32>
        %mul3A_1246 = arith.mulf %mul3A_1245, %add3A_1243 : vector<16xf32>
        %add3A_1247 = arith.addf %get3A_1235, %get3A_1238 : vector<16xf32>
        %mul3A_1248 = arith.constant 5.000000e-01 : f32
        %mul3A_1249 = vector.broadcast %mul3A_1248 : f32 to vector<16xf32>
        %mul3A_1250 = arith.mulf %mul3A_1249, %add3A_1247 : vector<16xf32>
        %add3A_1251 = arith.addf %mul3A_1246, %mul3A_1250 : vector<16xf32>
        %mul3A_1252 = arith.constant 5.000000e-01 : f32
        %mul3A_1253 = vector.broadcast %mul3A_1252 : f32 to vector<16xf32>
        %mul3A_1254 = arith.mulf %mul3A_1253, %add3A_1251 : vector<16xf32>
        %add3A_1255 = arith.constant 640 : i32
        %add3A_1256 = vector.broadcast %add3A_1255 : i32 to vector<16xi32>
        %add3A_1257 = arith.addi %add3A_1256, %mul3A_3 : vector<16xi32>
        %add3A_1258 = arith.constant 1 : i32
        %add3A_1259 = vector.broadcast %add3A_1258 : i32 to vector<16xi32>
        %add3A_1260 = arith.addi %add3A_1257, %add3A_1259 : vector<16xi32>
        tpu.vector_store_idx %arg7[%broadcast_in_dim3A_543, %add3A_1257], %get3A_1229 : memref<16x721xf32, #tpu.memory_space<vmem>>[vector<16xi32>, vector<16xi32>], vector<16xf32>,
        tpu.vector_store_idx %arg7[%broadcast_in_dim3A_543, %add3A_1260], %mul3A_1242 : memref<16x721xf32, #tpu.memory_space<vmem>>[vector<16xi32>, vector<16xi32>], vector<16xf32>,
        tpu.vector_store_idx %arg7[%add3A_546, %add3A_1257], %mul3A_1246 : memref<16x721xf32, #tpu.memory_space<vmem>>[vector<16xi32>, vector<16xi32>], vector<16xf32>,
        tpu.vector_store_idx %arg7[%add3A_546, %add3A_1260], %mul3A_1254 : memref<16x721xf32, #tpu.memory_space<vmem>>[vector<16xi32>, vector<16xi32>], vector<16xf32>,
        %get3A_1261 = arith.index_cast %scan3A_538 : i32 to index
        %get3A_1262 = arith.constant 336 : index
        %get3A_1263 = tpu.vector_load %arg5[%get3A_1261, %get3A_1262] {strides = array<i32>} : memref<9x361xf32, #tpu.memory_space<vmem>>, vector<16xf32>,
        %get3A_1264 = arith.index_cast %add3A_540 : i32 to index
        %get3A_1265 = arith.constant 336 : index
        %get3A_1266 = tpu.vector_load %arg5[%get3A_1264, %get3A_1265] {strides = array<i32>} : memref<9x361xf32, #tpu.memory_space<vmem>>, vector<16xf32>,
        %get3A_1267 = arith.index_cast %scan3A_538 : i32 to index
        %get3A_1268 = arith.constant 337 : index
        %get3A_1269 = tpu.vector_load %arg5[%get3A_1267, %get3A_1268] {strides = array<i32>} : memref<9x361xf32, #tpu.memory_space<vmem>>, vector<16xf32>,
        %get3A_1270 = arith.index_cast %add3A_540 : i32 to index
        %get3A_1271 = arith.constant 337 : index
        %get3A_1272 = tpu.vector_load %arg5[%get3A_1270, %get3A_1271] {strides = array<i32>} : memref<9x361xf32, #tpu.memory_space<vmem>>, vector<16xf32>,
        %add3A_1273 = arith.addf %get3A_1263, %get3A_1269 : vector<16xf32>
        %mul3A_1274 = arith.constant 5.000000e-01 : f32
        %mul3A_1275 = vector.broadcast %mul3A_1274 : f32 to vector<16xf32>
        %mul3A_1276 = arith.mulf %mul3A_1275, %add3A_1273 : vector<16xf32>
        %add3A_1277 = arith.addf %get3A_1263, %get3A_1266 : vector<16xf32>
        %mul3A_1278 = arith.constant 5.000000e-01 : f32
        %mul3A_1279 = vector.broadcast %mul3A_1278 : f32 to vector<16xf32>
        %mul3A_1280 = arith.mulf %mul3A_1279, %add3A_1277 : vector<16xf32>
        %add3A_1281 = arith.addf %get3A_1269, %get3A_1272 : vector<16xf32>
        %mul3A_1282 = arith.constant 5.000000e-01 : f32
        %mul3A_1283 = vector.broadcast %mul3A_1282 : f32 to vector<16xf32>
        %mul3A_1284 = arith.mulf %mul3A_1283, %add3A_1281 : vector<16xf32>
        %add3A_1285 = arith.addf %mul3A_1280, %mul3A_1284 : vector<16xf32>
        %mul3A_1286 = arith.constant 5.000000e-01 : f32
        %mul3A_1287 = vector.broadcast %mul3A_1286 : f32 to vector<16xf32>
        %mul3A_1288 = arith.mulf %mul3A_1287, %add3A_1285 : vector<16xf32>
        %add3A_1289 = arith.constant 672 : i32
        %add3A_1290 = vector.broadcast %add3A_1289 : i32 to vector<16xi32>
        %add3A_1291 = arith.addi %add3A_1290, %mul3A_3 : vector<16xi32>
        %add3A_1292 = arith.constant 1 : i32
        %add3A_1293 = vector.broadcast %add3A_1292 : i32 to vector<16xi32>
        %add3A_1294 = arith.addi %add3A_1291, %add3A_1293 : vector<16xi32>
        tpu.vector_store_idx %arg7[%broadcast_in_dim3A_543, %add3A_1291], %get3A_1263 : memref<16x721xf32, #tpu.memory_space<vmem>>[vector<16xi32>, vector<16xi32>], vector<16xf32>,
        tpu.vector_store_idx %arg7[%broadcast_in_dim3A_543, %add3A_1294], %mul3A_1276 : memref<16x721xf32, #tpu.memory_space<vmem>>[vector<16xi32>, vector<16xi32>], vector<16xf32>,
        tpu.vector_store_idx %arg7[%add3A_546, %add3A_1291], %mul3A_1280 : memref<16x721xf32, #tpu.memory_space<vmem>>[vector<16xi32>, vector<16xi32>], vector<16xf32>,
        tpu.vector_store_idx %arg7[%add3A_546, %add3A_1294], %mul3A_1288 : memref<16x721xf32, #tpu.memory_space<vmem>>[vector<16xi32>, vector<16xi32>], vector<16xf32>,
        %add3A_1295 = arith.constant 352 : i32
        %add3A_1296 = vector.broadcast %add3A_1295 : i32 to vector<16xi32>
        %add3A_1297 = arith.addi %add3A_1296, %iota3A : vector<16xi32>
        %min3A_1298 = arith.constant 360 : i32
        %min3A_1299 = vector.broadcast %min3A_1298 : i32 to vector<16xi32>
        %min3A_1300 = arith.minsi %add3A_1297, %min3A_1299 : vector<16xi32>
        %add3A_1301 = arith.constant 353 : i32
        %add3A_1302 = vector.broadcast %add3A_1301 : i32 to vector<16xi32>
        %add3A_1303 = arith.addi %add3A_1302, %iota3A : vector<16xi32>
        %min3A_1304 = arith.constant 360 : i32
        %min3A_1305 = vector.broadcast %min3A_1304 : i32 to vector<16xi32>
        %min3A_1306 = arith.minsi %add3A_1303, %min3A_1305 : vector<16xi32>
        %gather3A_1307 = tpu.vector_load_idx %arg5[%broadcast_in_dim3A_547, %min3A_1300] : memref<9x361xf32, #tpu.memory_space<vmem>>[vector<16xi32>, vector<16xi32>], vector<16xf32>,
        %gather3A_1308 = tpu.vector_load_idx %arg5[%broadcast_in_dim3A_548, %min3A_1300] : memref<9x361xf32, #tpu.memory_space<vmem>>[vector<16xi32>, vector<16xi32>], vector<16xf32>,
        %gather3A_1309 = tpu.vector_load_idx %arg5[%broadcast_in_dim3A_547, %min3A_1306] : memref<9x361xf32, #tpu.memory_space<vmem>>[vector<16xi32>, vector<16xi32>], vector<16xf32>,
        %gather3A_1310 = tpu.vector_load_idx %arg5[%broadcast_in_dim3A_548, %min3A_1306] : memref<9x361xf32, #tpu.memory_space<vmem>>[vector<16xi32>, vector<16xi32>], vector<16xf32>,
        %add3A_1311 = arith.addf %gather3A_1307, %gather3A_1309 : vector<16xf32>
        %mul3A_1312 = arith.constant 5.000000e-01 : f32
        %mul3A_1313 = vector.broadcast %mul3A_1312 : f32 to vector<16xf32>
        %mul3A_1314 = arith.mulf %mul3A_1313, %add3A_1311 : vector<16xf32>
        %add3A_1315 = arith.addf %gather3A_1307, %gather3A_1308 : vector<16xf32>
        %mul3A_1316 = arith.constant 5.000000e-01 : f32
        %mul3A_1317 = vector.broadcast %mul3A_1316 : f32 to vector<16xf32>
        %mul3A_1318 = arith.mulf %mul3A_1317, %add3A_1315 : vector<16xf32>
        %add3A_1319 = arith.addf %gather3A_1309, %gather3A_1310 : vector<16xf32>
        %mul3A_1320 = arith.constant 5.000000e-01 : f32
        %mul3A_1321 = vector.broadcast %mul3A_1320 : f32 to vector<16xf32>
        %mul3A_1322 = arith.mulf %mul3A_1321, %add3A_1319 : vector<16xf32>
        %add3A_1323 = arith.addf %mul3A_1318, %mul3A_1322 : vector<16xf32>
        %mul3A_1324 = arith.constant 5.000000e-01 : f32
        %mul3A_1325 = vector.broadcast %mul3A_1324 : f32 to vector<16xf32>
        %mul3A_1326 = arith.mulf %mul3A_1325, %add3A_1323 : vector<16xf32>
        %add3A_1327 = arith.constant 704 : i32
        %add3A_1328 = vector.broadcast %add3A_1327 : i32 to vector<16xi32>
        %add3A_1329 = arith.addi %add3A_1328, %mul3A_3 : vector<16xi32>
        %add3A_1330 = arith.constant 1 : i32
        %add3A_1331 = vector.broadcast %add3A_1330 : i32 to vector<16xi32>
        %add3A_1332 = arith.addi %add3A_1329, %add3A_1331 : vector<16xi32>
        %min3A_1333 = arith.constant 720 : i32
        %min3A_1334 = vector.broadcast %min3A_1333 : i32 to vector<16xi32>
        %min3A_1335 = arith.minsi %add3A_1329, %min3A_1334 : vector<16xi32>
        %min3A_1336 = arith.constant 720 : i32
        %min3A_1337 = vector.broadcast %min3A_1336 : i32 to vector<16xi32>
        %min3A_1338 = arith.minsi %add3A_1332, %min3A_1337 : vector<16xi32>
        tpu.vector_store_idx %arg7[%broadcast_in_dim3A_543, %min3A_1335], %gather3A_1307 masked %lt3A_5 : memref<16x721xf32, #tpu.memory_space<vmem>>[vector<16xi32>, vector<16xi32>], vector<16xf32>, vector<16xi1>
        tpu.vector_store_idx %arg7[%broadcast_in_dim3A_543, %min3A_1338], %mul3A_1314 masked %lt3A_8 : memref<16x721xf32, #tpu.memory_space<vmem>>[vector<16xi32>, vector<16xi32>], vector<16xf32>, vector<16xi1>
        tpu.vector_store_idx %arg7[%add3A_546, %min3A_1335], %mul3A_1318 masked %lt3A_5 : memref<16x721xf32, #tpu.memory_space<vmem>>[vector<16xi32>, vector<16xi32>], vector<16xf32>, vector<16xi1>
        tpu.vector_store_idx %arg7[%add3A_546, %min3A_1338], %mul3A_1326 masked %lt3A_8 : memref<16x721xf32, #tpu.memory_space<vmem>>[vector<16xi32>, vector<16xi32>], vector<16xf32>, vector<16xi1>
      }
      %scan3A_521 = arith.constant 8 : i32
      %mul3A_522 = arith.constant 16 : i32
      %mul3A_523 = arith.muli %mul3A_522, %add3A_308 : i32
      %dma_start3A_524 = arith.constant 0 : i32
      %dma_start3A_525 = arith.constant 0 : i32
      %dma_start3A_526 = tpu.memref_slice %arg3[%dma_start3A_524, %add3A, %mul3A_523, %dma_start3A_525] : memref<1x32x1440x721xf32, #tpu.memory_space<hbm>> -> memref<1x1x16x721xf32, #tpu.memory_space<hbm>>
      %dma_start3A_527 = tpu.memref_squeeze %dma_start3A_526 : memref<1x1x16x721xf32, #tpu.memory_space<hbm>> -> memref<16x721xf32, #tpu.memory_space<hbm>>
      %dma_start3A_528 = arith.constant 0 : i32
      %dma_start3A_529 = tpu.memref_slice %arg3[%dma_start3A_524, %add3A, %mul3A_523, %dma_start3A_528] : memref<1x32x1440x721xf32, #tpu.memory_space<hbm>> -> memref<1x1x16x721xf32, #tpu.memory_space<hbm>>
      %dma_start3A_530 = tpu.memref_squeeze %dma_start3A_529 : memref<1x1x16x721xf32, #tpu.memory_space<hbm>> -> memref<16x721xf32, #tpu.memory_space<hbm>>
      tpu.enqueue_dma source(%arg7 : memref<16x721xf32, #tpu.memory_space<vmem>>) target(%dma_start3A_530 : memref<16x721xf32, #tpu.memory_space<hbm>>) target_semaphore(%arg11 : memref<!tpu.dma_semaphore, #tpu.memory_space<semaphore_mem>>)
      %add3A_531 = arith.constant 2 : i32
      %add3A_532 = arith.addi %add3A_308, %add3A_531 : i32
      %le3A_533 = arith.constant 90 : i32
      %le3A_534 = arith.cmpi sle, %add3A_532, %le3A_533 : i32
      %convert_element_type3A_535 = arith.extui %le3A_534 : i1 to i32
      %cond3A_536 = arith.constant 0 : i32
      %cond3A_537 = arith.cmpi ne, %convert_element_type3A_535, %cond3A_536 : i32
      scf.if %cond3A_537 {
        %add3A_538 = arith.constant 2 : i32
        %add3A_539 = arith.addi %add3A_308, %add3A_538 : i32
        %rem3A_540 = arith.constant 90 : i32
        %rem3A_541 = arith.remsi %add3A_539, %rem3A_540 : i32
        %mul3A_542 = arith.constant 8 : i32
        %mul3A_543 = arith.muli %mul3A_542, %rem3A_541 : i32
        %dma_start3A_544 = arith.constant 0 : i32
        %dma_start3A_545 = arith.constant 0 : i32
        %dma_start3A_546 = arith.constant 0 : i32
        %dma_start3A_547 = tpu.memref_slice %arg5[%dma_start3A_545, %dma_start3A_546] : memref<9x361xf32, #tpu.memory_space<vmem>> -> memref<8x361xf32, #tpu.memory_space<vmem>>
        %dma_start3A_548 = arith.constant 0 : i32
        %dma_start3A_549 = tpu.memref_slice %arg2[%dma_start3A_544, %add3A, %mul3A_543, %dma_start3A_548] : memref<1x32x720x361xf32, #tpu.memory_space<hbm>> -> memref<1x1x8x361xf32, #tpu.memory_space<hbm>>
        %dma_start3A_550 = tpu.memref_squeeze %dma_start3A_549 : memref<1x1x8x361xf32, #tpu.memory_space<hbm>> -> memref<8x361xf32, #tpu.memory_space<hbm>>
        %dma_start3A_551 = arith.constant 0 : i32
        %dma_start3A_552 = arith.constant 0 : i32
        %dma_start3A_553 = tpu.memref_slice %arg5[%dma_start3A_551, %dma_start3A_552] : memref<9x361xf32, #tpu.memory_space<vmem>> -> memref<8x361xf32, #tpu.memory_space<vmem>>
        %dma_start3A_554 = arith.constant 0 : i32
        %dma_start3A_555 = tpu.memref_slice %arg2[%dma_start3A_544, %add3A, %mul3A_543, %dma_start3A_554] : memref<1x32x720x361xf32, #tpu.memory_space<hbm>> -> memref<1x1x8x361xf32, #tpu.memory_space<hbm>>
        %dma_start3A_556 = tpu.memref_squeeze %dma_start3A_555 : memref<1x1x8x361xf32, #tpu.memory_space<hbm>> -> memref<8x361xf32, #tpu.memory_space<hbm>>
        tpu.enqueue_dma source(%dma_start3A_556 : memref<8x361xf32, #tpu.memory_space<hbm>>) target(%dma_start3A_553 : memref<8x361xf32, #tpu.memory_space<vmem>>) target_semaphore(%arg9 : memref<!tpu.dma_semaphore, #tpu.memory_space<semaphore_mem>>)
      } else {
      }
    }
    %scan3A_61 = arith.constant 45 : i32
    %dma_wait3A_62 = arith.constant 0 : i32
    %dma_wait3A_63 = arith.constant 0 : i32
    %dma_wait3A_64 = arith.constant 0 : i32
    %dma_wait3A_65 = tpu.memref_slice %arg3[%dma_wait3A_62, %add3A, %dma_wait3A_63, %dma_wait3A_64] : memref<1x32x1440x721xf32, #tpu.memory_space<hbm>> -> memref<1x1x16x721xf32, #tpu.memory_space<hbm>>
    %dma_wait3A_66 = tpu.memref_squeeze %dma_wait3A_65 : memref<1x1x16x721xf32, #tpu.memory_space<hbm>> -> memref<16x721xf32, #tpu.memory_space<hbm>>
    %dma_wait3A_67 = arith.constant 0 : i32
    %dma_wait3A_68 = arith.constant 0 : i32
    %dma_wait3A_69 = tpu.memref_slice %arg3[%dma_wait3A_62, %add3A, %dma_wait3A_67, %dma_wait3A_68] : memref<1x32x1440x721xf32, #tpu.memory_space<hbm>> -> memref<1x1x16x721xf32, #tpu.memory_space<hbm>>
    %dma_wait3A_70 = tpu.memref_squeeze %dma_wait3A_69 : memref<1x1x16x721xf32, #tpu.memory_space<hbm>> -> memref<16x721xf32, #tpu.memory_space<hbm>>
    tpu.wait_dma2 semaphore(%arg10 : memref<!tpu.dma_semaphore, #tpu.memory_space<semaphore_mem>>) src(%arg6 : memref<16x721xf32, #tpu.memory_space<vmem>>) dst(%dma_wait3A_70 : memref<16x721xf32, #tpu.memory_space<hbm>>)
    %dma_wait3A_71 = arith.constant 0 : i32
    %dma_wait3A_72 = arith.constant 0 : i32
    %dma_wait3A_73 = arith.constant 0 : i32
    %dma_wait3A_74 = tpu.memref_slice %arg3[%dma_wait3A_71, %add3A, %dma_wait3A_72, %dma_wait3A_73] : memref<1x32x1440x721xf32, #tpu.memory_space<hbm>> -> memref<1x1x16x721xf32, #tpu.memory_space<hbm>>
    %dma_wait3A_75 = tpu.memref_squeeze %dma_wait3A_74 : memref<1x1x16x721xf32, #tpu.memory_space<hbm>> -> memref<16x721xf32, #tpu.memory_space<hbm>>
    %dma_wait3A_76 = arith.constant 0 : i32
    %dma_wait3A_77 = arith.constant 0 : i32
    %dma_wait3A_78 = tpu.memref_slice %arg3[%dma_wait3A_71, %add3A, %dma_wait3A_76, %dma_wait3A_77] : memref<1x32x1440x721xf32, #tpu.memory_space<hbm>> -> memref<1x1x16x721xf32, #tpu.memory_space<hbm>>
    %dma_wait3A_79 = tpu.memref_squeeze %dma_wait3A_78 : memref<1x1x16x721xf32, #tpu.memory_space<hbm>> -> memref<16x721xf32, #tpu.memory_space<hbm>>
    tpu.wait_dma2 semaphore(%arg11 : memref<!tpu.dma_semaphore, #tpu.memory_space<semaphore_mem>>) src(%arg7 : memref<16x721xf32, #tpu.memory_space<vmem>>) dst(%dma_wait3A_79 : memref<16x721xf32, #tpu.memory_space<hbm>>)
    return
  }
}

</mosaic_0001>

<sc_bundles>
// kernel: kernel.3.cloned.1.call-start
scs
__scs_entry_jumppad:
0x0: {  	(pc) =	sbr.rel $0x88, $3  }
0x1: {  	(tag) =	ssettag $0x0;
	lr =	simm.s32 $0x1  }
0x2: {  	[smem:$0x3FA0] =	sst lr;
	_ =	strace $0xD0000000  }
0x3: {  	_ = 	snop  }
0x4: {  	_ = 	snop  }
0x5: {  	_ = 	snop  }
0x6: {  	_ = 	snop  }
0x7: {  	_ = 	snop  }
__scs_overlays_trampoline_lowered:
0x8: {  	[smem:$0x3FAF] =	sst s0  }
0x9: {  	[smem:$0x3FB0] =	sst s1  }
0xa: {  	[smem:$0x3FB1] =	sst s2  }
0xb: {  	[smem:$0x3FB2] =	sst s3  }
0xc: {  	[smem:$0x3FB3] =	sst s4  }
0xd: {  	[smem:$0x3FB4] =	sst s5  }
0xe: {  	[smem:$0x3FB5] =	sst s6  }
0xf: {  	[smem:$0x3FB6] =	sst s7  }
0x10: {  	[smem:$0x3FB7] =	sst s8  }
0x11: {  	[smem:$0x3FB8] =	sst s9;
	s0 =	simm.s32 @!p0 $0x0  }
0x12: {  	s1 =	sld [smem:$0x3F9E];
	s0 =	simm.s32 @p0 $0x1  }
0x13: {  	[smem:$0x3FB9] =	sst s0;
	s0 =	simm.s32 @!p1 $0x0  }
0x14: {  	s2 =	sld [smem:$0x3F9D];
	s0 =	simm.s32 @p1 $0x1  }
0x15: {  	[smem:$0x3FBA] =	sst s0;
	s0 =	simm.s32 @!p2 $0x0  }
0x16: {  	s3 =	sld [smem:$0x3FDB];
	s0 =	simm.s32 @p2 $0x1  }
0x17: {  	s4 =	simm.s32 $0x1BF5;
	[smem:$0x3FBC] =	sst s0  }
0x18: {  	s0 =	sld [smem:$0x3F9F];
	_ =	swait.ge [sflag:s4], $0x0  }
0x19: {  	s7 =	sld [smem:$0x3FA0]  }
0x1a: {  	s8 =	sadd.s32 $0xFFFFE003, lr  }
0x1b: {  	s9 =	sadd.s32 $0xFFFFFEF7, lr;
	s5 =	simm.s32 $0xFFFFFFFF;
	p2 =	slt.u32 s8, $0xFFFFF086  }
0x1c: {  	p1 =	slt.u32 s9, $0xF7A;
	s5 =	simm.s32 @!p2 $0x0  }
0x1d: {  	s5 =	simm.s32 @p1 $0x1;
	p0 =	seq.s32 s7, s2  }
0x1e: {  	s7 =	smul.u32 @!p0 $0xF7A, s2;
	p2 =	seq.s32 @!p0 s5, $0x0  }
0x1f: {  	s9 =	smul.u32 $0xF7A, s1;
	s8 =	simm.s32 @!p0 $0x1BF5;
	p2 =	por !p2, p0  }
0x20: {  	[sflag:s8] =	ssyncset.s32 @!p0 $0xFFFFF086;
	s6 =	sadd.s32 @!p0 s3, s7;
	s7 =	simm.s32 @!p0 $0x108  }
0x21: {  	s3 =	sadd.s32 s3, s9;
	s6 =	sadd.s32 @!p0 $0x88, s6;
	s7 =	simm.s32 @p2 $0x1082  }
0x22: {  	[simem:s7], [sflag:s8] =	dma.local @!p0 [hbm:s6], $0xF7A  }
0x23: {  	s9 =	sor.u32 $0xD0000000, s2;
	s6 =	simm.s32 $0x108;
	_ =	swait.ge @!p0 [sflag:s8], $0x0  }
0x24: {  	s3 =	sadd.s32 $0x88, s3;
	s6 =	simm.s32 @!p1 $0x1082;
	[sflag:s4] =	ssyncset.s32 $0xFFFFF086  }
0x25: {  	[simem:s6], [sflag:s4] =	dma.local [hbm:s3], $0xF7A  }
0x26: {  	[smem:$0x3FA0] =	sst s1;
	(tag) =	ssettag s2;
	_ =	strace s9  }
0x27: {  	s1 =	sld [smem:$0x3FB0]  }
0x28: {  	s2 =	sld [smem:$0x3FB1]  }
0x29: {  	s4 =	sld [smem:$0x3FB3]  }
0x2a: {  	p0 =	seq.s32 s5, $0x0;
	s5 =	sld [smem:$0x3FB4]  }
0x2b: {  	s6 =	sld [smem:$0x3FB5]  }
0x2c: {  	s7 =	sld [smem:$0x3FB6]  }
0x2d: {  	s3 =	simm.s32 $0x108;
	s8 =	sld [smem:$0x3FB7]  }
0x2e: {  	s3 =	simm.s32 @!p0 $0x1082;
	s9 =	sld [smem:$0x3FB8]  }
0x2f: {  	lr =	sadd.s32 s0, s3;
	s0 =	sld [smem:$0x3FAF]  }
0x30: {  	s3 =	sld [smem:$0x3FB2]  }
0x31: {  	[smem:$0x3FBB] =	sst s10  }
0x32: {  	s10 =	sld [smem:$0x3FB9];
	_ =	sdelay $0x3  }
0x33: {  	p0 =	seq.s32 s10, $0x1;
	s10 =	sld [smem:$0x3FBB];
	_ =	sdelay $0x3  }
0x34: {  	[smem:$0x3FBB] =	sst s10  }
0x35: {  	s10 =	sld [smem:$0x3FBA];
	_ =	sdelay $0x3  }
0x36: {  	p1 =	seq.s32 s10, $0x1;
	s10 =	sld [smem:$0x3FBB];
	_ =	sdelay $0x3  }
0x37: {  	[smem:$0x3FBB] =	sst s10  }
0x38: {  	s10 =	sld [smem:$0x3FBC]  }
0x39: {  	_ = 	snop;
	(pc) =	sbr.ind lr, $3  }
0x3a: {  	_ = 	snop  }
0x3b: {  	_ = 	snop  }
0x3c: {  	p2 =	seq.s32 s10, $0x1;
	s10 =	sld [smem:$0x3FBB]  }
0x3d: {  	_ =	shalt  }
0x3e: {  	_ =	shalt  }
0x3f: {  	_ =	shalt  }
0x40: {  	_ =	shalt  }
0x41: {  	_ =	shalt  }
0x42: {  	_ =	shalt  }
0x43: {  	_ =	shalt  }
0x44: {  	_ =	shalt  }
0x45: {  	_ =	shalt  }
0x46: {  	_ =	shalt  }
0x47: {  	_ =	shalt  }
0x48: {  	_ =	shalt  }
0x49: {  	_ =	shalt  }
0x4a: {  	_ =	shalt  }
0x4b: {  	_ =	shalt  }
0x4c: {  	_ =	shalt  }
0x4d: {  	_ =	shalt  }
0x4e: {  	_ =	shalt  }
0x4f: {  	_ =	shalt  }
0x50: {  	_ =	shalt  }
0x51: {  	_ =	shalt  }
0x52: {  	_ =	shalt  }
0x53: {  	_ =	shalt  }
0x54: {  	_ =	shalt  }
0x55: {  	_ =	shalt  }
0x56: {  	_ =	shalt  }
0x57: {  	_ =	shalt  }
0x58: {  	_ =	shalt  }
0x59: {  	_ =	shalt  }
0x5a: {  	_ =	shalt  }
0x5b: {  	_ =	shalt  }
0x5c: {  	_ =	shalt  }
0x5d: {  	_ =	shalt  }
0x5e: {  	_ =	shalt  }
0x5f: {  	_ =	shalt  }
0x60: {  	_ =	shalt  }
0x61: {  	_ =	shalt  }
0x62: {  	_ =	shalt  }
0x63: {  	_ =	shalt  }
0x64: {  	_ =	shalt  }
0x65: {  	_ =	shalt  }
0x66: {  	_ =	shalt  }
0x67: {  	_ =	shalt  }
0x68: {  	_ =	shalt  }
0x69: {  	_ =	shalt  }
0x6a: {  	_ =	shalt  }
0x6b: {  	_ =	shalt  }
0x6c: {  	_ =	shalt  }
0x6d: {  	_ =	shalt  }
0x6e: {  	_ =	shalt  }
0x6f: {  	_ =	shalt  }
0x70: {  	_ =	shalt  }
0x71: {  	_ =	shalt  }
0x72: {  	_ =	shalt  }
0x73: {  	_ =	shalt  }
0x74: {  	_ =	shalt  }
0x75: {  	_ =	shalt  }
0x76: {  	_ =	shalt  }
0x77: {  	_ =	shalt  }
0x78: {  	_ =	shalt  }
0x79: {  	_ =	shalt  }
0x7a: {  	_ =	shalt  }
0x7b: {  	_ =	shalt  }
0x7c: {  	_ =	shalt  }
0x7d: {  	_ =	shalt  }
0x7e: {  	_ =	shalt  }
0x7f: {  	_ =	shalt  }
0x80: {  	_ =	shalt  }
0x81: {  	_ =	shalt  }
0x82: {  	_ =	shalt  }
0x83: {  	_ =	shalt  }
0x84: {  	_ =	shalt  }
0x85: {  	_ =	shalt  }
0x86: {  	_ =	shalt  }
0x87: {  	_ =	shalt  }
.Lfunc_end0:
.L_simem_size_0:
called_computation_lowered:
.L_overlay_start_0:
0x88: {  	s2 =	sld [smem:$0x3FD9]  }
0x89: {  	s3 =	sld [smem:$0x3FFE];
	_ =	sdelay $0x1  }
0x8a: {  	s1 =	srdreg.scid  }
0x8b: {  	s0 =	sand.u32 $0x1, s1  }
0x8c: {  	s18 =	sshll.u32 s0, $0xA;
	s2 =	sadd.s32 s3, s2  }
0x8d: {  	s2 =	sadd.s32 s2, s18  }
0x8e: {  	[smem:$0x3FC7] =	sst s2  }
0x8f: {  	_ = 	snop  }
0x90: {  	s2 =	sld [smem:$0x3FC9]  }
0x91: {  	s19 =	sld [smem:$0x3FD0];
	(tm) =	ssettm $0x1  }
0x92: {  	s4 =	sld [smem:$0x3FFB];
	_ =	sdelay $0x3  }
0x93: {  	_ =	strace s4  }
0x94: {  	s4 =	sld [smem:$0x3FFC];
	_ =	sdelay $0x3  }
0x95: {  	_ =	strace s4  }
0x96: {  	s4 =	sld [smem:$0x3FFD];
	_ =	sdelay $0x3  }
0x97: {  	_ =	strace s4  }
0x98: {  	_ =	strace $0x8FFFFFFF  }
0x99: {  	s20 =	sld [smem:$0x3FDB];
	_ =	sdelay $0x1  }
0x9a: {  	s5 =	simm.s32 $_scs_section_size  }
0x9b: {  	s6 =	simm.s32 $_size__tile_overlayer_lowered;
	s7 =	simm.s32 $_tile_overlayer_lowered  }
0x9c: {  	s23 =	simm.s32 $0x1BFF;
	s22 =	sshll.u32 s7, $0x1;
	s4 =	sadd.s32 s5, s20  }
0x9d: {  	s8 =	simm.s32 $0x0;
	s21 =	sshll.u32 s6, $0x1;
	s6 =	sadd.s32 s22, s4  }
0x9e: {  	[timem:s8], [sflag:s23] =	dma.local [hbm:s6], s21  }
0x9f: {  	_ =	swait.ge [sflag:s23], s21  }
0xa0: {  	s5 =	ssub.s32 $0x0, s21;
	[sflag:s23] =	ssyncset.done $0x0  }
0xa1: {  	[sflag:s23] =	ssyncadd.s32 s5;
	_ =	sdelay $0x1  }
0xa2: {  	s24 =	simm.s32 $0x1B8B  }
0xa3: {  	_ =	swait.ge [sflag:s24], $0x1  }
0xa4: {  	[sflag:s24] =	ssyncset.done $0x0  }
0xa5: {  	s25 =	simm.s32 $0x1B8E;
	[sflag:s24] =	ssyncadd.s32 $0xFFFFFFFF  }
0xa6: {  	s26 =	simm.s32 $execute0_lowered;
	[smem:$0x3FD2] =	sst s25  }
0xa7: {  	s5 =	sshll.u32 s26, $0x1;
	_ =	strace $0x80000046;
	[dreg:$0x1] =	wrdreg $0xFFFFFFFF  }
0xa8: {  	s28 =	simm.s32 $_size_execute0_lowered;
	s4 =	sadd.s32 s4, s5;
	[dreg:$0x0] =	wrdreg $0x0  }
0xa9: {  	s5 =	sshll.u32 s28, $0x1;
	[dreg:$0x2] =	wrdreg s4  }
0xaa: {  	[dreg:$0x3] =	wrdreg s5  }
0xab: {  	[dreg:$0x4] =	wrdreg $0xC0  }
0xac: {  	_ =	task [dreg:s8], $0x5FFFF  }
0xad: {  	[dreg:$0x1] =	wrdreg $0xFFFFFFFF  }
0xae: {  	[dreg:$0x0] =	wrdreg $0x60  }
0xaf: {  	[dreg:$0x2] =	wrdreg s2  }
0xb0: {  	[dreg:$0x3] =	wrdreg s19  }
0xb1: {  	[dreg:$0x4] =	wrdreg $0x9  }
0xb2: {  	_ =	task.clear_ibuf [dreg:s8], $0x5FFFF;
	_ =	strace $0x90000046  }
0xb3: {  	s29 =	simm.s32 $0x9;
	_ =	strace $0x80000048  }
0xb4: {  	_ =	swait.ge [sflag:s29], $0x1  }
0xb5: {  	[sflag:s29] =	ssyncadd.s32 $0xFFFFFFFF  }
0xb6: {  	_ =	strace $0x90000048  }
0xb7: {  	_ =	sfence  }
0xb8: {  	s30 =	sld [smem:$0x0];
	_ =	sdelay $0x2  }
0xb9: {  	s31 =	sshll.u32 s1, $0xD;
	s1 =	sshrl.u32 s1, $0x2  }
0xba: {  	s3 =	sand.u32 $0x4000, s31;
	s1 =	sadd.s32 s1, s30  }
0xbb: {  	s0 =	sor.u32 s3, s0;
	s1 =	sshll.u32 s1, $0x11  }
0xbc: {  	s0 =	sor.u32 s1, s0  }
0xbd: {  	s0 =	sadd.s32 $0x8F2B, s0  }
0xbe: {  	[sflag:s0] =	ssyncadd.remote.s32 $0x1  }
0xbf: {  	_ =	sfence.sel $0xFFFF  }
0xc0: {  	[dreg:$0x0] =	wrdreg $0xFFFFFFFF;
	(pc) =	sbr.abs _section_cstart, $3  }
0xc1: {  	[dreg:$0x1] =	wrdreg $0xFFFFFFFF  }
0xc2: {  	_ =	task.clear_ibuf [dreg:s8], $0x2FFFF;
	_ =	strace $0x9FFFFFFF  }
0xc3: {  	(tm) =	ssettm $0x7FFFFFFF  }
tec
execute0_lowered:
.L_overlay_start_1:
0x0: {  	(tag) =	ssettag $0x1  }
0x1: {  	v13 =	vimm.s32 $0x868;
	vm8 =	vcmask $0x300;
	vm7 =	vcmask $0x704  }
0x2: {  	vm6 =	vcmask $0xB08;
	v1 =	vimm.s32 $0x1468;
	vm3 =	vcmask $0xF0C  }
0x3: {  	vm2 =	vcmask $0x1310;
	vm1 =	vcmask $0x1714;
	vm0 =	vcmask $0x1B18  }
0x4: {  	vm9 =	vcmask $0x1F1C;
	v8 =	vimm.s32 $0x74737271;
	vm4 =	vcmask $0xF00  }
0x5: {  	vm5 =	vcmask $0x1F10;
	v10 =	vimm.s32 $0x7C7B7A79;
	vm10 =	vcmask $0x2F20  }
0x6: {  	vm15 =	vcmask $0x3B30;
	v11 =	vimm.s32 $0x400;
	vm12 =	vcmask $0x3B00  }
0x7: {  	vm13 =	vcmask $0x2320;
	vm14 =	vcmask $0x2724;
	v18 =	vimm.s32 $0x46444240  }
0x8: {  	v19 =	vimm.s32 $0x4E4C4A48;
	v0 =	vsel vm8, $0x860, v13;
	v1 =	vsel vm8, $0x1460, v1  }
0x9: {  	v12 =	vunpack.c.0.s8.s32 v8;
	v8 =	vimm.s32 $0x78777675;
	v15 =	vunpack.c.0.s8.s32 v10  }
0xa: {  	v10 =	vimm.s32 $0x7F7E7D;
	v13 =	vsel vm8, $0x861, v13;
	v18 =	vunpack.c.0.s8.s32 v18  }
0xb: {  	v0 =	vsel vm7, $0x861, v0;
	v1 =	vsel vm7, $0x1461, v1;
	v14 =	vunpack.c.0.s8.s32 v8  }
0xc: {  	v8 =	vimm.s32 $0x800;
	v16 =	vunpack.c.0.s8.s32 v10;
	v0 =	vsel vm6, $0x862, v0  }
0xd: {  	v1 =	vsel vm6, $0x1462, v1;
	v9 =	vnsel vm4, $0x400, v12;
	v8 =	vsel vm8, $0x471, v8  }
0xe: {  	v0 =	vsel vm3, $0x863, v0;
	v1 =	vsel vm3, $0x1463, v1;
	v9 =	vsel vm5, v14, v9  }
0xf: {  	v8 =	vsel vm7, $0x472, v8;
	v12 =	vsel vm5, v14, v12;
	v0 =	vsel vm2, $0x864, v0  }
0x10: {  	v8 =	vsel vm6, $0x473, v8;
	v9 =	vsel vm10, v15, v9;
	v15 =	vsel vm5, v16, v15  }
0x11: {  	v0 =	vsel vm1, $0x865, v0;
	v8 =	vsel vm3, $0x474, v8;
	v9 =	vsel vm15, v16, v9  }
0x12: {  	vm15 =	vcmask $0x2B28;
	v12 =	vcombine.low v12, v15;
	v15 =	vimm.s32 $0x63626160  }
0x13: {  	v2 =	vsel vm0, $0x866, v0;
	v0 =	vsel vm2, $0x1464, v1;
	v10 =	vsel vm2, $0x475, v8  }
0x14: {  	v1 =	vlaneseq.u32;
	v15 =	vunpack.c.0.s8.s32 v15;
	v10 =	vsel vm1, $0x476, v10  }
0x15: {  	v3 =	vsel vm1, $0x1465, v0;
	v0 =	vmul.u32 $0x2, v1;
	v17 =	vsel vm0, $0x477, v10  }
0x16: {  	v1 =	vsel vm9, $0x867, v2;
	v2 =	vsel vm0, $0x1466, v3;
	v17 =	vsel vm9, $0x478, v17  }
0x17: {  	v10 =	vsel vm12, $0x0, v11;
	vm12 =	vcmask $0x2F2C;
	v17 =	vsel vm13, $0x479, v17  }
0x18: {  	v15 =	vnsel vm4, $0x68, v15;
	v2 =	vsel vm9, $0x1467, v2;
	v16 =	vsel vm14, $0x47A, v17  }
0x19: {  	v3 =	vor.u32 $0x1, v0;
	v4 =	vor.u32 $0x20, v0;
	v14 =	vsel vm15, $0x47B, v16  }
0x1a: {  	vm13 =	vcmask $0x3330;
	v16 =	vimm.s32 $0x67666564;
	v14 =	vsel vm12, $0x47C, v14  }
0x1b: {  	s2 =	srdreg.scid;
	v5 =	vor.u32 $0x21, v0;
	v17 =	vsel vm13, $0x47D, v14;
	v14 =	vunpack.c.0.s8.s32 v16  }
0x1c: {  	s0 =	stileid.u32;
	s1 =	rddreg [dreg:$0x0];
	v6 =	vor.u32 $0x40, v0;
	v7 =	vor.u32 $0x41, v0;
	v8 =	vor.u32 $0x60, v0  }
0x1d: {  	s3 =	rddreg [dreg:$0x1];
	s4 =	simm.s32 $0x0;
	s11 =	simm.s32 $0x1800;
	v16 =	vsel vm7, $0x862, v13;
	v13 =	vsel vm5, v14, v15;
	v15 =	vimm.s32 $0x64636261  }
0x1e: {  	s12 =	simm.s32 $0x1;
	s6 =	sand.u32 $0x1, s2;
	s31 =	sshll.u32 s0, $0x1;
	v14 =	vsel vm6, $0x863, v16;
	v16 =	vimm.s32 $0x68676665;
	v15 =	vunpack.c.0.s8.s32 v15  }
0x1f: {  	s13 =	simm.s32 $0x2;
	s14 =	simm.s32 $0x3000;
	s7 =	sor.u32 s6, s31;
	v11 =	vor.u32 $0x61, v0;
	vm14 =	vcmask $0x3734;
	v16 =	vunpack.c.0.s8.s32 v16  }
0x20: {  	s15 =	simm.s32 $0x6000;
	s16 =	simm.s32 $0x3;
	s5 =	smul.u32 $0x43800, s7;
	v20 =	vsel vm3, $0x864, v14;
	v14 =	vnsel vm4, $0x68, v15;
	v15 =	vunpack.c.0.s8.s32 v19  }
.Ltmp0:
0x21: {  	s17 =	simm.s32 $0x4;
	s2 =	rddreg [dreg:$0x2];
	v14 =	vsel vm5, v16, v14;
	v16 =	vnsel vm4, $0x50, v18;
	v18 =	vimm.s32 $0x47454341;
	(pc) =	sbr.rel .LBB2_1-.Ltmp0, $4  }
0x22: {  	s18 =	simm.s32 $0x0;
	[smem:$0x7FF] =	sst s4;
	s8 =	ssub.s32 $0x2, s6;
	v15 =	vsel vm5, v15, v16;
	v16 =	vunpack.c.0.s8.s32 v18;
	v18 =	vimm.s32 $0x4F4D4B49  }
0x23: {  	s6 =	smul.u32 $0x10E000, s7;
	s10 =	sshrl.u32 s8, $0x1;
	s9 =	sshrl.u32 s5, $0x3;
	vm15 =	vcmask $0x3B38;
	v19 =	vsel vm2, $0x865, v20;
	v18 =	vunpack.c.0.s8.s32 v18  }
0x24: {  	_ =	strace $0x80000047;
	s10 =	ssub.s32 s8, s10;
	s7 =	sadd.s32 s1, s9;
	v17 =	vsel vm14, $0x47E, v17;
	v19 =	vsel vm1, $0x866, v19;
	v20 =	vnsel vm4, $0x50, v16  }
0x25: {  	s10 =	smax.u32 s10, $0x1;
	s9 =	sadd.s32 $0x3000, s6;
	s8 =	sadd.s32 $0x180, s7;
	v16 =	vsel vm15, $0x47F, v17;
	v17 =	vsel vm0, $0x867, v19;
	v18 =	vsel vm5, v18, v20  }
.LBB2_8:
0x26: {  	s18 =	sadd.s32 $0x1, s18  }
0x27: {  	_ =	swait.ge [sflag:s16], $0x3000;
	p0 =	sne.s32 s18, s10  }
.Ltmp1:
0x28: {  	[sflag:s16] =	ssyncset.done $0x0;
	(pc) =	sbr.rel @!p0 .LBB2_9-.Ltmp1, $4  }
0x29: {  	[sflag:s16] =	ssyncadd.s32 $0xFFFFD000  }
0x2a: {  	_ =	swait.ge [sflag:s17], $0x3000  }
0x2b: {  	[sflag:s17] =	ssyncset.done $0x0  }
0x2c: {  	[sflag:s17] =	ssyncadd.s32 $0xFFFFD000  }
.LBB2_1:
0x2d: {  	[tilespmem:s4], [sflag:$0x1] =	stream.linear.gather [hbm4b:s7+s4], $0xC00, $0x38;
	[tilespmem:$0x9000] =	vst v63  }
0x2e: {  	_ = 	snop  }
0x2f: {  	[tilespmem:s11], [sflag:$0x2] =	stream.linear.gather [hbm4b:s8+s4], $0xC00, $0x38;
	[tilespmem:$0x9000] =	vst v63  }
0x30: {  	_ =	swait.ge [sflag:s12], $0xC00  }
0x31: {  	[sflag:s12] =	ssyncset.done $0x0  }
0x32: {  	s19 =	simm.s32 $0x0;
	[sflag:s12] =	ssyncadd.s32 $0xFFFFF400  }
.LBB2_2:
0x33: {  	_ =	swait.ge [sflag:s13], $0xC00  }
0x34: {  	[sflag:s13] =	ssyncset.done $0x0  }
0x35: {  	[sflag:s13] =	ssyncadd.s32 $0xFFFFF400  }
0x36: {  	v19 =	vld [tilespmem:$0x1800]  }
0x37: {  	v20 =	vld [tilespmem:$0x1810]  }
0x38: {  	v21 =	vld [tilespmem:$0x1820]  }
0x39: {  	v22 =	vld [tilespmem:$0x1830]  }
0x3a: {  	v23 =	vld [tilespmem:$0x1840]  }
0x3b: {  	[tilespmem:$0xC00] =	vst v19;
	v19 =	vld [tilespmem:$0x1850]  }
0x3c: {  	[tilespmem:$0xC10] =	vst v20;
	v20 =	vld [tilespmem:$0x1860]  }
0x3d: {  	v55 =	vld [tilespmem:$0x1870];
	[tilespmem:$0xC20] =	vst v21  }
0x3e: {  	v56 =	vld [tilespmem:$0x1C00];
	[tilespmem:$0xC30] =	vst v22  }
0x3f: {  	v57 =	vld [tilespmem:$0x1C10];
	[tilespmem:$0xC40] =	vst v23  }
0x40: {  	[tilespmem:$0xC50] =	vst v19;
	v19 =	vld [tilespmem:$0x1C20]  }
0x41: {  	[tilespmem:$0xC60] =	vst v20;
	v20 =	vld [tilespmem:$0x1C30]  }
0x42: {  	v58 =	vld [tilespmem:$0x1C40];
	[tilespmem:$0xC70] =	vst v55  }
0x43: {  	v59 =	vld [tilespmem:$0x1C50];
	[tilespmem:$0x1000] =	vst v56  }
0x44: {  	v60 =	vld [tilespmem:$0x1C60];
	[tilespmem:$0x1010] =	vst v57  }
0x45: {  	[tilespmem:$0x1020] =	vst v19;
	v19 =	vld [tilespmem:$0x1C70]  }
0x46: {  	[tilespmem:$0x1030] =	vst v20;
	v20 =	vld [tilespmem:$0x2000]  }
0x47: {  	v61 =	vld [tilespmem:$0x2010];
	[tilespmem:$0x1040] =	vst v58  }
0x48: {  	v62 =	vld [tilespmem:$0x2020];
	[tilespmem:$0x1050] =	vst v59  }
0x49: {  	v63 =	vld [tilespmem:$0x2030];
	[tilespmem:$0x1060] =	vst v60  }
0x4a: {  	[tilespmem:$0x1070] =	vst v19;
	v19 =	vld [tilespmem:$0x2040]  }
0x4b: {  	[tilespmem:$0x1400] =	vst v20;
	v20 =	vld [tilespmem:$0x2050]  }
0x4c: {  	[tilespmem:$0x1410] =	vst v61  }
0x4d: {  	[tilespmem:$0x1420] =	vst v62  }
0x4e: {  	[tilespmem:$0x1430] =	vst v63  }
0x4f: {  	[tilespmem:$0x1440] =	vst v19  }
0x50: {  	[tilespmem:$0x1450] =	vst v20  }
0x51: {  	v19 =	vld.idx.msk [tilespmem:v1+s11+$0x0], $0xffff;
	_ =	sdelay $0x3  }
0x52: {  	p0 =	seq.s32 s19, $0x0  }
0x53: {  	s21 =	simm.s32 @!p0 $0x3;
	[tilespmem:v2+s4+$0x0] =	vst.idx.msk $0x1ff, v19  }
0x54: {  	s20 =	sshll.u32 s19, $0x1;
	_ =	swait.ge @!p0 [sflag:s21], $0x3000  }
0x55: {  	s24 =	simm.s32 $0x0;
	s22 =	simm.s32 $0x430;
	[sflag:s21] =	ssyncset.done @!p0 $0x0  }
0x56: {  	s23 =	simm.s32 $0x0;
	[sflag:s21] =	ssyncadd.s32 @!p0 $0xFFFFD000;
	s21 =	simm.s32 $0x80  }
.LBB2_3:
0x57: {  	s25 =	sadd.s32 $0x1, s24  }
0x58: {  	s26 =	sshrl.u32 s25, $0x3  }
0x59: {  	s26 =	smul.u32 $0x3000, s26;
	_ =	sdelay $0x1  }
0x5a: {  	s28 =	sand.u32 $0x380, s21;
	v22 =	vld [tilespmem:s22+$0xFFFFFBD0];
	s26 =	sshra.s32 s26, $0x2  }
0x5b: {  	v23 =	vld [tilespmem:s22+$0xFFFFFBD1];
	s26 =	sor.u32 s28, s26  }
0x5c: {  	v21 =	vmov s23;
	v20 =	vld [tilespmem:s26+$0x0]  }
0x5d: {  	v19 =	vshrl.u32 v21, $0x3;
	v24 =	vld [tilespmem:s26+$0x1]  }
0x5e: {  	v21 =	vshll.u32 v21, $0x7;
	v19 =	vmul.u32 $0x1800, v19  }
0x5f: {  	v21 =	vand.u32 $0x300, v21  }
0x60: {  	v26 =	vor.u32 v21, v19  }
0x61: {  	v27 =	vor.u32 v0, v26  }
0x62: {  	v25 =	vadd.f32 v20, v22;
	v24 =	vadd.f32 v24, v23;
	v20 =	vor.u32 $0x80, v21  }
0x63: {  	v28 =	vor.u32 v3, v26;
	v23 =	vadd.f32 v23, v22;
	v29 =	vor.u32 v19, v20  }
0x64: {  	v25 =	vmul.f32 $5.000000000e-01, v25;
	v24 =	vmul.f32 $5.000000000e-01, v24;
	v30 =	vor.u32 v0, v29  }
0x65: {  	v31 =	vor.u32 v3, v29  }
0x66: {  	v23 =	vmul.f32 $5.000000000e-01, v23;
	v24 =	vadd.f32 v24, v25  }
0x67: {  	[tilespmem:v27+s14+$0x0] =	vst.idx.msk $0xffff, v22  }
0x68: {  	[tilespmem:v28+s14+$0x0] =	vst.idx.msk $0xffff, v23;
	v44 =	vmul.f32 $5.000000000e-01, v24  }
0x69: {  	[tilespmem:v30+s14+$0x0] =	vst.idx.msk $0xffff, v25  }
0x6a: {  	[tilespmem:v31+s14+$0x0] =	vst.idx.msk $0xffff, v44  }
0x6b: {  	v22 =	vld [tilespmem:s22+$0xFFFFFBE0]  }
0x6c: {  	v23 =	vld [tilespmem:s26+$0x10]  }
0x6d: {  	v45 =	vld [tilespmem:s22+$0xFFFFFBE1]  }
0x6e: {  	v25 =	vld [tilespmem:s26+$0x11];
	_ =	sdelay $0x4  }
0x6f: {  	v46 =	vor.u32 v4, v26;
	v23 =	vadd.f32 v23, v22;
	v25 =	vadd.f32 v25, v45  }
0x70: {  	v47 =	vor.u32 v5, v26;
	v48 =	vor.u32 v4, v29  }
0x71: {  	v24 =	vadd.f32 v45, v22;
	v23 =	vmul.f32 $5.000000000e-01, v23;
	v25 =	vmul.f32 $5.000000000e-01, v25  }
0x72: {  	v49 =	vor.u32 v5, v29  }
0x73: {  	v24 =	vmul.f32 $5.000000000e-01, v24;
	v25 =	vadd.f32 v25, v23  }
0x74: {  	[tilespmem:v46+s14+$0x0] =	vst.idx.msk $0xffff, v22  }
0x75: {  	[tilespmem:v47+s14+$0x0] =	vst.idx.msk $0xffff, v24;
	v50 =	vmul.f32 $5.000000000e-01, v25  }
0x76: {  	[tilespmem:v48+s14+$0x0] =	vst.idx.msk $0xffff, v23  }
0x77: {  	[tilespmem:v49+s14+$0x0] =	vst.idx.msk $0xffff, v50  }
0x78: {  	v22 =	vld [tilespmem:s22+$0xFFFFFBF0]  }
0x79: {  	v23 =	vld [tilespmem:s26+$0x20]  }
0x7a: {  	v24 =	vld [tilespmem:s22+$0xFFFFFBF1]  }
0x7b: {  	v51 =	vld [tilespmem:s26+$0x21];
	_ =	sdelay $0x4  }
0x7c: {  	v52 =	vor.u32 v6, v26;
	v23 =	vadd.f32 v23, v22;
	v25 =	vadd.f32 v51, v24  }
0x7d: {  	v53 =	vor.u32 v7, v26;
	v54 =	vor.u32 v6, v29  }
0x7e: {  	v24 =	vadd.f32 v24, v22;
	v23 =	vmul.f32 $5.000000000e-01, v23;
	v25 =	vmul.f32 $5.000000000e-01, v25  }
0x7f: {  	v55 =	vor.u32 v7, v29  }
0x80: {  	v24 =	vmul.f32 $5.000000000e-01, v24;
	v25 =	vadd.f32 v25, v23  }
0x81: {  	[tilespmem:v52+s14+$0x0] =	vst.idx.msk $0xffff, v22  }
0x82: {  	[tilespmem:v53+s14+$0x0] =	vst.idx.msk $0xffff, v24;
	v56 =	vmul.f32 $5.000000000e-01, v25  }
0x83: {  	[tilespmem:v54+s14+$0x0] =	vst.idx.msk $0xffff, v23  }
0x84: {  	[tilespmem:v55+s14+$0x0] =	vst.idx.msk $0xffff, v56  }
0x85: {  	v22 =	vld [tilespmem:s22+$0xFFFFFC00]  }
0x86: {  	v23 =	vld [tilespmem:s26+$0x30]  }
0x87: {  	v24 =	vld [tilespmem:s22+$0xFFFFFC01]  }
0x88: {  	v57 =	vld [tilespmem:s26+$0x31];
	_ =	sdelay $0x4  }
0x89: {  	v58 =	vor.u32 v8, v26;
	v23 =	vadd.f32 v23, v22;
	v25 =	vadd.f32 v57, v24  }
0x8a: {  	v26 =	vor.u32 v11, v26;
	v59 =	vor.u32 v8, v29  }
0x8b: {  	v24 =	vadd.f32 v24, v22;
	v23 =	vmul.f32 $5.000000000e-01, v23;
	v25 =	vmul.f32 $5.000000000e-01, v25  }
0x8c: {  	v29 =	vor.u32 v11, v29  }
0x8d: {  	v24 =	vmul.f32 $5.000000000e-01, v24;
	v25 =	vadd.f32 v25, v23  }
0x8e: {  	[tilespmem:v58+s14+$0x0] =	vst.idx.msk $0xffff, v22  }
0x8f: {  	[tilespmem:v26+s14+$0x0] =	vst.idx.msk $0xffff, v24;
	v60 =	vmul.f32 $5.000000000e-01, v25  }
0x90: {  	[tilespmem:v59+s14+$0x0] =	vst.idx.msk $0xffff, v23  }
0x91: {  	[tilespmem:v29+s14+$0x0] =	vst.idx.msk $0xffff, v60  }
0x92: {  	v22 =	vld [tilespmem:s22+$0xFFFFFC10]  }
0x93: {  	v23 =	vld [tilespmem:s26+$0x40]  }
0x94: {  	v24 =	vld [tilespmem:s22+$0xFFFFFC11]  }
0x95: {  	v61 =	vld [tilespmem:s26+$0x41];
	_ =	sdelay $0x1  }
0x96: {  	v62 =	vor.u32 $0x400, v19  }
0x97: {  	v63 =	vor.u32 v21, v62  }
0x98: {  	v36 =	vor.u32 v0, v63  }
0x99: {  	v26 =	vor.u32 v20, v62;
	v23 =	vadd.f32 v23, v22;
	v25 =	vadd.f32 v61, v24  }
0x9a: {  	v37 =	vor.u32 v3, v63;
	v38 =	vor.u32 v0, v26  }
0x9b: {  	v24 =	vadd.f32 v24, v22;
	v23 =	vmul.f32 $5.000000000e-01, v23;
	v25 =	vmul.f32 $5.000000000e-01, v25  }
0x9c: {  	v39 =	vor.u32 v3, v26  }
0x9d: {  	v24 =	vmul.f32 $5.000000000e-01, v24;
	v25 =	vadd.f32 v25, v23  }
0x9e: {  	[tilespmem:v36+s14+$0x0] =	vst.idx.msk $0xffff, v22  }
0x9f: {  	[tilespmem:v37+s14+$0x0] =	vst.idx.msk $0xffff, v24;
	v40 =	vmul.f32 $5.000000000e-01, v25  }
0xa0: {  	[tilespmem:v38+s14+$0x0] =	vst.idx.msk $0xffff, v23  }
0xa1: {  	[tilespmem:v39+s14+$0x0] =	vst.idx.msk $0xffff, v40  }
0xa2: {  	v22 =	vld [tilespmem:s22+$0xFFFFFC20]  }
0xa3: {  	v23 =	vld [tilespmem:s26+$0x50]  }
0xa4: {  	v24 =	vld [tilespmem:s22+$0xFFFFFC21]  }
0xa5: {  	v41 =	vld [tilespmem:s26+$0x51];
	_ =	sdelay $0x4  }
0xa6: {  	v42 =	vor.u32 v4, v63;
	v23 =	vadd.f32 v23, v22;
	v25 =	vadd.f32 v41, v24  }
0xa7: {  	v43 =	vor.u32 v5, v63;
	v44 =	vor.u32 v4, v26  }
0xa8: {  	v24 =	vadd.f32 v24, v22;
	v23 =	vmul.f32 $5.000000000e-01, v23;
	v25 =	vmul.f32 $5.000000000e-01, v25  }
0xa9: {  	v45 =	vor.u32 v5, v26  }
0xaa: {  	v24 =	vmul.f32 $5.000000000e-01, v24;
	v25 =	vadd.f32 v25, v23  }
0xab: {  	[tilespmem:v42+s14+$0x0] =	vst.idx.msk $0xffff, v22  }
0xac: {  	[tilespmem:v43+s14+$0x0] =	vst.idx.msk $0xffff, v24;
	v46 =	vmul.f32 $5.000000000e-01, v25  }
0xad: {  	[tilespmem:v44+s14+$0x0] =	vst.idx.msk $0xffff, v23  }
0xae: {  	[tilespmem:v45+s14+$0x0] =	vst.idx.msk $0xffff, v46  }
0xaf: {  	v23 =	vld [tilespmem:s22+$0xFFFFFC30]  }
0xb0: {  	v22 =	vld [tilespmem:s26+$0x60]  }
0xb1: {  	v24 =	vld [tilespmem:s22+$0xFFFFFC31]  }
0xb2: {  	v47 =	vld [tilespmem:s26+$0x61];
	_ =	sdelay $0x2  }
0xb3: {  	v49 =	vmov s24;
	v50 =	vmov s25  }
0xb4: {  	v34 =	vshrl.u32 v50, $0x3;
	v30 =	vshll.u32 v50, $0x7;
	v48 =	vadd.f32 v24, v23  }
0xb5: {  	v53 =	vor.u32 v6, v63;
	v22 =	vadd.f32 v22, v23;
	v24 =	vadd.f32 v47, v24  }
0xb6: {  	v34 =	vmul.u32 $0xC00, v34;
	v55 =	vor.u32 v7, v63;
	v32 =	vor.u32 v6, v26  }
0xb7: {  	v29 =	vshll.u32 v49, $0x7;
	v52 =	vmul.f32 $5.000000000e-01, v22;
	v54 =	vmul.f32 $5.000000000e-01, v24  }
0xb8: {  	v56 =	vand.u32 $0x380, v30;
	v33 =	vor.u32 v7, v26;
	v29 =	vand.u32 $0x380, v29  }
0xb9: {  	v51 =	vmul.f32 $5.000000000e-01, v48;
	v22 =	vbroadcast v29, $0x0;
	v35 =	vadd.f32 v54, v52  }
0xba: {  	[tilespmem:v53+s14+$0x0] =	vst.idx.msk $0xffff, v23;
	v23 =	vor.u32 v56, v34  }
0xbb: {  	v59 =	vadd.s32 v12, v23;
	[tilespmem:v55+s14+$0x0] =	vst.idx.msk $0xffff, v51;
	v58 =	vor.u32 v9, v22;
	v57 =	vmul.f32 $5.000000000e-01, v35  }
0xbc: {  	v25 =	vadd.s32 v10, v59;
	[tilespmem:v32+s14+$0x0] =	vst.idx.msk $0xffff, v52  }
0xbd: {  	[tilespmem:v33+s14+$0x0] =	vst.idx.msk $0xffff, v57  }
0xbe: {  	v28 =	vld [tilespmem:s22+$0xFFFFFC40]  }
0xbf: {  	v29 =	vld [tilespmem:s26+$0x70]  }
0xc0: {  	v24 =	vld.idx.msk [tilespmem:v58+s4+$0x0], $0xffff  }
0xc1: {  	v25 =	vld.idx.msk [tilespmem:v25+s4+$0x0], $0xffff;
	_ =	sdelay $0x4  }
0xc2: {  	v60 =	vor.u32 v8, v63;
	v29 =	vadd.f32 v29, v28;
	v25 =	vadd.f32 v25, v24  }
0xc3: {  	v27 =	vor.u32 v11, v63;
	v61 =	vor.u32 v8, v26  }
0xc4: {  	v24 =	vadd.f32 v24, v28;
	v29 =	vmul.f32 $5.000000000e-01, v29;
	v25 =	vmul.f32 $5.000000000e-01, v25  }
0xc5: {  	v26 =	vor.u32 v11, v26  }
0xc6: {  	v24 =	vmul.f32 $5.000000000e-01, v24;
	v25 =	vadd.f32 v25, v29  }
0xc7: {  	[tilespmem:v60+s14+$0x0] =	vst.idx.msk $0xffff, v28  }
0xc8: {  	[tilespmem:v27+s14+$0x0] =	vst.idx.msk $0xffff, v24;
	v25 =	vmul.f32 $5.000000000e-01, v25  }
0xc9: {  	[tilespmem:v61+s14+$0x0] =	vst.idx.msk $0xffff, v29  }
0xca: {  	[tilespmem:v26+s14+$0x0] =	vst.idx.msk $0xffff, v25  }
0xcb: {  	v24 =	vld [tilespmem:s22+$0xFFFFFFD0]  }
0xcc: {  	v25 =	vld [tilespmem:s26+$0x400]  }
0xcd: {  	v26 =	vld [tilespmem:s22+$0xFFFFFFD1]  }
0xce: {  	v27 =	vld [tilespmem:s26+$0x401];
	_ =	sdelay $0x1  }
0xcf: {  	v62 =	vadd.s32 $0x800, v19  }
0xd0: {  	v63 =	vor.u32 v21, v62  }
0xd1: {  	v36 =	vor.u32 v0, v63  }
0xd2: {  	v28 =	vor.u32 v20, v62;
	v25 =	vadd.f32 v25, v24;
	v27 =	vadd.f32 v27, v26  }
0xd3: {  	v37 =	vor.u32 v3, v63;
	v38 =	vor.u32 v0, v28  }
0xd4: {  	v26 =	vadd.f32 v26, v24;
	v25 =	vmul.f32 $5.000000000e-01, v25;
	v27 =	vmul.f32 $5.000000000e-01, v27  }
0xd5: {  	v39 =	vor.u32 v3, v28  }
0xd6: {  	v26 =	vmul.f32 $5.000000000e-01, v26;
	v27 =	vadd.f32 v27, v25  }
0xd7: {  	[tilespmem:v36+s14+$0x0] =	vst.idx.msk $0xffff, v24  }
0xd8: {  	[tilespmem:v37+s14+$0x0] =	vst.idx.msk $0xffff, v26;
	v40 =	vmul.f32 $5.000000000e-01, v27  }
0xd9: {  	[tilespmem:v38+s14+$0x0] =	vst.idx.msk $0xffff, v25  }
0xda: {  	[tilespmem:v39+s14+$0x0] =	vst.idx.msk $0xffff, v40  }
0xdb: {  	v24 =	vld [tilespmem:s22+$0xFFFFFFE0]  }
0xdc: {  	v25 =	vld [tilespmem:s26+$0x410]  }
0xdd: {  	v26 =	vld [tilespmem:s22+$0xFFFFFFE1]  }
0xde: {  	v41 =	vld [tilespmem:s26+$0x411];
	_ =	sdelay $0x4  }
0xdf: {  	v42 =	vor.u32 v4, v63;
	v25 =	vadd.f32 v25, v24;
	v27 =	vadd.f32 v41, v26  }
0xe0: {  	v43 =	vor.u32 v5, v63;
	v44 =	vor.u32 v4, v28  }
0xe1: {  	v26 =	vadd.f32 v26, v24;
	v25 =	vmul.f32 $5.000000000e-01, v25;
	v27 =	vmul.f32 $5.000000000e-01, v27  }
0xe2: {  	v45 =	vor.u32 v5, v28  }
0xe3: {  	v26 =	vmul.f32 $5.000000000e-01, v26;
	v27 =	vadd.f32 v27, v25  }
0xe4: {  	[tilespmem:v42+s14+$0x0] =	vst.idx.msk $0xffff, v24  }
0xe5: {  	[tilespmem:v43+s14+$0x0] =	vst.idx.msk $0xffff, v26;
	v46 =	vmul.f32 $5.000000000e-01, v27  }
0xe6: {  	[tilespmem:v44+s14+$0x0] =	vst.idx.msk $0xffff, v25  }
0xe7: {  	[tilespmem:v45+s14+$0x0] =	vst.idx.msk $0xffff, v46  }
0xe8: {  	v24 =	vld [tilespmem:s22+$0xFFFFFFF0]  }
0xe9: {  	v25 =	vld [tilespmem:s26+$0x420]  }
0xea: {  	v26 =	vld [tilespmem:s22+$0xFFFFFFF1]  }
0xeb: {  	v47 =	vld [tilespmem:s26+$0x421];
	_ =	sdelay $0x4  }
0xec: {  	v48 =	vor.u32 v6, v63;
	v25 =	vadd.f32 v25, v24;
	v27 =	vadd.f32 v47, v26  }
0xed: {  	v49 =	vor.u32 v7, v63;
	v50 =	vor.u32 v6, v28  }
0xee: {  	v26 =	vadd.f32 v26, v24;
	v25 =	vmul.f32 $5.000000000e-01, v25;
	v27 =	vmul.f32 $5.000000000e-01, v27  }
0xef: {  	v51 =	vor.u32 v7, v28  }
0xf0: {  	v26 =	vmul.f32 $5.000000000e-01, v26;
	v27 =	vadd.f32 v27, v25  }
0xf1: {  	[tilespmem:v48+s14+$0x0] =	vst.idx.msk $0xffff, v24  }
0xf2: {  	[tilespmem:v49+s14+$0x0] =	vst.idx.msk $0xffff, v26;
	v52 =	vmul.f32 $5.000000000e-01, v27  }
0xf3: {  	[tilespmem:v50+s14+$0x0] =	vst.idx.msk $0xffff, v25  }
0xf4: {  	[tilespmem:v51+s14+$0x0] =	vst.idx.msk $0xffff, v52  }
0xf5: {  	v24 =	vld [tilespmem:s22+$0x0]  }
0xf6: {  	v25 =	vld [tilespmem:s26+$0x430]  }
0xf7: {  	v26 =	vld [tilespmem:s22+$0x1]  }
0xf8: {  	v53 =	vld [tilespmem:s26+$0x431];
	_ =	sdelay $0x4  }
0xf9: {  	v54 =	vor.u32 v8, v63;
	v25 =	vadd.f32 v25, v24;
	v27 =	vadd.f32 v53, v26  }
0xfa: {  	v55 =	vor.u32 v8, v28;
	v29 =	vor.u32 v11, v63  }
0xfb: {  	v26 =	vadd.f32 v26, v24;
	v25 =	vmul.f32 $5.000000000e-01, v25;
	v27 =	vmul.f32 $5.000000000e-01, v27  }
0xfc: {  	v28 =	vor.u32 v11, v28  }
0xfd: {  	v26 =	vmul.f32 $5.000000000e-01, v26;
	v27 =	vadd.f32 v27, v25  }
0xfe: {  	[tilespmem:v54+s14+$0x0] =	vst.idx.msk $0xffff, v24  }
0xff: {  	[tilespmem:v29+s14+$0x0] =	vst.idx.msk $0xffff, v26;
	v56 =	vmul.f32 $5.000000000e-01, v27  }
0x100: {  	[tilespmem:v55+s14+$0x0] =	vst.idx.msk $0xffff, v25  }
0x101: {  	[tilespmem:v28+s14+$0x0] =	vst.idx.msk $0xffff, v56  }
0x102: {  	v24 =	vld [tilespmem:s22+$0x10]  }
0x103: {  	v25 =	vld [tilespmem:s26+$0x440]  }
0x104: {  	v26 =	vld [tilespmem:s22+$0x11]  }
0x105: {  	v57 =	vld [tilespmem:s26+$0x441];
	_ =	sdelay $0x1  }
0x106: {  	v58 =	vadd.s32 $0xC00, v19  }
0x107: {  	v59 =	vor.u32 v21, v58  }
0x108: {  	v60 =	vor.u32 v0, v59  }
0x109: {  	v28 =	vor.u32 v20, v58;
	v25 =	vadd.f32 v25, v24;
	v27 =	vadd.f32 v57, v26  }
0x10a: {  	v61 =	vor.u32 v3, v59;
	v62 =	vor.u32 v0, v28  }
0x10b: {  	v26 =	vadd.f32 v26, v24;
	v25 =	vmul.f32 $5.000000000e-01, v25;
	v27 =	vmul.f32 $5.000000000e-01, v27  }
0x10c: {  	v63 =	vor.u32 v3, v28  }
0x10d: {  	v26 =	vmul.f32 $5.000000000e-01, v26;
	v27 =	vadd.f32 v27, v25  }
0x10e: {  	[tilespmem:v60+s14+$0x0] =	vst.idx.msk $0xffff, v24  }
0x10f: {  	[tilespmem:v61+s14+$0x0] =	vst.idx.msk $0xffff, v26;
	v34 =	vmul.f32 $5.000000000e-01, v27  }
0x110: {  	[tilespmem:v62+s14+$0x0] =	vst.idx.msk $0xffff, v25  }
0x111: {  	[tilespmem:v63+s14+$0x0] =	vst.idx.msk $0xffff, v34  }
0x112: {  	v24 =	vld [tilespmem:s22+$0x20]  }
0x113: {  	v25 =	vld [tilespmem:s26+$0x450]  }
0x114: {  	v26 =	vld [tilespmem:s22+$0x21]  }
0x115: {  	v35 =	vld [tilespmem:s26+$0x451];
	_ =	sdelay $0x4  }
0x116: {  	v36 =	vor.u32 v4, v59;
	v25 =	vadd.f32 v25, v24;
	v27 =	vadd.f32 v35, v26  }
0x117: {  	v37 =	vor.u32 v5, v59;
	v38 =	vor.u32 v4, v28  }
0x118: {  	v26 =	vadd.f32 v26, v24;
	v25 =	vmul.f32 $5.000000000e-01, v25;
	v27 =	vmul.f32 $5.000000000e-01, v27  }
0x119: {  	v39 =	vor.u32 v5, v28  }
0x11a: {  	v26 =	vmul.f32 $5.000000000e-01, v26;
	v27 =	vadd.f32 v27, v25  }
0x11b: {  	[tilespmem:v36+s14+$0x0] =	vst.idx.msk $0xffff, v24  }
0x11c: {  	[tilespmem:v37+s14+$0x0] =	vst.idx.msk $0xffff, v26;
	v40 =	vmul.f32 $5.000000000e-01, v27  }
0x11d: {  	[tilespmem:v38+s14+$0x0] =	vst.idx.msk $0xffff, v25  }
0x11e: {  	[tilespmem:v39+s14+$0x0] =	vst.idx.msk $0xffff, v40  }
0x11f: {  	v24 =	vld [tilespmem:s22+$0x30]  }
0x120: {  	v25 =	vld [tilespmem:s26+$0x460]  }
0x121: {  	v26 =	vld [tilespmem:s22+$0x31]  }
0x122: {  	v41 =	vld [tilespmem:s26+$0x461];
	_ =	sdelay $0x4  }
0x123: {  	v42 =	vor.u32 v6, v59;
	v25 =	vadd.f32 v25, v24;
	v27 =	vadd.f32 v41, v26  }
0x124: {  	v43 =	vor.u32 v7, v59;
	v44 =	vor.u32 v6, v28  }
0x125: {  	v26 =	vadd.f32 v26, v24;
	v25 =	vmul.f32 $5.000000000e-01, v25;
	v27 =	vmul.f32 $5.000000000e-01, v27  }
0x126: {  	v45 =	vor.u32 v7, v28  }
0x127: {  	v26 =	vmul.f32 $5.000000000e-01, v26;
	v27 =	vadd.f32 v27, v25  }
0x128: {  	[tilespmem:v42+s14+$0x0] =	vst.idx.msk $0xffff, v24  }
0x129: {  	v47 =	vor.u32 v16, v22;
	[tilespmem:v43+s14+$0x0] =	vst.idx.msk $0xffff, v26;
	v46 =	vmul.f32 $5.000000000e-01, v27  }
0x12a: {  	v48 =	vadd.s32 v16, v23;
	[tilespmem:v44+s14+$0x0] =	vst.idx.msk $0xffff, v25  }
0x12b: {  	[tilespmem:v45+s14+$0x0] =	vst.idx.msk $0xffff, v46  }
0x12c: {  	v24 =	vld [tilespmem:s22+$0x40]  }
0x12d: {  	v49 =	vld [tilespmem:s26+$0x470]  }
0x12e: {  	v26 =	vld.idx.msk [tilespmem:v47+s4+$0x0], $0xffff  }
0x12f: {  	v25 =	vld.idx.msk [tilespmem:v48+s4+$0x0], $0xffff;
	_ =	sdelay $0x4  }
0x130: {  	v50 =	vor.u32 v8, v59;
	v27 =	vadd.f32 v49, v24;
	v25 =	vadd.f32 v25, v26  }
0x131: {  	v29 =	vor.u32 v11, v59;
	v51 =	vor.u32 v8, v28  }
0x132: {  	v26 =	vadd.f32 v26, v24;
	v27 =	vmul.f32 $5.000000000e-01, v27;
	v25 =	vmul.f32 $5.000000000e-01, v25  }
0x133: {  	v28 =	vor.u32 v11, v28  }
0x134: {  	v26 =	vmul.f32 $5.000000000e-01, v26;
	v25 =	vadd.f32 v25, v27  }
0x135: {  	[tilespmem:v50+s14+$0x0] =	vst.idx.msk $0xffff, v24  }
0x136: {  	[tilespmem:v29+s14+$0x0] =	vst.idx.msk $0xffff, v26;
	v52 =	vmul.f32 $5.000000000e-01, v25  }
0x137: {  	[tilespmem:v51+s14+$0x0] =	vst.idx.msk $0xffff, v27  }
0x138: {  	[tilespmem:v28+s14+$0x0] =	vst.idx.msk $0xffff, v52  }
0x139: {  	v24 =	vld [tilespmem:s22+$0x3D0]  }
0x13a: {  	v53 =	vld [tilespmem:s26+$0x800]  }
0x13b: {  	v26 =	vld [tilespmem:s22+$0x3D1]  }
0x13c: {  	v27 =	vld [tilespmem:s26+$0x801];
	_ =	sdelay $0x1  }
0x13d: {  	v54 =	vadd.s32 $0x1000, v19  }
0x13e: {  	v55 =	vor.u32 v21, v54  }
0x13f: {  	v56 =	vor.u32 v0, v55  }
0x140: {  	v28 =	vor.u32 v20, v54;
	v25 =	vadd.f32 v53, v24;
	v27 =	vadd.f32 v27, v26  }
0x141: {  	v57 =	vor.u32 v3, v55;
	v58 =	vor.u32 v0, v28  }
0x142: {  	v26 =	vadd.f32 v26, v24;
	v25 =	vmul.f32 $5.000000000e-01, v25;
	v27 =	vmul.f32 $5.000000000e-01, v27  }
0x143: {  	v59 =	vor.u32 v3, v28  }
0x144: {  	v26 =	vmul.f32 $5.000000000e-01, v26;
	v27 =	vadd.f32 v27, v25  }
0x145: {  	[tilespmem:v56+s14+$0x0] =	vst.idx.msk $0xffff, v24  }
0x146: {  	[tilespmem:v57+s14+$0x0] =	vst.idx.msk $0xffff, v26;
	v60 =	vmul.f32 $5.000000000e-01, v27  }
0x147: {  	[tilespmem:v58+s14+$0x0] =	vst.idx.msk $0xffff, v25  }
0x148: {  	[tilespmem:v59+s14+$0x0] =	vst.idx.msk $0xffff, v60  }
0x149: {  	v24 =	vld [tilespmem:s22+$0x3E0]  }
0x14a: {  	v25 =	vld [tilespmem:s26+$0x810]  }
0x14b: {  	v26 =	vld [tilespmem:s22+$0x3E1]  }
0x14c: {  	v61 =	vld [tilespmem:s26+$0x811];
	_ =	sdelay $0x4  }
0x14d: {  	v62 =	vor.u32 v4, v55;
	v25 =	vadd.f32 v25, v24;
	v27 =	vadd.f32 v61, v26  }
0x14e: {  	v63 =	vor.u32 v5, v55;
	v36 =	vor.u32 v4, v28  }
0x14f: {  	v26 =	vadd.f32 v26, v24;
	v25 =	vmul.f32 $5.000000000e-01, v25;
	v27 =	vmul.f32 $5.000000000e-01, v27  }
0x150: {  	v37 =	vor.u32 v5, v28  }
0x151: {  	v26 =	vmul.f32 $5.000000000e-01, v26;
	v27 =	vadd.f32 v27, v25  }
0x152: {  	[tilespmem:v62+s14+$0x0] =	vst.idx.msk $0xffff, v24  }
0x153: {  	[tilespmem:v63+s14+$0x0] =	vst.idx.msk $0xffff, v26;
	v38 =	vmul.f32 $5.000000000e-01, v27  }
0x154: {  	[tilespmem:v36+s14+$0x0] =	vst.idx.msk $0xffff, v25  }
0x155: {  	[tilespmem:v37+s14+$0x0] =	vst.idx.msk $0xffff, v38  }
0x156: {  	v24 =	vld [tilespmem:s22+$0x3F0]  }
0x157: {  	v25 =	vld [tilespmem:s26+$0x820]  }
0x158: {  	v26 =	vld [tilespmem:s22+$0x3F1]  }
0x159: {  	v39 =	vld [tilespmem:s26+$0x821];
	_ =	sdelay $0x4  }
0x15a: {  	v40 =	vor.u32 v6, v55;
	v25 =	vadd.f32 v25, v24;
	v27 =	vadd.f32 v39, v26  }
0x15b: {  	v41 =	vor.u32 v7, v55;
	v42 =	vor.u32 v6, v28  }
0x15c: {  	v26 =	vadd.f32 v26, v24;
	v25 =	vmul.f32 $5.000000000e-01, v25;
	v27 =	vmul.f32 $5.000000000e-01, v27  }
0x15d: {  	v43 =	vor.u32 v7, v28  }
0x15e: {  	v26 =	vmul.f32 $5.000000000e-01, v26;
	v27 =	vadd.f32 v27, v25  }
0x15f: {  	[tilespmem:v40+s14+$0x0] =	vst.idx.msk $0xffff, v24  }
0x160: {  	[tilespmem:v41+s14+$0x0] =	vst.idx.msk $0xffff, v26;
	v44 =	vmul.f32 $5.000000000e-01, v27  }
0x161: {  	[tilespmem:v42+s14+$0x0] =	vst.idx.msk $0xffff, v25  }
0x162: {  	[tilespmem:v43+s14+$0x0] =	vst.idx.msk $0xffff, v44  }
0x163: {  	v24 =	vld [tilespmem:s22+$0x400]  }
0x164: {  	v25 =	vld [tilespmem:s26+$0x830]  }
0x165: {  	v26 =	vld [tilespmem:s22+$0x401]  }
0x166: {  	v45 =	vld [tilespmem:s26+$0x831];
	_ =	sdelay $0x4  }
0x167: {  	v46 =	vor.u32 v8, v55;
	v25 =	vadd.f32 v25, v24;
	v27 =	vadd.f32 v45, v26  }
0x168: {  	v29 =	vor.u32 v11, v55;
	v47 =	vor.u32 v8, v28  }
0x169: {  	v26 =	vadd.f32 v26, v24;
	v25 =	vmul.f32 $5.000000000e-01, v25;
	v27 =	vmul.f32 $5.000000000e-01, v27  }
0x16a: {  	v28 =	vor.u32 v11, v28  }
0x16b: {  	v26 =	vmul.f32 $5.000000000e-01, v26;
	v27 =	vadd.f32 v27, v25  }
0x16c: {  	[tilespmem:v46+s14+$0x0] =	vst.idx.msk $0xffff, v24  }
0x16d: {  	[tilespmem:v29+s14+$0x0] =	vst.idx.msk $0xffff, v26;
	v48 =	vmul.f32 $5.000000000e-01, v27  }
0x16e: {  	[tilespmem:v47+s14+$0x0] =	vst.idx.msk $0xffff, v25  }
0x16f: {  	[tilespmem:v28+s14+$0x0] =	vst.idx.msk $0xffff, v48  }
0x170: {  	v24 =	vld [tilespmem:s22+$0x410]  }
0x171: {  	v25 =	vld [tilespmem:s26+$0x840]  }
0x172: {  	v26 =	vld [tilespmem:s22+$0x411]  }
0x173: {  	v49 =	vld [tilespmem:s26+$0x841];
	_ =	sdelay $0x2  }
0x174: {  	v19 =	vadd.s32 $0x1400, v19  }
0x175: {  	v21 =	vor.u32 v21, v19;
	v19 =	vor.u32 v20, v19  }
0x176: {  	v50 =	vor.u32 v0, v21;
	v25 =	vadd.f32 v25, v24;
	v27 =	vadd.f32 v49, v26  }
0x177: {  	v51 =	vor.u32 v3, v21;
	v53 =	vor.u32 v0, v19  }
0x178: {  	v26 =	vadd.f32 v26, v24;
	v20 =	vmul.f32 $5.000000000e-01, v25;
	v52 =	vmul.f32 $5.000000000e-01, v27  }
0x179: {  	v54 =	vor.u32 v3, v19  }
0x17a: {  	v26 =	vmul.f32 $5.000000000e-01, v26;
	v25 =	vadd.f32 v52, v20  }
0x17b: {  	[tilespmem:v50+s14+$0x0] =	vst.idx.msk $0xffff, v24  }
0x17c: {  	[tilespmem:v51+s14+$0x0] =	vst.idx.msk $0xffff, v26;
	v55 =	vmul.f32 $5.000000000e-01, v25  }
0x17d: {  	[tilespmem:v53+s14+$0x0] =	vst.idx.msk $0xffff, v20  }
0x17e: {  	[tilespmem:v54+s14+$0x0] =	vst.idx.msk $0xffff, v55  }
0x17f: {  	v20 =	vld [tilespmem:s22+$0x420]  }
0x180: {  	v24 =	vld [tilespmem:s26+$0x850]  }
0x181: {  	v56 =	vld [tilespmem:s22+$0x421]  }
0x182: {  	v26 =	vld [tilespmem:s26+$0x851];
	_ =	sdelay $0x4  }
0x183: {  	v57 =	vor.u32 v4, v21;
	v24 =	vadd.f32 v24, v20;
	v26 =	vadd.f32 v26, v56  }
0x184: {  	v58 =	vor.u32 v5, v21;
	v59 =	vor.u32 v4, v19  }
0x185: {  	v25 =	vadd.f32 v56, v20;
	v24 =	vmul.f32 $5.000000000e-01, v24;
	v26 =	vmul.f32 $5.000000000e-01, v26  }
0x186: {  	v23 =	vadd.s32 $0x800, v23;
	v60 =	vor.u32 v5, v19  }
0x187: {  	v61 =	vor.u32 v1, v22;
	v25 =	vmul.f32 $5.000000000e-01, v25;
	v26 =	vadd.f32 v26, v24  }
0x188: {  	[tilespmem:v57+s14+$0x0] =	vst.idx.msk $0xffff, v20;
	v20 =	vor.u32 v13, v23  }
0x189: {  	v22 =	vor.u32 v17, v22;
	[tilespmem:v58+s14+$0x0] =	vst.idx.msk $0xffff, v25;
	v26 =	vmul.f32 $5.000000000e-01, v26  }
0x18a: {  	v23 =	vor.u32 v14, v23;
	[tilespmem:v59+s14+$0x0] =	vst.idx.msk $0xffff, v24  }
0x18b: {  	[tilespmem:v60+s14+$0x0] =	vst.idx.msk $0xffff, v26  }
0x18c: {  	v24 =	vld.idx.msk [tilespmem:v61+s4+$0x0], $0xffff  }
0x18d: {  	v20 =	vld.idx.msk [tilespmem:v20+s4+$0x0], $0xffff  }
0x18e: {  	v22 =	vld.idx.msk [tilespmem:v22+s4+$0x0], $0xffff  }
0x18f: {  	v23 =	vld.idx.msk [tilespmem:v23+s4+$0x0], $0xffff;
	_ =	sdelay $0x4  }
0x190: {  	v62 =	vor.u32 v15, v21;
	v20 =	vadd.f32 v20, v24;
	v23 =	vadd.f32 v23, v22  }
0x191: {  	v21 =	vor.u32 v18, v21;
	v63 =	vor.u32 v15, v19  }
0x192: {  	v22 =	vadd.f32 v22, v24;
	v20 =	vmul.f32 $5.000000000e-01, v20;
	v23 =	vmul.f32 $5.000000000e-01, v23  }
0x193: {  	p1 =	sne.s32 s24, $0x7;
	v19 =	vor.u32 v18, v19  }
.Ltmp2:
0x194: {  	v22 =	vmul.f32 $5.000000000e-01, v22;
	v23 =	vadd.f32 v23, v20;
	(pc) =	sbr.rel @p1 .LBB2_3-.Ltmp2, $4  }
0x195: {  	[tilespmem:v62+s14+$0x0] =	vst.idx.msk $0x1ff, v24  }
0x196: {  	[tilespmem:v21+s14+$0x0] =	vst.idx.msk $0xff, v22;
	v23 =	vmul.f32 $5.000000000e-01, v23  }
0x197: {  	s21 =	sadd.s32 $0x80, s21;
	[tilespmem:v63+s14+$0x0] =	vst.idx.msk $0x1ff, v20  }
0x198: {  	s23 =	sadd.s32 $0x2, s23;
	s24 =	smov.u32 s25;
	s22 =	sadd.s32 $0x80, s22;
	[tilespmem:v19+s14+$0x0] =	vst.idx.msk $0xff, v23  }
0x199: {  	s21 =	smul.u32 $0x6000, s19;
	s30 =	sadd.s32 $0x2, s20  }
0x19a: {  	s23 =	smul.u32 $0xC00, s30  }
0x19b: {  	p1 =	seq.s32 s30, $0x5A;
	s22 =	sadd.s32 s6, s21  }
0x19c: {  	s22 =	sshrl.u32 s22, $0x3;
	s23 =	simm.s32 @p1 $0x0  }
0x19d: {  	s22 =	sadd.s32 s3, s22;
	s31 =	sadd.s32 s5, s23  }
0x19e: {  	[hbm4b:s22+s4] =	stream.linear.scatter [tilespmem:s14], [sflag:$0x3], $0x3000, $0x38;
	[tilespmem:$0x9000] =	vst v63  }
0x19f: {  	s22 =	sshrl.u32 s31, $0x3  }
0x1a0: {  	s22 =	sadd.s32 s1, s22  }
0x1a1: {  	[tilespmem:s4], [sflag:$0x1] =	stream.linear.gather [hbm4b:s22+s4], $0xC00, $0x38;
	[tilespmem:$0x9000] =	vst v63  }
0x1a2: {  	_ =	swait.ge [sflag:s12], $0xC00  }
0x1a3: {  	[sflag:s12] =	ssyncset.done $0x0  }
0x1a4: {  	[sflag:s12] =	ssyncadd.s32 $0xFFFFF400  }
0x1a5: {  	v19 =	vld [tilespmem:$0x0]  }
0x1a6: {  	v20 =	vld [tilespmem:$0x10]  }
0x1a7: {  	v21 =	vld [tilespmem:$0x20]  }
0x1a8: {  	v22 =	vld [tilespmem:$0x30]  }
0x1a9: {  	v23 =	vld [tilespmem:$0x40]  }
0x1aa: {  	[tilespmem:$0x2400] =	vst v19;
	v19 =	vld [tilespmem:$0x50]  }
0x1ab: {  	[tilespmem:$0x2410] =	vst v20;
	v20 =	vld [tilespmem:$0x60]  }
0x1ac: {  	v55 =	vld [tilespmem:$0x70];
	[tilespmem:$0x2420] =	vst v21  }
0x1ad: {  	v56 =	vld [tilespmem:$0x400];
	[tilespmem:$0x2430] =	vst v22  }
0x1ae: {  	v57 =	vld [tilespmem:$0x410];
	[tilespmem:$0x2440] =	vst v23  }
0x1af: {  	[tilespmem:$0x2450] =	vst v19;
	v19 =	vld [tilespmem:$0x420]  }
0x1b0: {  	[tilespmem:$0x2460] =	vst v20;
	v20 =	vld [tilespmem:$0x430]  }
0x1b1: {  	v58 =	vld [tilespmem:$0x440];
	[tilespmem:$0x2470] =	vst v55  }
0x1b2: {  	v59 =	vld [tilespmem:$0x450];
	[tilespmem:$0x2800] =	vst v56  }
0x1b3: {  	v60 =	vld [tilespmem:$0x460];
	[tilespmem:$0x2810] =	vst v57  }
0x1b4: {  	[tilespmem:$0x2820] =	vst v19;
	v19 =	vld [tilespmem:$0x470]  }
0x1b5: {  	[tilespmem:$0x2830] =	vst v20;
	v20 =	vld [tilespmem:$0x800]  }
0x1b6: {  	v61 =	vld [tilespmem:$0x810];
	[tilespmem:$0x2840] =	vst v58  }
0x1b7: {  	v62 =	vld [tilespmem:$0x820];
	[tilespmem:$0x2850] =	vst v59  }
0x1b8: {  	v63 =	vld [tilespmem:$0x830];
	[tilespmem:$0x2860] =	vst v60  }
0x1b9: {  	[tilespmem:$0x2870] =	vst v19;
	v19 =	vld [tilespmem:$0x840]  }
0x1ba: {  	[tilespmem:$0x2C00] =	vst v20;
	v20 =	vld [tilespmem:$0x850]  }
0x1bb: {  	[tilespmem:$0x2C10] =	vst v61  }
0x1bc: {  	[tilespmem:$0x2C20] =	vst v62  }
0x1bd: {  	[tilespmem:$0x2C30] =	vst v63  }
0x1be: {  	[tilespmem:$0x2C40] =	vst v19  }
0x1bf: {  	[tilespmem:$0x2C50] =	vst v20  }
0x1c0: {  	v19 =	vld.idx.msk [tilespmem:v1+s4+$0x0], $0xffff;
	_ =	sdelay $0x4  }
0x1c1: {  	s22 =	simm.s32 @!p0 $0x4;
	[tilespmem:v2+s11+$0x0] =	vst.idx.msk $0x1ff, v19  }
0x1c2: {  	_ =	swait.ge @!p0 [sflag:s22], $0x3000  }
0x1c3: {  	s25 =	simm.s32 $0x0;
	s24 =	simm.s32 $0x0;
	[sflag:s22] =	ssyncset.done @!p0 $0x0  }
0x1c4: {  	s23 =	simm.s32 $0x1C30;
	[sflag:s22] =	ssyncadd.s32 @!p0 $0xFFFFD000;
	s22 =	simm.s32 $0x80  }
.LBB2_5:
0x1c5: {  	s26 =	sadd.s32 $0x1, s25  }
0x1c6: {  	s28 =	sshrl.u32 s26, $0x3  }
0x1c7: {  	s28 =	smul.u32 $0x3000, s28;
	_ =	sdelay $0x1  }
0x1c8: {  	s29 =	sand.u32 $0x380, s22;
	v22 =	vld [tilespmem:s23+$0xFFFFFBD0];
	s28 =	sshra.s32 s28, $0x2  }
0x1c9: {  	v23 =	vld [tilespmem:s23+$0xFFFFFBD1];
	s28 =	sor.u32 s29, s28  }
0x1ca: {  	v21 =	vmov s24;
	v20 =	vld [tilespmem:s28+$0x1800]  }
0x1cb: {  	v19 =	vshrl.u32 v21, $0x3;
	v24 =	vld [tilespmem:s28+$0x1801]  }
0x1cc: {  	v21 =	vshll.u32 v21, $0x7;
	v19 =	vmul.u32 $0x1800, v19  }
0x1cd: {  	v21 =	vand.u32 $0x300, v21  }
0x1ce: {  	v26 =	vor.u32 v21, v19  }
0x1cf: {  	v27 =	vor.u32 v0, v26  }
0x1d0: {  	v25 =	vadd.f32 v20, v22;
	v24 =	vadd.f32 v24, v23;
	v20 =	vor.u32 $0x80, v21  }
0x1d1: {  	v28 =	vor.u32 v3, v26;
	v23 =	vadd.f32 v23, v22;
	v29 =	vor.u32 v19, v20  }
0x1d2: {  	v25 =	vmul.f32 $5.000000000e-01, v25;
	v24 =	vmul.f32 $5.000000000e-01, v24;
	v30 =	vor.u32 v0, v29  }
0x1d3: {  	v31 =	vor.u32 v3, v29  }
0x1d4: {  	v23 =	vmul.f32 $5.000000000e-01, v23;
	v24 =	vadd.f32 v24, v25  }
0x1d5: {  	[tilespmem:v27+s15+$0x0] =	vst.idx.msk $0xffff, v22  }
0x1d6: {  	[tilespmem:v28+s15+$0x0] =	vst.idx.msk $0xffff, v23;
	v44 =	vmul.f32 $5.000000000e-01, v24  }
0x1d7: {  	[tilespmem:v30+s15+$0x0] =	vst.idx.msk $0xffff, v25  }
0x1d8: {  	[tilespmem:v31+s15+$0x0] =	vst.idx.msk $0xffff, v44  }
0x1d9: {  	v22 =	vld [tilespmem:s23+$0xFFFFFBE0]  }
0x1da: {  	v23 =	vld [tilespmem:s28+$0x1810]  }
0x1db: {  	v45 =	vld [tilespmem:s23+$0xFFFFFBE1]  }
0x1dc: {  	v25 =	vld [tilespmem:s28+$0x1811];
	_ =	sdelay $0x4  }
0x1dd: {  	v46 =	vor.u32 v4, v26;
	v23 =	vadd.f32 v23, v22;
	v25 =	vadd.f32 v25, v45  }
0x1de: {  	v47 =	vor.u32 v5, v26;
	v48 =	vor.u32 v4, v29  }
0x1df: {  	v24 =	vadd.f32 v45, v22;
	v23 =	vmul.f32 $5.000000000e-01, v23;
	v25 =	vmul.f32 $5.000000000e-01, v25  }
0x1e0: {  	v49 =	vor.u32 v5, v29  }
0x1e1: {  	v24 =	vmul.f32 $5.000000000e-01, v24;
	v25 =	vadd.f32 v25, v23  }
0x1e2: {  	[tilespmem:v46+s15+$0x0] =	vst.idx.msk $0xffff, v22  }
0x1e3: {  	[tilespmem:v47+s15+$0x0] =	vst.idx.msk $0xffff, v24;
	v50 =	vmul.f32 $5.000000000e-01, v25  }
0x1e4: {  	[tilespmem:v48+s15+$0x0] =	vst.idx.msk $0xffff, v23  }
0x1e5: {  	[tilespmem:v49+s15+$0x0] =	vst.idx.msk $0xffff, v50  }
0x1e6: {  	v22 =	vld [tilespmem:s23+$0xFFFFFBF0]  }
0x1e7: {  	v23 =	vld [tilespmem:s28+$0x1820]  }
0x1e8: {  	v24 =	vld [tilespmem:s23+$0xFFFFFBF1]  }
0x1e9: {  	v51 =	vld [tilespmem:s28+$0x1821];
	_ =	sdelay $0x4  }
0x1ea: {  	v52 =	vor.u32 v6, v26;
	v23 =	vadd.f32 v23, v22;
	v25 =	vadd.f32 v51, v24  }
0x1eb: {  	v53 =	vor.u32 v7, v26;
	v54 =	vor.u32 v6, v29  }
0x1ec: {  	v24 =	vadd.f32 v24, v22;
	v23 =	vmul.f32 $5.000000000e-01, v23;
	v25 =	vmul.f32 $5.000000000e-01, v25  }
0x1ed: {  	v55 =	vor.u32 v7, v29  }
0x1ee: {  	v24 =	vmul.f32 $5.000000000e-01, v24;
	v25 =	vadd.f32 v25, v23  }
0x1ef: {  	[tilespmem:v52+s15+$0x0] =	vst.idx.msk $0xffff, v22  }
0x1f0: {  	[tilespmem:v53+s15+$0x0] =	vst.idx.msk $0xffff, v24;
	v56 =	vmul.f32 $5.000000000e-01, v25  }
0x1f1: {  	[tilespmem:v54+s15+$0x0] =	vst.idx.msk $0xffff, v23  }
0x1f2: {  	[tilespmem:v55+s15+$0x0] =	vst.idx.msk $0xffff, v56  }
0x1f3: {  	v22 =	vld [tilespmem:s23+$0xFFFFFC00]  }
0x1f4: {  	v23 =	vld [tilespmem:s28+$0x1830]  }
0x1f5: {  	v24 =	vld [tilespmem:s23+$0xFFFFFC01]  }
0x1f6: {  	v57 =	vld [tilespmem:s28+$0x1831];
	_ =	sdelay $0x4  }
0x1f7: {  	v58 =	vor.u32 v8, v26;
	v23 =	vadd.f32 v23, v22;
	v25 =	vadd.f32 v57, v24  }
0x1f8: {  	v26 =	vor.u32 v11, v26;
	v59 =	vor.u32 v8, v29  }
0x1f9: {  	v24 =	vadd.f32 v24, v22;
	v23 =	vmul.f32 $5.000000000e-01, v23;
	v25 =	vmul.f32 $5.000000000e-01, v25  }
0x1fa: {  	v29 =	vor.u32 v11, v29  }
0x1fb: {  	v24 =	vmul.f32 $5.000000000e-01, v24;
	v25 =	vadd.f32 v25, v23  }
0x1fc: {  	[tilespmem:v58+s15+$0x0] =	vst.idx.msk $0xffff, v22  }
0x1fd: {  	[tilespmem:v26+s15+$0x0] =	vst.idx.msk $0xffff, v24;
	v60 =	vmul.f32 $5.000000000e-01, v25  }
0x1fe: {  	[tilespmem:v59+s15+$0x0] =	vst.idx.msk $0xffff, v23  }
0x1ff: {  	[tilespmem:v29+s15+$0x0] =	vst.idx.msk $0xffff, v60  }
0x200: {  	v22 =	vld [tilespmem:s23+$0xFFFFFC10]  }
0x201: {  	v23 =	vld [tilespmem:s28+$0x1840]  }
0x202: {  	v24 =	vld [tilespmem:s23+$0xFFFFFC11]  }
0x203: {  	v61 =	vld [tilespmem:s28+$0x1841];
	_ =	sdelay $0x1  }
0x204: {  	v62 =	vor.u32 $0x400, v19  }
0x205: {  	v63 =	vor.u32 v21, v62  }
0x206: {  	v36 =	vor.u32 v0, v63  }
0x207: {  	v26 =	vor.u32 v20, v62;
	v23 =	vadd.f32 v23, v22;
	v25 =	vadd.f32 v61, v24  }
0x208: {  	v37 =	vor.u32 v3, v63;
	v38 =	vor.u32 v0, v26  }
0x209: {  	v24 =	vadd.f32 v24, v22;
	v23 =	vmul.f32 $5.000000000e-01, v23;
	v25 =	vmul.f32 $5.000000000e-01, v25  }
0x20a: {  	v39 =	vor.u32 v3, v26  }
0x20b: {  	v24 =	vmul.f32 $5.000000000e-01, v24;
	v25 =	vadd.f32 v25, v23  }
0x20c: {  	[tilespmem:v36+s15+$0x0] =	vst.idx.msk $0xffff, v22  }
0x20d: {  	[tilespmem:v37+s15+$0x0] =	vst.idx.msk $0xffff, v24;
	v40 =	vmul.f32 $5.000000000e-01, v25  }
0x20e: {  	[tilespmem:v38+s15+$0x0] =	vst.idx.msk $0xffff, v23  }
0x20f: {  	[tilespmem:v39+s15+$0x0] =	vst.idx.msk $0xffff, v40  }
0x210: {  	v22 =	vld [tilespmem:s23+$0xFFFFFC20]  }
0x211: {  	v23 =	vld [tilespmem:s28+$0x1850]  }
0x212: {  	v24 =	vld [tilespmem:s23+$0xFFFFFC21]  }
0x213: {  	v41 =	vld [tilespmem:s28+$0x1851];
	_ =	sdelay $0x4  }
0x214: {  	v42 =	vor.u32 v4, v63;
	v23 =	vadd.f32 v23, v22;
	v25 =	vadd.f32 v41, v24  }
0x215: {  	v43 =	vor.u32 v5, v63;
	v44 =	vor.u32 v4, v26  }
0x216: {  	v24 =	vadd.f32 v24, v22;
	v23 =	vmul.f32 $5.000000000e-01, v23;
	v25 =	vmul.f32 $5.000000000e-01, v25  }
0x217: {  	v45 =	vor.u32 v5, v26  }
0x218: {  	v24 =	vmul.f32 $5.000000000e-01, v24;
	v25 =	vadd.f32 v25, v23  }
0x219: {  	[tilespmem:v42+s15+$0x0] =	vst.idx.msk $0xffff, v22  }
0x21a: {  	[tilespmem:v43+s15+$0x0] =	vst.idx.msk $0xffff, v24;
	v46 =	vmul.f32 $5.000000000e-01, v25  }
0x21b: {  	[tilespmem:v44+s15+$0x0] =	vst.idx.msk $0xffff, v23  }
0x21c: {  	[tilespmem:v45+s15+$0x0] =	vst.idx.msk $0xffff, v46  }
0x21d: {  	v23 =	vld [tilespmem:s23+$0xFFFFFC30]  }
0x21e: {  	v22 =	vld [tilespmem:s28+$0x1860]  }
0x21f: {  	v24 =	vld [tilespmem:s23+$0xFFFFFC31]  }
0x220: {  	v47 =	vld [tilespmem:s28+$0x1861];
	_ =	sdelay $0x2  }
0x221: {  	v49 =	vmov s25;
	v50 =	vmov s26  }
0x222: {  	v34 =	vshrl.u32 v50, $0x3;
	v30 =	vshll.u32 v50, $0x7;
	v48 =	vadd.f32 v24, v23  }
0x223: {  	v53 =	vor.u32 v6, v63;
	v22 =	vadd.f32 v22, v23;
	v24 =	vadd.f32 v47, v24  }
0x224: {  	v34 =	vmul.u32 $0xC00, v34;
	v55 =	vor.u32 v7, v63;
	v32 =	vor.u32 v6, v26  }
0x225: {  	v29 =	vshll.u32 v49, $0x7;
	v52 =	vmul.f32 $5.000000000e-01, v22;
	v54 =	vmul.f32 $5.000000000e-01, v24  }
0x226: {  	v56 =	vand.u32 $0x380, v30;
	v33 =	vor.u32 v7, v26;
	v29 =	vand.u32 $0x380, v29  }
0x227: {  	v51 =	vmul.f32 $5.000000000e-01, v48;
	v22 =	vbroadcast v29, $0x0;
	v35 =	vadd.f32 v54, v52  }
0x228: {  	[tilespmem:v53+s15+$0x0] =	vst.idx.msk $0xffff, v23;
	v23 =	vor.u32 v56, v34  }
0x229: {  	v59 =	vadd.s32 v12, v23;
	[tilespmem:v55+s15+$0x0] =	vst.idx.msk $0xffff, v51;
	v58 =	vor.u32 v9, v22;
	v57 =	vmul.f32 $5.000000000e-01, v35  }
0x22a: {  	v25 =	vadd.s32 v10, v59;
	[tilespmem:v32+s15+$0x0] =	vst.idx.msk $0xffff, v52  }
0x22b: {  	[tilespmem:v33+s15+$0x0] =	vst.idx.msk $0xffff, v57  }
0x22c: {  	v28 =	vld [tilespmem:s23+$0xFFFFFC40]  }
0x22d: {  	v29 =	vld [tilespmem:s28+$0x1870]  }
0x22e: {  	v24 =	vld.idx.msk [tilespmem:v58+s11+$0x0], $0xffff  }
0x22f: {  	v25 =	vld.idx.msk [tilespmem:v25+s11+$0x0], $0xffff;
	_ =	sdelay $0x4  }
0x230: {  	v60 =	vor.u32 v8, v63;
	v29 =	vadd.f32 v29, v28;
	v25 =	vadd.f32 v25, v24  }
0x231: {  	v27 =	vor.u32 v11, v63;
	v61 =	vor.u32 v8, v26  }
0x232: {  	v24 =	vadd.f32 v24, v28;
	v29 =	vmul.f32 $5.000000000e-01, v29;
	v25 =	vmul.f32 $5.000000000e-01, v25  }
0x233: {  	v26 =	vor.u32 v11, v26  }
0x234: {  	v24 =	vmul.f32 $5.000000000e-01, v24;
	v25 =	vadd.f32 v25, v29  }
0x235: {  	[tilespmem:v60+s15+$0x0] =	vst.idx.msk $0xffff, v28  }
0x236: {  	[tilespmem:v27+s15+$0x0] =	vst.idx.msk $0xffff, v24;
	v25 =	vmul.f32 $5.000000000e-01, v25  }
0x237: {  	[tilespmem:v61+s15+$0x0] =	vst.idx.msk $0xffff, v29  }
0x238: {  	[tilespmem:v26+s15+$0x0] =	vst.idx.msk $0xffff, v25  }
0x239: {  	v24 =	vld [tilespmem:s23+$0xFFFFFFD0]  }
0x23a: {  	v25 =	vld [tilespmem:s28+$0x1C00]  }
0x23b: {  	v26 =	vld [tilespmem:s23+$0xFFFFFFD1]  }
0x23c: {  	v27 =	vld [tilespmem:s28+$0x1C01];
	_ =	sdelay $0x1  }
0x23d: {  	v62 =	vadd.s32 $0x800, v19  }
0x23e: {  	v63 =	vor.u32 v21, v62  }
0x23f: {  	v36 =	vor.u32 v0, v63  }
0x240: {  	v28 =	vor.u32 v20, v62;
	v25 =	vadd.f32 v25, v24;
	v27 =	vadd.f32 v27, v26  }
0x241: {  	v37 =	vor.u32 v3, v63;
	v38 =	vor.u32 v0, v28  }
0x242: {  	v26 =	vadd.f32 v26, v24;
	v25 =	vmul.f32 $5.000000000e-01, v25;
	v27 =	vmul.f32 $5.000000000e-01, v27  }
0x243: {  	v39 =	vor.u32 v3, v28  }
0x244: {  	v26 =	vmul.f32 $5.000000000e-01, v26;
	v27 =	vadd.f32 v27, v25  }
0x245: {  	[tilespmem:v36+s15+$0x0] =	vst.idx.msk $0xffff, v24  }
0x246: {  	[tilespmem:v37+s15+$0x0] =	vst.idx.msk $0xffff, v26;
	v40 =	vmul.f32 $5.000000000e-01, v27  }
0x247: {  	[tilespmem:v38+s15+$0x0] =	vst.idx.msk $0xffff, v25  }
0x248: {  	[tilespmem:v39+s15+$0x0] =	vst.idx.msk $0xffff, v40  }
0x249: {  	v24 =	vld [tilespmem:s23+$0xFFFFFFE0]  }
0x24a: {  	v25 =	vld [tilespmem:s28+$0x1C10]  }
0x24b: {  	v26 =	vld [tilespmem:s23+$0xFFFFFFE1]  }
0x24c: {  	v41 =	vld [tilespmem:s28+$0x1C11];
	_ =	sdelay $0x4  }
0x24d: {  	v42 =	vor.u32 v4, v63;
	v25 =	vadd.f32 v25, v24;
	v27 =	vadd.f32 v41, v26  }
0x24e: {  	v43 =	vor.u32 v5, v63;
	v44 =	vor.u32 v4, v28  }
0x24f: {  	v26 =	vadd.f32 v26, v24;
	v25 =	vmul.f32 $5.000000000e-01, v25;
	v27 =	vmul.f32 $5.000000000e-01, v27  }
0x250: {  	v45 =	vor.u32 v5, v28  }
0x251: {  	v26 =	vmul.f32 $5.000000000e-01, v26;
	v27 =	vadd.f32 v27, v25  }
0x252: {  	[tilespmem:v42+s15+$0x0] =	vst.idx.msk $0xffff, v24  }
0x253: {  	[tilespmem:v43+s15+$0x0] =	vst.idx.msk $0xffff, v26;
	v46 =	vmul.f32 $5.000000000e-01, v27  }
0x254: {  	[tilespmem:v44+s15+$0x0] =	vst.idx.msk $0xffff, v25  }
0x255: {  	[tilespmem:v45+s15+$0x0] =	vst.idx.msk $0xffff, v46  }
0x256: {  	v24 =	vld [tilespmem:s23+$0xFFFFFFF0]  }
0x257: {  	v25 =	vld [tilespmem:s28+$0x1C20]  }
0x258: {  	v26 =	vld [tilespmem:s23+$0xFFFFFFF1]  }
0x259: {  	v47 =	vld [tilespmem:s28+$0x1C21];
	_ =	sdelay $0x4  }
0x25a: {  	v48 =	vor.u32 v6, v63;
	v25 =	vadd.f32 v25, v24;
	v27 =	vadd.f32 v47, v26  }
0x25b: {  	v49 =	vor.u32 v7, v63;
	v50 =	vor.u32 v6, v28  }
0x25c: {  	v26 =	vadd.f32 v26, v24;
	v25 =	vmul.f32 $5.000000000e-01, v25;
	v27 =	vmul.f32 $5.000000000e-01, v27  }
0x25d: {  	v51 =	vor.u32 v7, v28  }
0x25e: {  	v26 =	vmul.f32 $5.000000000e-01, v26;
	v27 =	vadd.f32 v27, v25  }
0x25f: {  	[tilespmem:v48+s15+$0x0] =	vst.idx.msk $0xffff, v24  }
0x260: {  	[tilespmem:v49+s15+$0x0] =	vst.idx.msk $0xffff, v26;
	v52 =	vmul.f32 $5.000000000e-01, v27  }
0x261: {  	[tilespmem:v50+s15+$0x0] =	vst.idx.msk $0xffff, v25  }
0x262: {  	[tilespmem:v51+s15+$0x0] =	vst.idx.msk $0xffff, v52  }
0x263: {  	v24 =	vld [tilespmem:s23+$0x0]  }
0x264: {  	v25 =	vld [tilespmem:s28+$0x1C30]  }
0x265: {  	v26 =	vld [tilespmem:s23+$0x1]  }
0x266: {  	v53 =	vld [tilespmem:s28+$0x1C31];
	_ =	sdelay $0x4  }
0x267: {  	v54 =	vor.u32 v8, v63;
	v25 =	vadd.f32 v25, v24;
	v27 =	vadd.f32 v53, v26  }
0x268: {  	v55 =	vor.u32 v8, v28;
	v29 =	vor.u32 v11, v63  }
0x269: {  	v26 =	vadd.f32 v26, v24;
	v25 =	vmul.f32 $5.000000000e-01, v25;
	v27 =	vmul.f32 $5.000000000e-01, v27  }
0x26a: {  	v28 =	vor.u32 v11, v28  }
0x26b: {  	v26 =	vmul.f32 $5.000000000e-01, v26;
	v27 =	vadd.f32 v27, v25  }
0x26c: {  	[tilespmem:v54+s15+$0x0] =	vst.idx.msk $0xffff, v24  }
0x26d: {  	[tilespmem:v29+s15+$0x0] =	vst.idx.msk $0xffff, v26;
	v56 =	vmul.f32 $5.000000000e-01, v27  }
0x26e: {  	[tilespmem:v55+s15+$0x0] =	vst.idx.msk $0xffff, v25  }
0x26f: {  	[tilespmem:v28+s15+$0x0] =	vst.idx.msk $0xffff, v56  }
0x270: {  	v24 =	vld [tilespmem:s23+$0x10]  }
0x271: {  	v25 =	vld [tilespmem:s28+$0x1C40]  }
0x272: {  	v26 =	vld [tilespmem:s23+$0x11]  }
0x273: {  	v57 =	vld [tilespmem:s28+$0x1C41];
	_ =	sdelay $0x1  }
0x274: {  	v58 =	vadd.s32 $0xC00, v19  }
0x275: {  	v59 =	vor.u32 v21, v58  }
0x276: {  	v60 =	vor.u32 v0, v59  }
0x277: {  	v28 =	vor.u32 v20, v58;
	v25 =	vadd.f32 v25, v24;
	v27 =	vadd.f32 v57, v26  }
0x278: {  	v61 =	vor.u32 v3, v59;
	v62 =	vor.u32 v0, v28  }
0x279: {  	v26 =	vadd.f32 v26, v24;
	v25 =	vmul.f32 $5.000000000e-01, v25;
	v27 =	vmul.f32 $5.000000000e-01, v27  }
0x27a: {  	v63 =	vor.u32 v3, v28  }
0x27b: {  	v26 =	vmul.f32 $5.000000000e-01, v26;
	v27 =	vadd.f32 v27, v25  }
0x27c: {  	[tilespmem:v60+s15+$0x0] =	vst.idx.msk $0xffff, v24  }
0x27d: {  	[tilespmem:v61+s15+$0x0] =	vst.idx.msk $0xffff, v26;
	v34 =	vmul.f32 $5.000000000e-01, v27  }
0x27e: {  	[tilespmem:v62+s15+$0x0] =	vst.idx.msk $0xffff, v25  }
0x27f: {  	[tilespmem:v63+s15+$0x0] =	vst.idx.msk $0xffff, v34  }
0x280: {  	v24 =	vld [tilespmem:s23+$0x20]  }
0x281: {  	v25 =	vld [tilespmem:s28+$0x1C50]  }
0x282: {  	v26 =	vld [tilespmem:s23+$0x21]  }
0x283: {  	v35 =	vld [tilespmem:s28+$0x1C51];
	_ =	sdelay $0x4  }
0x284: {  	v36 =	vor.u32 v4, v59;
	v25 =	vadd.f32 v25, v24;
	v27 =	vadd.f32 v35, v26  }
0x285: {  	v37 =	vor.u32 v5, v59;
	v38 =	vor.u32 v4, v28  }
0x286: {  	v26 =	vadd.f32 v26, v24;
	v25 =	vmul.f32 $5.000000000e-01, v25;
	v27 =	vmul.f32 $5.000000000e-01, v27  }
0x287: {  	v39 =	vor.u32 v5, v28  }
0x288: {  	v26 =	vmul.f32 $5.000000000e-01, v26;
	v27 =	vadd.f32 v27, v25  }
0x289: {  	[tilespmem:v36+s15+$0x0] =	vst.idx.msk $0xffff, v24  }
0x28a: {  	[tilespmem:v37+s15+$0x0] =	vst.idx.msk $0xffff, v26;
	v40 =	vmul.f32 $5.000000000e-01, v27  }
0x28b: {  	[tilespmem:v38+s15+$0x0] =	vst.idx.msk $0xffff, v25  }
0x28c: {  	[tilespmem:v39+s15+$0x0] =	vst.idx.msk $0xffff, v40  }
0x28d: {  	v24 =	vld [tilespmem:s23+$0x30]  }
0x28e: {  	v25 =	vld [tilespmem:s28+$0x1C60]  }
0x28f: {  	v26 =	vld [tilespmem:s23+$0x31]  }
0x290: {  	v41 =	vld [tilespmem:s28+$0x1C61];
	_ =	sdelay $0x4  }
0x291: {  	v42 =	vor.u32 v6, v59;
	v25 =	vadd.f32 v25, v24;
	v27 =	vadd.f32 v41, v26  }
0x292: {  	v43 =	vor.u32 v7, v59;
	v44 =	vor.u32 v6, v28  }
0x293: {  	v26 =	vadd.f32 v26, v24;
	v25 =	vmul.f32 $5.000000000e-01, v25;
	v27 =	vmul.f32 $5.000000000e-01, v27  }
0x294: {  	v45 =	vor.u32 v7, v28  }
0x295: {  	v26 =	vmul.f32 $5.000000000e-01, v26;
	v27 =	vadd.f32 v27, v25  }
0x296: {  	[tilespmem:v42+s15+$0x0] =	vst.idx.msk $0xffff, v24  }
0x297: {  	v47 =	vor.u32 v16, v22;
	[tilespmem:v43+s15+$0x0] =	vst.idx.msk $0xffff, v26;
	v46 =	vmul.f32 $5.000000000e-01, v27  }
0x298: {  	v48 =	vadd.s32 v16, v23;
	[tilespmem:v44+s15+$0x0] =	vst.idx.msk $0xffff, v25  }
0x299: {  	[tilespmem:v45+s15+$0x0] =	vst.idx.msk $0xffff, v46  }
0x29a: {  	v24 =	vld [tilespmem:s23+$0x40]  }
0x29b: {  	v49 =	vld [tilespmem:s28+$0x1C70]  }
0x29c: {  	v26 =	vld.idx.msk [tilespmem:v47+s11+$0x0], $0xffff  }
0x29d: {  	v25 =	vld.idx.msk [tilespmem:v48+s11+$0x0], $0xffff;
	_ =	sdelay $0x4  }
0x29e: {  	v50 =	vor.u32 v8, v59;
	v27 =	vadd.f32 v49, v24;
	v25 =	vadd.f32 v25, v26  }
0x29f: {  	v29 =	vor.u32 v11, v59;
	v51 =	vor.u32 v8, v28  }
0x2a0: {  	v26 =	vadd.f32 v26, v24;
	v27 =	vmul.f32 $5.000000000e-01, v27;
	v25 =	vmul.f32 $5.000000000e-01, v25  }
0x2a1: {  	v28 =	vor.u32 v11, v28  }
0x2a2: {  	v26 =	vmul.f32 $5.000000000e-01, v26;
	v25 =	vadd.f32 v25, v27  }
0x2a3: {  	[tilespmem:v50+s15+$0x0] =	vst.idx.msk $0xffff, v24  }
0x2a4: {  	[tilespmem:v29+s15+$0x0] =	vst.idx.msk $0xffff, v26;
	v52 =	vmul.f32 $5.000000000e-01, v25  }
0x2a5: {  	[tilespmem:v51+s15+$0x0] =	vst.idx.msk $0xffff, v27  }
0x2a6: {  	[tilespmem:v28+s15+$0x0] =	vst.idx.msk $0xffff, v52  }
0x2a7: {  	v24 =	vld [tilespmem:s23+$0x3D0]  }
0x2a8: {  	v53 =	vld [tilespmem:s28+$0x2000]  }
0x2a9: {  	v26 =	vld [tilespmem:s23+$0x3D1]  }
0x2aa: {  	v27 =	vld [tilespmem:s28+$0x2001];
	_ =	sdelay $0x1  }
0x2ab: {  	v54 =	vadd.s32 $0x1000, v19  }
0x2ac: {  	v55 =	vor.u32 v21, v54  }
0x2ad: {  	v56 =	vor.u32 v0, v55  }
0x2ae: {  	v28 =	vor.u32 v20, v54;
	v25 =	vadd.f32 v53, v24;
	v27 =	vadd.f32 v27, v26  }
0x2af: {  	v57 =	vor.u32 v3, v55;
	v58 =	vor.u32 v0, v28  }
0x2b0: {  	v26 =	vadd.f32 v26, v24;
	v25 =	vmul.f32 $5.000000000e-01, v25;
	v27 =	vmul.f32 $5.000000000e-01, v27  }
0x2b1: {  	v59 =	vor.u32 v3, v28  }
0x2b2: {  	v26 =	vmul.f32 $5.000000000e-01, v26;
	v27 =	vadd.f32 v27, v25  }
0x2b3: {  	[tilespmem:v56+s15+$0x0] =	vst.idx.msk $0xffff, v24  }
0x2b4: {  	[tilespmem:v57+s15+$0x0] =	vst.idx.msk $0xffff, v26;
	v60 =	vmul.f32 $5.000000000e-01, v27  }
0x2b5: {  	[tilespmem:v58+s15+$0x0] =	vst.idx.msk $0xffff, v25  }
0x2b6: {  	[tilespmem:v59+s15+$0x0] =	vst.idx.msk $0xffff, v60  }
0x2b7: {  	v24 =	vld [tilespmem:s23+$0x3E0]  }
0x2b8: {  	v25 =	vld [tilespmem:s28+$0x2010]  }
0x2b9: {  	v26 =	vld [tilespmem:s23+$0x3E1]  }
0x2ba: {  	v61 =	vld [tilespmem:s28+$0x2011];
	_ =	sdelay $0x4  }
0x2bb: {  	v62 =	vor.u32 v4, v55;
	v25 =	vadd.f32 v25, v24;
	v27 =	vadd.f32 v61, v26  }
0x2bc: {  	v63 =	vor.u32 v5, v55;
	v36 =	vor.u32 v4, v28  }
0x2bd: {  	v26 =	vadd.f32 v26, v24;
	v25 =	vmul.f32 $5.000000000e-01, v25;
	v27 =	vmul.f32 $5.000000000e-01, v27  }
0x2be: {  	v37 =	vor.u32 v5, v28  }
0x2bf: {  	v26 =	vmul.f32 $5.000000000e-01, v26;
	v27 =	vadd.f32 v27, v25  }
0x2c0: {  	[tilespmem:v62+s15+$0x0] =	vst.idx.msk $0xffff, v24  }
0x2c1: {  	[tilespmem:v63+s15+$0x0] =	vst.idx.msk $0xffff, v26;
	v38 =	vmul.f32 $5.000000000e-01, v27  }
0x2c2: {  	[tilespmem:v36+s15+$0x0] =	vst.idx.msk $0xffff, v25  }
0x2c3: {  	[tilespmem:v37+s15+$0x0] =	vst.idx.msk $0xffff, v38  }
0x2c4: {  	v24 =	vld [tilespmem:s23+$0x3F0]  }
0x2c5: {  	v25 =	vld [tilespmem:s28+$0x2020]  }
0x2c6: {  	v26 =	vld [tilespmem:s23+$0x3F1]  }
0x2c7: {  	v39 =	vld [tilespmem:s28+$0x2021];
	_ =	sdelay $0x4  }
0x2c8: {  	v40 =	vor.u32 v6, v55;
	v25 =	vadd.f32 v25, v24;
	v27 =	vadd.f32 v39, v26  }
0x2c9: {  	v41 =	vor.u32 v7, v55;
	v42 =	vor.u32 v6, v28  }
0x2ca: {  	v26 =	vadd.f32 v26, v24;
	v25 =	vmul.f32 $5.000000000e-01, v25;
	v27 =	vmul.f32 $5.000000000e-01, v27  }
0x2cb: {  	v43 =	vor.u32 v7, v28  }
0x2cc: {  	v26 =	vmul.f32 $5.000000000e-01, v26;
	v27 =	vadd.f32 v27, v25  }
0x2cd: {  	[tilespmem:v40+s15+$0x0] =	vst.idx.msk $0xffff, v24  }
0x2ce: {  	[tilespmem:v41+s15+$0x0] =	vst.idx.msk $0xffff, v26;
	v44 =	vmul.f32 $5.000000000e-01, v27  }
0x2cf: {  	[tilespmem:v42+s15+$0x0] =	vst.idx.msk $0xffff, v25  }
0x2d0: {  	[tilespmem:v43+s15+$0x0] =	vst.idx.msk $0xffff, v44  }
0x2d1: {  	v24 =	vld [tilespmem:s23+$0x400]  }
0x2d2: {  	v25 =	vld [tilespmem:s28+$0x2030]  }
0x2d3: {  	v26 =	vld [tilespmem:s23+$0x401]  }
0x2d4: {  	v45 =	vld [tilespmem:s28+$0x2031];
	_ =	sdelay $0x4  }
0x2d5: {  	v46 =	vor.u32 v8, v55;
	v25 =	vadd.f32 v25, v24;
	v27 =	vadd.f32 v45, v26  }
0x2d6: {  	v29 =	vor.u32 v11, v55;
	v47 =	vor.u32 v8, v28  }
0x2d7: {  	v26 =	vadd.f32 v26, v24;
	v25 =	vmul.f32 $5.000000000e-01, v25;
	v27 =	vmul.f32 $5.000000000e-01, v27  }
0x2d8: {  	v28 =	vor.u32 v11, v28  }
0x2d9: {  	v26 =	vmul.f32 $5.000000000e-01, v26;
	v27 =	vadd.f32 v27, v25  }
0x2da: {  	[tilespmem:v46+s15+$0x0] =	vst.idx.msk $0xffff, v24  }
0x2db: {  	[tilespmem:v29+s15+$0x0] =	vst.idx.msk $0xffff, v26;
	v48 =	vmul.f32 $5.000000000e-01, v27  }
0x2dc: {  	[tilespmem:v47+s15+$0x0] =	vst.idx.msk $0xffff, v25  }
0x2dd: {  	[tilespmem:v28+s15+$0x0] =	vst.idx.msk $0xffff, v48  }
0x2de: {  	v24 =	vld [tilespmem:s23+$0x410]  }
0x2df: {  	v25 =	vld [tilespmem:s28+$0x2040]  }
0x2e0: {  	v26 =	vld [tilespmem:s23+$0x411]  }
0x2e1: {  	v49 =	vld [tilespmem:s28+$0x2041];
	_ =	sdelay $0x2  }
0x2e2: {  	v19 =	vadd.s32 $0x1400, v19  }
0x2e3: {  	v21 =	vor.u32 v21, v19;
	v19 =	vor.u32 v20, v19  }
0x2e4: {  	v50 =	vor.u32 v0, v21;
	v25 =	vadd.f32 v25, v24;
	v27 =	vadd.f32 v49, v26  }
0x2e5: {  	v51 =	vor.u32 v3, v21;
	v53 =	vor.u32 v0, v19  }
0x2e6: {  	v26 =	vadd.f32 v26, v24;
	v20 =	vmul.f32 $5.000000000e-01, v25;
	v52 =	vmul.f32 $5.000000000e-01, v27  }
0x2e7: {  	v54 =	vor.u32 v3, v19  }
0x2e8: {  	v26 =	vmul.f32 $5.000000000e-01, v26;
	v25 =	vadd.f32 v52, v20  }
0x2e9: {  	[tilespmem:v50+s15+$0x0] =	vst.idx.msk $0xffff, v24  }
0x2ea: {  	[tilespmem:v51+s15+$0x0] =	vst.idx.msk $0xffff, v26;
	v55 =	vmul.f32 $5.000000000e-01, v25  }
0x2eb: {  	[tilespmem:v53+s15+$0x0] =	vst.idx.msk $0xffff, v20  }
0x2ec: {  	[tilespmem:v54+s15+$0x0] =	vst.idx.msk $0xffff, v55  }
0x2ed: {  	v20 =	vld [tilespmem:s23+$0x420]  }
0x2ee: {  	v24 =	vld [tilespmem:s28+$0x2050]  }
0x2ef: {  	v56 =	vld [tilespmem:s23+$0x421]  }
0x2f0: {  	v26 =	vld [tilespmem:s28+$0x2051];
	_ =	sdelay $0x4  }
0x2f1: {  	v57 =	vor.u32 v4, v21;
	v24 =	vadd.f32 v24, v20;
	v26 =	vadd.f32 v26, v56  }
0x2f2: {  	v58 =	vor.u32 v5, v21;
	v59 =	vor.u32 v4, v19  }
0x2f3: {  	v25 =	vadd.f32 v56, v20;
	v24 =	vmul.f32 $5.000000000e-01, v24;
	v26 =	vmul.f32 $5.000000000e-01, v26  }
0x2f4: {  	v23 =	vadd.s32 $0x800, v23;
	v60 =	vor.u32 v5, v19  }
0x2f5: {  	v61 =	vor.u32 v1, v22;
	v25 =	vmul.f32 $5.000000000e-01, v25;
	v26 =	vadd.f32 v26, v24  }
0x2f6: {  	[tilespmem:v57+s15+$0x0] =	vst.idx.msk $0xffff, v20;
	v20 =	vor.u32 v13, v23  }
0x2f7: {  	v22 =	vor.u32 v17, v22;
	[tilespmem:v58+s15+$0x0] =	vst.idx.msk $0xffff, v25;
	v26 =	vmul.f32 $5.000000000e-01, v26  }
0x2f8: {  	v23 =	vor.u32 v14, v23;
	[tilespmem:v59+s15+$0x0] =	vst.idx.msk $0xffff, v24  }
0x2f9: {  	[tilespmem:v60+s15+$0x0] =	vst.idx.msk $0xffff, v26  }
0x2fa: {  	v24 =	vld.idx.msk [tilespmem:v61+s11+$0x0], $0xffff  }
0x2fb: {  	v20 =	vld.idx.msk [tilespmem:v20+s11+$0x0], $0xffff  }
0x2fc: {  	v22 =	vld.idx.msk [tilespmem:v22+s11+$0x0], $0xffff  }
0x2fd: {  	v23 =	vld.idx.msk [tilespmem:v23+s11+$0x0], $0xffff;
	_ =	sdelay $0x4  }
0x2fe: {  	v62 =	vor.u32 v15, v21;
	v20 =	vadd.f32 v20, v24;
	v23 =	vadd.f32 v23, v22  }
0x2ff: {  	v21 =	vor.u32 v18, v21;
	v63 =	vor.u32 v15, v19  }
0x300: {  	v22 =	vadd.f32 v22, v24;
	v20 =	vmul.f32 $5.000000000e-01, v20;
	v23 =	vmul.f32 $5.000000000e-01, v23  }
0x301: {  	p0 =	sne.s32 s25, $0x7;
	v19 =	vor.u32 v18, v19  }
.Ltmp3:
0x302: {  	v22 =	vmul.f32 $5.000000000e-01, v22;
	v23 =	vadd.f32 v23, v20;
	(pc) =	sbr.rel @p0 .LBB2_5-.Ltmp3, $4  }
0x303: {  	[tilespmem:v62+s15+$0x0] =	vst.idx.msk $0x1ff, v24  }
0x304: {  	[tilespmem:v21+s15+$0x0] =	vst.idx.msk $0xff, v22;
	v23 =	vmul.f32 $5.000000000e-01, v23  }
0x305: {  	s22 =	sadd.s32 $0x80, s22;
	[tilespmem:v63+s15+$0x0] =	vst.idx.msk $0x1ff, v20  }
0x306: {  	s24 =	sadd.s32 $0x2, s24;
	s25 =	smov.u32 s26;
	s23 =	sadd.s32 $0x80, s23;
	[tilespmem:v19+s15+$0x0] =	vst.idx.msk $0xff, v23  }
0x307: {  	p0 =	seq.s32 s19, $0x2C  }
.Ltmp4:
0x308: {  	_ = 	snop;
	(pc) =	sbr.rel @p0 .LBB2_8-.Ltmp4, $4  }
0x309: {  	s21 =	sadd.s32 s9, s21  }
0x30a: {  	s21 =	sshrl.u32 s21, $0x3  }
0x30b: {  	s21 =	sadd.s32 s3, s21  }
0x30c: {  	[hbm4b:s21+s4] =	stream.linear.scatter [tilespmem:s15], [sflag:$0x4], $0x3000, $0x38;
	[tilespmem:$0x9000] =	vst v63  }
0x30d: {  	s20 =	sadd.s32 $0x3, s20  }
0x30e: {  	s21 =	smulhi.u32 $0xB60B60B7, s20;
	_ =	sdelay $0x1  }
0x30f: {  	s21 =	sshrl.u32 s21, $0x6  }
0x310: {  	s21 =	smul.u32 $0x5A, s21;
	_ =	sdelay $0x1  }
0x311: {  	s20 =	ssub.s32 s20, s21  }
0x312: {  	s20 =	smul.u32 $0xC00, s20  }
.Ltmp5:
0x313: {  	_ = 	snop;
	(pc) =	sbr.rel .LBB2_2-.Ltmp5, $4  }
0x314: {  	s20 =	sadd.s32 s5, s20  }
0x315: {  	s20 =	sshrl.u32 s20, $0x3  }
0x316: {  	s19 =	sadd.s32 $0x1, s19;
	s20 =	sadd.s32 s1, s20  }
0x317: {  	[tilespmem:s11], [sflag:$0x2] =	stream.linear.gather [hbm4b:s20+s4], $0xC00, $0x38;
	[tilespmem:$0x9000] =	vst v63  }
.LBB2_9:
0x318: {  	_ =	sfence.sel $0x180000  }
0x319: {  	[bflag:$0x0] =	sbarrier.arrive $0xFFFF  }
0x31a: {  	p0 =	sne.s32 s0, $0x0;
	_ =	strace $0x90000047  }
0x31b: {  	s0 =	sadd.s32 @!p0 $0x100000, s2;
	[bflag:$0x2] =	sbarrier.arrive $0xFFFF  }
0x31c: {  	[sflag:s0] =	ssyncadd.tile.s32 @!p0 $0x1;
	_ =	shalt  }
.Lfunc_end2:
_tile_overlayer_lowered:
.L_overlay_start_2:
0x31d: {  	(tag) =	ssettag $0x2  }
0x31e: {  	s0 =	rddreg [dreg:$0x0];
	s2 =	stileid.u32  }
0x31f: {  	s1 =	rddreg [dreg:$0x1];
	p0 =	sne.s32 s2, $0x0  }
0x320: {  	s3 =	rddreg [dreg:$0x2];
	[bflag:$0x3] =	sbarrier.arrive $0xFFFF;
	s2 =	simm.s32 @!p0 $0x1C05  }
0x321: {  	[timem:s3], [sflag:s2] =	dma.local @!p0 [hbm:s0], s1  }
0x322: {  	s0 =	simm.s32 @!p0 $0x5  }
0x323: {  	_ =	swait.ge @!p0 [sflag:s0], s1  }
0x324: {  	s1 =	ssub.s32 @!p0 $0x0, s1;
	[sflag:s0] =	ssyncset.done @!p0 $0x0  }
0x325: {  	[sflag:s0] =	ssyncadd.s32 @!p0 s1  }
0x326: {  	[bflag:$0x3] =	sbarrier.arrive $0xFFFF  }
0x327: {  	_ =	shalt  }

</sc_bundles>
